<compile_context>
chip_gen: v7x
topology: tpu7x:2x2x1
jax: 0.10.2.dev20260603
libtpu: 0.0.44.dev20260713+nightly
codegen_flags: <defaults>
</compile_context>

<pallas_src>
import functools
import math

import jax
import jax.numpy as jnp
from jax import lax
from jax.experimental import pallas as pl
from jax.experimental.pallas import tpu as pltpu
from jax.experimental.pallas import tpu_sc as plsc

_LANES = 16
_CHUNK = 128
_NBUF = 4
_ROWS_PER_IT = 4


@functools.lru_cache(maxsize=None)
def _build(vocab: int, dim: int, batch: int, hist: int):
    info = plsc.get_sparse_core_info()
    nc, ns = info.num_cores, info.num_subcores
    nw = nc * ns
    scale = math.sqrt(dim)
    per_b = batch // nw
    jn = per_b // _CHUNK
    assert jn == _NBUF and dim % _LANES == 0

    mesh = plsc.VectorSubcoreMesh(core_axis_name="c", subcore_axis_name="s")

    @functools.partial(
        pl.kernel,
        mesh=mesh,
        out_type=jax.ShapeDtypeStruct((hist, batch, dim), jnp.float32),
        scratch_types=[
            pltpu.VMEM((hist, per_b), jnp.int32),
            pltpu.VMEM((_NBUF, _CHUNK, dim), jnp.float32),
            pltpu.VMEM((_NBUF, _CHUNK, dim), jnp.float32),
            pltpu.SemaphoreType.DMA,
            pltpu.SemaphoreType.DMA((_NBUF,)),
            pltpu.SemaphoreType.DMA((_NBUF,)),
        ],
        compiler_params=pltpu.CompilerParams(use_tc_tiling_on_sc=False),
    )
    def emb_kernel(table_hbm, idx_hbm, out_hbm, idx_all, bin_v, bout_v,
                   sem_idx, sem_in, sem_out):
        wid = lax.axis_index("s") * nc + lax.axis_index("c")
        wb0 = wid * per_b

        def fire(h, c):
            pltpu.async_copy(idx_hbm.at[pl.ds(h * batch + wb0, per_b)],
                             idx_all.at[h], sem_idx)
            return c

        lax.fori_loop(0, hist, fire, 0)

        def drain(h, c):
            pltpu.make_async_copy(idx_hbm.at[pl.ds(0, per_b)],
                                  idx_all.at[0], sem_idx).wait()
            return c

        lax.fori_loop(0, hist, drain, 0)

        def start_gather(h, j, b):
            pltpu.async_copy(
                table_hbm.at[idx_all.at[h, pl.ds(j * _CHUNK, _CHUNK)]],
                bin_v.at[b], sem_in.at[b])

        def wait_gather(b):
            pltpu.make_async_copy(
                table_hbm.at[idx_all.at[0, pl.ds(0, _CHUNK)]], bin_v.at[b],
                sem_in.at[b]).wait()

        def start_wb(h, j, b):
            pltpu.async_copy(
                bout_v.at[b],
                out_hbm.at[h, pl.ds(wb0 + j * _CHUNK, _CHUNK)],
                sem_out.at[b])

        def wait_wb(b):
            pltpu.make_async_copy(bout_v.at[b],
                                  out_hbm.at[0, pl.ds(0, _CHUNK)],
                                  sem_out.at[b]).wait()

        def compute(b):
            def sbody(i, c):
                for dr in range(_ROWS_PER_IT):
                    r = i * _ROWS_PER_IT + dr
                    for c4 in range(dim // _LANES):
                        sl = pl.ds(c4 * _LANES, _LANES)
                        bout_v[b, r, sl] = bin_v[b, r, sl] * scale
                return c

            lax.fori_loop(0, _CHUNK // _ROWS_PER_IT, sbody, 0)

        for b in range(_NBUF):
            start_gather(0, b, b)

        def mbody(h, c):
            for b in range(_NBUF):
                wait_gather(b)

                @pl.when(h >= 1)
                def _():
                    wait_wb(b)

                compute(b)

                @pl.when(h + 1 < hist)
                def _():
                    start_gather(h + 1, b, b)

                start_wb(h, b, b)
            return c

        lax.fori_loop(0, hist, mbody, 0)
        for b in range(_NBUF):
            wait_wb(b)

    return emb_kernel


def kernel(persona, table):
    batch, hist = persona.shape
    vocab, dim = table.shape
    idx_flat = jnp.ravel(persona.T).astype(jnp.int32)
    out3 = _build(vocab, dim, batch, hist)(table, idx_flat)
    return jnp.transpose(out3, (1, 0, 2))

# --- scband reference (transcript-rebuilt; emitter-appended) ---
"""Pipeline reference for scband-persona-emb-56040733278553 (READ-ONLY COPY).

The authoritative reference and input builder live on the scoring server;
editing this copy changes nothing except your own understanding.
"""

import jax, jax.numpy as jnp
import numpy as np
import math

VOCAB = 1000000
EMB_DIM = 64
BATCH = 16384
HIST = 50

def setup_inputs(seed: int = 0) -> dict:
    key = jax.random.key(seed)
    k1, k2 = jax.random.split(key)
    persona = jax.random.randint(k1, (BATCH, HIST), 0, VOCAB, dtype=jnp.int64 if jax.config.jax_enable_x64 else jnp.int32)
    table = jax.random.normal(k2, (VOCAB, EMB_DIM), dtype=jnp.float32) * 0.02
    # emulate pad_idx=0 zero row as in nn.Embedding(padding_idx=0)
    table = table.at[0].set(0.0)
    return {"persona": persona, "table": table}

def reference(persona, table):
    emb = jnp.take(table, persona, axis=0) * math.sqrt(EMB_DIM)
    return emb

if __name__ == "__main__":
    import jax
    _d = setup_inputs()
    print(jax.jit(kernel)(*tuple(_d.values())))

</pallas_src>

<mosaic_0001>
#map = affine_map<(d0, d1) -> (0, 0)>
#map1 = affine_map<(d0, d1) -> (0)>
#map2 = affine_map<(d0, d1) -> (0, 0, 0)>
module attributes {stable_mosaic.version = 14 : i64} {
  func.func @emb_kernel(%arg0: i32, %arg1: i32, %arg2: memref<1000000x64xf32, #tpu.memory_space<hbm>>, %arg3: memref<819200xi32, #tpu.memory_space<hbm>>, %arg4: memref<50x16384x64xf32, #tpu.memory_space<hbm>>, %arg5: memref<50x512xi32, #tpu.memory_space<vmem>>, %arg6: memref<4x128x64xf32, #tpu.memory_space<vmem>>, %arg7: memref<4x128x64xf32, #tpu.memory_space<vmem>>, %arg8: memref<!tpu.dma_semaphore, #tpu.memory_space<semaphore_mem>>, %arg9: memref<4x!tpu.dma_semaphore, #tpu.memory_space<semaphore_mem>>, %arg10: memref<4x!tpu.dma_semaphore, #tpu.memory_space<semaphore_mem>>) attributes {dimension_semantics = [#tpu.dimension_semantics<core_parallel>, #tpu.dimension_semantics<subcore_parallel>], iteration_bounds = array<i64: 2, 16>, scalar_prefetch = 0 : i64, scratch_operands = 6 : i64, tpu.core_type = #tpu.core_type<sc_vector_subcore>, window_params = [{transform_indices = #map}, {transform_indices = #map1}, {transform_indices = #map2}]} {
    %mul3A = arith.constant 2 : i32
    %mul3A_0 = arith.muli %arg1, %mul3A : i32
    %add3A = arith.addi %mul3A_0, %arg0 : i32
    %mul3A_1 = arith.constant 512 : i32
    %mul3A_2 = arith.muli %add3A, %mul3A_1 : i32
    %scan3A = arith.constant 0 : i32
    %scan3A_3 = arith.constant 0 : i32
    %scan3A_4 = arith.constant 50 : i32
    %scan3A_5 = arith.addi %scan3A_3, %scan3A_4 : i32
    %scan3A_6 = arith.constant 1 : i32
    scf.for %scan3A_162 = %scan3A_3 to %scan3A_5 step %scan3A_6  : i32 {
      %mul3A_163 = arith.constant 16384 : i32
      %mul3A_164 = arith.muli %scan3A_162, %mul3A_163 : i32
      %add3A_165 = arith.addi %mul3A_164, %mul3A_2 : i32
      %dma_start3A_166 = arith.constant 0 : i32
      %dma_start3A_167 = tpu.memref_slice %arg5[%scan3A_162, %dma_start3A_166] : memref<50x512xi32, #tpu.memory_space<vmem>> -> memref<1x512xi32, #tpu.memory_space<vmem>>
      %dma_start3A_168 = tpu.memref_squeeze %dma_start3A_167 : memref<1x512xi32, #tpu.memory_space<vmem>> -> memref<512xi32, #tpu.memory_space<vmem>>
      %dma_start3A_169 = tpu.memref_slice %arg3[%add3A_165] : memref<819200xi32, #tpu.memory_space<hbm>> -> memref<512xi32, #tpu.memory_space<hbm>>
      %dma_start3A_170 = arith.constant 0 : i32
      %dma_start3A_171 = tpu.memref_slice %arg5[%scan3A_162, %dma_start3A_170] : memref<50x512xi32, #tpu.memory_space<vmem>> -> memref<1x512xi32, #tpu.memory_space<vmem>>
      %dma_start3A_172 = tpu.memref_squeeze %dma_start3A_171 : memref<1x512xi32, #tpu.memory_space<vmem>> -> memref<512xi32, #tpu.memory_space<vmem>>
      %dma_start3A_173 = tpu.memref_slice %arg3[%add3A_165] : memref<819200xi32, #tpu.memory_space<hbm>> -> memref<512xi32, #tpu.memory_space<hbm>>
      tpu.enqueue_dma source(%dma_start3A_173 : memref<512xi32, #tpu.memory_space<hbm>>) target(%dma_start3A_172 : memref<512xi32, #tpu.memory_space<vmem>>) target_semaphore(%arg8 : memref<!tpu.dma_semaphore, #tpu.memory_space<semaphore_mem>>)
    }
    %scan3A_7 = arith.constant 50 : i32
    %scan3A_8 = arith.constant 0 : i32
    %scan3A_9 = arith.constant 0 : i32
    %scan3A_10 = arith.constant 50 : i32
    %scan3A_11 = arith.addi %scan3A_9, %scan3A_10 : i32
    %scan3A_12 = arith.constant 1 : i32
    scf.for %scan3A_162 = %scan3A_9 to %scan3A_11 step %scan3A_12  : i32 {
      %dma_wait3A_163 = arith.constant 0 : i32
      %dma_wait3A_164 = arith.constant 0 : i32
      %dma_wait3A_165 = tpu.memref_slice %arg5[%dma_wait3A_163, %dma_wait3A_164] : memref<50x512xi32, #tpu.memory_space<vmem>> -> memref<1x512xi32, #tpu.memory_space<vmem>>
      %dma_wait3A_166 = tpu.memref_squeeze %dma_wait3A_165 : memref<1x512xi32, #tpu.memory_space<vmem>> -> memref<512xi32, #tpu.memory_space<vmem>>
      %dma_wait3A_167 = arith.constant 0 : i32
      %dma_wait3A_168 = tpu.memref_slice %arg3[%dma_wait3A_167] : memref<819200xi32, #tpu.memory_space<hbm>> -> memref<512xi32, #tpu.memory_space<hbm>>
      %dma_wait3A_169 = arith.constant 0 : i32
      %dma_wait3A_170 = tpu.memref_slice %arg5[%dma_wait3A_163, %dma_wait3A_169] : memref<50x512xi32, #tpu.memory_space<vmem>> -> memref<1x512xi32, #tpu.memory_space<vmem>>
      %dma_wait3A_171 = tpu.memref_squeeze %dma_wait3A_170 : memref<1x512xi32, #tpu.memory_space<vmem>> -> memref<512xi32, #tpu.memory_space<vmem>>
      %dma_wait3A_172 = arith.constant 0 : i32
      %dma_wait3A_173 = tpu.memref_slice %arg3[%dma_wait3A_172] : memref<819200xi32, #tpu.memory_space<hbm>> -> memref<512xi32, #tpu.memory_space<hbm>>
      tpu.wait_dma2 semaphore(%arg8 : memref<!tpu.dma_semaphore, #tpu.memory_space<semaphore_mem>>) src(%dma_wait3A_173 : memref<512xi32, #tpu.memory_space<hbm>>) dst(%dma_wait3A_171 : memref<512xi32, #tpu.memory_space<vmem>>)
    }
    %scan3A_13 = arith.constant 50 : i32
    %dma_start3A = arith.constant 0 : i32
    %dma_start3A_14 = arith.constant 0 : i32
    %dma_start3A_15 = arith.constant 0 : i32
    %dma_start3A_16 = arith.constant 0 : i32
    %dma_start3A_17 = arith.constant 0 : i32
    %dma_start3A_18 = tpu.memref_slice %arg6[%dma_start3A_14, %dma_start3A_16, %dma_start3A_17] : memref<4x128x64xf32, #tpu.memory_space<vmem>> -> memref<1x128x64xf32, #tpu.memory_space<vmem>>
    %dma_start3A_19 = tpu.memref_squeeze %dma_start3A_18 : memref<1x128x64xf32, #tpu.memory_space<vmem>> -> memref<128x64xf32, #tpu.memory_space<vmem>>
    %dma_start3A_20 = arith.constant 0 : i32
    %dma_start3A_21 = tpu.memref_slice %arg5[%dma_start3A, %dma_start3A_20] : memref<50x512xi32, #tpu.memory_space<vmem>> -> memref<1x128xi32, #tpu.memory_space<vmem>>
    %dma_start3A_22 = tpu.memref_squeeze %dma_start3A_21 : memref<1x128xi32, #tpu.memory_space<vmem>> -> memref<128xi32, #tpu.memory_space<vmem>>
    %dma_start3A_23 = arith.constant 0 : i32
    %dma_start3A_24 = arith.constant 0 : i32
    %dma_start3A_25 = tpu.memref_slice %arg2[%dma_start3A_23, %dma_start3A_24] : memref<1000000x64xf32, #tpu.memory_space<hbm>> -> memref<1000000x64xf32, #tpu.memory_space<hbm>>
    %dma_start3A_26 = tpu.memref_slice %arg9[%dma_start3A_15] : memref<4x!tpu.dma_semaphore, #tpu.memory_space<semaphore_mem>> -> memref<1x!tpu.dma_semaphore, #tpu.memory_space<semaphore_mem>>
    %dma_start3A_27 = tpu.memref_squeeze %dma_start3A_26 : memref<1x!tpu.dma_semaphore, #tpu.memory_space<semaphore_mem>> -> memref<!tpu.dma_semaphore, #tpu.memory_space<semaphore_mem>>
    tpu.enqueue_indirect_dma source(%dma_start3A_25 : memref<1000000x64xf32, #tpu.memory_space<hbm>>) target(%dma_start3A_19 : memref<128x64xf32, #tpu.memory_space<vmem>>) offsets(%dma_start3A_22 : memref<128xi32, #tpu.memory_space<vmem>>) semaphore(%dma_start3A_27 : memref<!tpu.dma_semaphore, #tpu.memory_space<semaphore_mem>>)
    %dma_start3A_28 = arith.constant 0 : i32
    %dma_start3A_29 = arith.constant 1 : i32
    %dma_start3A_30 = arith.constant 1 : i32
    %dma_start3A_31 = arith.constant 0 : i32
    %dma_start3A_32 = arith.constant 0 : i32
    %dma_start3A_33 = tpu.memref_slice %arg6[%dma_start3A_29, %dma_start3A_31, %dma_start3A_32] : memref<4x128x64xf32, #tpu.memory_space<vmem>> -> memref<1x128x64xf32, #tpu.memory_space<vmem>>
    %dma_start3A_34 = tpu.memref_squeeze %dma_start3A_33 : memref<1x128x64xf32, #tpu.memory_space<vmem>> -> memref<128x64xf32, #tpu.memory_space<vmem>>
    %dma_start3A_35 = arith.constant 128 : i32
    %dma_start3A_36 = tpu.memref_slice %arg5[%dma_start3A_28, %dma_start3A_35] : memref<50x512xi32, #tpu.memory_space<vmem>> -> memref<1x128xi32, #tpu.memory_space<vmem>>
    %dma_start3A_37 = tpu.memref_squeeze %dma_start3A_36 : memref<1x128xi32, #tpu.memory_space<vmem>> -> memref<128xi32, #tpu.memory_space<vmem>>
    %dma_start3A_38 = arith.constant 0 : i32
    %dma_start3A_39 = arith.constant 0 : i32
    %dma_start3A_40 = tpu.memref_slice %arg2[%dma_start3A_38, %dma_start3A_39] : memref<1000000x64xf32, #tpu.memory_space<hbm>> -> memref<1000000x64xf32, #tpu.memory_space<hbm>>
    %dma_start3A_41 = tpu.memref_slice %arg9[%dma_start3A_30] : memref<4x!tpu.dma_semaphore, #tpu.memory_space<semaphore_mem>> -> memref<1x!tpu.dma_semaphore, #tpu.memory_space<semaphore_mem>>
    %dma_start3A_42 = tpu.memref_squeeze %dma_start3A_41 : memref<1x!tpu.dma_semaphore, #tpu.memory_space<semaphore_mem>> -> memref<!tpu.dma_semaphore, #tpu.memory_space<semaphore_mem>>
    tpu.enqueue_indirect_dma source(%dma_start3A_40 : memref<1000000x64xf32, #tpu.memory_space<hbm>>) target(%dma_start3A_34 : memref<128x64xf32, #tpu.memory_space<vmem>>) offsets(%dma_start3A_37 : memref<128xi32, #tpu.memory_space<vmem>>) semaphore(%dma_start3A_42 : memref<!tpu.dma_semaphore, #tpu.memory_space<semaphore_mem>>)
    %dma_start3A_43 = arith.constant 0 : i32
    %dma_start3A_44 = arith.constant 2 : i32
    %dma_start3A_45 = arith.constant 2 : i32
    %dma_start3A_46 = arith.constant 0 : i32
    %dma_start3A_47 = arith.constant 0 : i32
    %dma_start3A_48 = tpu.memref_slice %arg6[%dma_start3A_44, %dma_start3A_46, %dma_start3A_47] : memref<4x128x64xf32, #tpu.memory_space<vmem>> -> memref<1x128x64xf32, #tpu.memory_space<vmem>>
    %dma_start3A_49 = tpu.memref_squeeze %dma_start3A_48 : memref<1x128x64xf32, #tpu.memory_space<vmem>> -> memref<128x64xf32, #tpu.memory_space<vmem>>
    %dma_start3A_50 = arith.constant 256 : i32
    %dma_start3A_51 = tpu.memref_slice %arg5[%dma_start3A_43, %dma_start3A_50] : memref<50x512xi32, #tpu.memory_space<vmem>> -> memref<1x128xi32, #tpu.memory_space<vmem>>
    %dma_start3A_52 = tpu.memref_squeeze %dma_start3A_51 : memref<1x128xi32, #tpu.memory_space<vmem>> -> memref<128xi32, #tpu.memory_space<vmem>>
    %dma_start3A_53 = arith.constant 0 : i32
    %dma_start3A_54 = arith.constant 0 : i32
    %dma_start3A_55 = tpu.memref_slice %arg2[%dma_start3A_53, %dma_start3A_54] : memref<1000000x64xf32, #tpu.memory_space<hbm>> -> memref<1000000x64xf32, #tpu.memory_space<hbm>>
    %dma_start3A_56 = tpu.memref_slice %arg9[%dma_start3A_45] : memref<4x!tpu.dma_semaphore, #tpu.memory_space<semaphore_mem>> -> memref<1x!tpu.dma_semaphore, #tpu.memory_space<semaphore_mem>>
    %dma_start3A_57 = tpu.memref_squeeze %dma_start3A_56 : memref<1x!tpu.dma_semaphore, #tpu.memory_space<semaphore_mem>> -> memref<!tpu.dma_semaphore, #tpu.memory_space<semaphore_mem>>
    tpu.enqueue_indirect_dma source(%dma_start3A_55 : memref<1000000x64xf32, #tpu.memory_space<hbm>>) target(%dma_start3A_49 : memref<128x64xf32, #tpu.memory_space<vmem>>) offsets(%dma_start3A_52 : memref<128xi32, #tpu.memory_space<vmem>>) semaphore(%dma_start3A_57 : memref<!tpu.dma_semaphore, #tpu.memory_space<semaphore_mem>>)
    %dma_start3A_58 = arith.constant 0 : i32
    %dma_start3A_59 = arith.constant 3 : i32
    %dma_start3A_60 = arith.constant 3 : i32
    %dma_start3A_61 = arith.constant 0 : i32
    %dma_start3A_62 = arith.constant 0 : i32
    %dma_start3A_63 = tpu.memref_slice %arg6[%dma_start3A_59, %dma_start3A_61, %dma_start3A_62] : memref<4x128x64xf32, #tpu.memory_space<vmem>> -> memref<1x128x64xf32, #tpu.memory_space<vmem>>
    %dma_start3A_64 = tpu.memref_squeeze %dma_start3A_63 : memref<1x128x64xf32, #tpu.memory_space<vmem>> -> memref<128x64xf32, #tpu.memory_space<vmem>>
    %dma_start3A_65 = arith.constant 384 : i32
    %dma_start3A_66 = tpu.memref_slice %arg5[%dma_start3A_58, %dma_start3A_65] : memref<50x512xi32, #tpu.memory_space<vmem>> -> memref<1x128xi32, #tpu.memory_space<vmem>>
    %dma_start3A_67 = tpu.memref_squeeze %dma_start3A_66 : memref<1x128xi32, #tpu.memory_space<vmem>> -> memref<128xi32, #tpu.memory_space<vmem>>
    %dma_start3A_68 = arith.constant 0 : i32
    %dma_start3A_69 = arith.constant 0 : i32
    %dma_start3A_70 = tpu.memref_slice %arg2[%dma_start3A_68, %dma_start3A_69] : memref<1000000x64xf32, #tpu.memory_space<hbm>> -> memref<1000000x64xf32, #tpu.memory_space<hbm>>
    %dma_start3A_71 = tpu.memref_slice %arg9[%dma_start3A_60] : memref<4x!tpu.dma_semaphore, #tpu.memory_space<semaphore_mem>> -> memref<1x!tpu.dma_semaphore, #tpu.memory_space<semaphore_mem>>
    %dma_start3A_72 = tpu.memref_squeeze %dma_start3A_71 : memref<1x!tpu.dma_semaphore, #tpu.memory_space<semaphore_mem>> -> memref<!tpu.dma_semaphore, #tpu.memory_space<semaphore_mem>>
    tpu.enqueue_indirect_dma source(%dma_start3A_70 : memref<1000000x64xf32, #tpu.memory_space<hbm>>) target(%dma_start3A_64 : memref<128x64xf32, #tpu.memory_space<vmem>>) offsets(%dma_start3A_67 : memref<128xi32, #tpu.memory_space<vmem>>) semaphore(%dma_start3A_72 : memref<!tpu.dma_semaphore, #tpu.memory_space<semaphore_mem>>)
    %scan3A_73 = arith.constant 0 : i32
    %scan3A_74 = arith.constant 0 : i32
    %scan3A_75 = arith.constant 50 : i32
    %scan3A_76 = arith.addi %scan3A_74, %scan3A_75 : i32
    %scan3A_77 = arith.constant 1 : i32
    scf.for %scan3A_162 = %scan3A_74 to %scan3A_76 step %scan3A_77  : i32 {
      %dma_wait3A_163 = arith.constant 0 : i32
      %dma_wait3A_164 = arith.constant 0 : i32
      %dma_wait3A_165 = arith.constant 0 : i32
      %dma_wait3A_166 = arith.constant 0 : i32
      %dma_wait3A_167 = arith.constant 0 : i32
      %dma_wait3A_168 = tpu.memref_slice %arg6[%dma_wait3A_164, %dma_wait3A_166, %dma_wait3A_167] : memref<4x128x64xf32, #tpu.memory_space<vmem>> -> memref<1x128x64xf32, #tpu.memory_space<vmem>>
      %dma_wait3A_169 = tpu.memref_squeeze %dma_wait3A_168 : memref<1x128x64xf32, #tpu.memory_space<vmem>> -> memref<128x64xf32, #tpu.memory_space<vmem>>
      %dma_wait3A_170 = arith.constant 0 : i32
      %dma_wait3A_171 = tpu.memref_slice %arg5[%dma_wait3A_163, %dma_wait3A_170] : memref<50x512xi32, #tpu.memory_space<vmem>> -> memref<1x128xi32, #tpu.memory_space<vmem>>
      %dma_wait3A_172 = tpu.memref_squeeze %dma_wait3A_171 : memref<1x128xi32, #tpu.memory_space<vmem>> -> memref<128xi32, #tpu.memory_space<vmem>>
      %dma_wait3A_173 = arith.constant 0 : i32
      %dma_wait3A_174 = arith.constant 0 : i32
      %dma_wait3A_175 = tpu.memref_slice %arg2[%dma_wait3A_173, %dma_wait3A_174] : memref<1000000x64xf32, #tpu.memory_space<hbm>> -> memref<1000000x64xf32, #tpu.memory_space<hbm>>
      %dma_wait3A_176 = tpu.memref_slice %arg9[%dma_wait3A_165] : memref<4x!tpu.dma_semaphore, #tpu.memory_space<semaphore_mem>> -> memref<1x!tpu.dma_semaphore, #tpu.memory_space<semaphore_mem>>
      %dma_wait3A_177 = tpu.memref_squeeze %dma_wait3A_176 : memref<1x!tpu.dma_semaphore, #tpu.memory_space<semaphore_mem>> -> memref<!tpu.dma_semaphore, #tpu.memory_space<semaphore_mem>>
      tpu.wait_indirect_dma semaphore(%dma_wait3A_177 : memref<!tpu.dma_semaphore, #tpu.memory_space<semaphore_mem>>) src(%dma_wait3A_175 : memref<1000000x64xf32, #tpu.memory_space<hbm>>) dst(%dma_wait3A_169 : memref<128x64xf32, #tpu.memory_space<vmem>>)
      %ge3A = arith.constant 1 : i32
      %ge3A_178 = arith.cmpi sge, %scan3A_162, %ge3A : i32
      %convert_element_type3A = arith.extui %ge3A_178 : i1 to i32
      %cond3A = arith.constant 0 : i32
      %cond3A_179 = arith.cmpi ne, %convert_element_type3A, %cond3A : i32
      scf.if %cond3A_179 {
        %dma_wait3A_371 = arith.constant 0 : i32
        %dma_wait3A_372 = arith.constant 0 : i32
        %dma_wait3A_373 = arith.constant 0 : i32
        %dma_wait3A_374 = arith.constant 0 : i32
        %dma_wait3A_375 = arith.constant 0 : i32
        %dma_wait3A_376 = tpu.memref_slice %arg7[%dma_wait3A_371, %dma_wait3A_374, %dma_wait3A_375] : memref<4x128x64xf32, #tpu.memory_space<vmem>> -> memref<1x128x64xf32, #tpu.memory_space<vmem>>
        %dma_wait3A_377 = tpu.memref_squeeze %dma_wait3A_376 : memref<1x128x64xf32, #tpu.memory_space<vmem>> -> memref<128x64xf32, #tpu.memory_space<vmem>>
        %dma_wait3A_378 = arith.constant 0 : i32
        %dma_wait3A_379 = arith.constant 0 : i32
        %dma_wait3A_380 = tpu.memref_slice %arg4[%dma_wait3A_372, %dma_wait3A_378, %dma_wait3A_379] : memref<50x16384x64xf32, #tpu.memory_space<hbm>> -> memref<1x128x64xf32, #tpu.memory_space<hbm>>
        %dma_wait3A_381 = tpu.memref_squeeze %dma_wait3A_380 : memref<1x128x64xf32, #tpu.memory_space<hbm>> -> memref<128x64xf32, #tpu.memory_space<hbm>>
        %dma_wait3A_382 = tpu.memref_slice %arg10[%dma_wait3A_373] : memref<4x!tpu.dma_semaphore, #tpu.memory_space<semaphore_mem>> -> memref<1x!tpu.dma_semaphore, #tpu.memory_space<semaphore_mem>>
        %dma_wait3A_383 = tpu.memref_squeeze %dma_wait3A_382 : memref<1x!tpu.dma_semaphore, #tpu.memory_space<semaphore_mem>> -> memref<!tpu.dma_semaphore, #tpu.memory_space<semaphore_mem>>
        %dma_wait3A_384 = arith.constant 0 : i32
        %dma_wait3A_385 = arith.constant 0 : i32
        %dma_wait3A_386 = tpu.memref_slice %arg4[%dma_wait3A_372, %dma_wait3A_384, %dma_wait3A_385] : memref<50x16384x64xf32, #tpu.memory_space<hbm>> -> memref<1x128x64xf32, #tpu.memory_space<hbm>>
        %dma_wait3A_387 = tpu.memref_squeeze %dma_wait3A_386 : memref<1x128x64xf32, #tpu.memory_space<hbm>> -> memref<128x64xf32, #tpu.memory_space<hbm>>
        %dma_wait3A_388 = arith.constant 0 : i32
        %dma_wait3A_389 = arith.constant 0 : i32
        %dma_wait3A_390 = tpu.memref_slice %arg7[%dma_wait3A_371, %dma_wait3A_388, %dma_wait3A_389] : memref<4x128x64xf32, #tpu.memory_space<vmem>> -> memref<1x128x64xf32, #tpu.memory_space<vmem>>
        %dma_wait3A_391 = tpu.memref_squeeze %dma_wait3A_390 : memref<1x128x64xf32, #tpu.memory_space<vmem>> -> memref<128x64xf32, #tpu.memory_space<vmem>>
        tpu.wait_dma2 semaphore(%dma_wait3A_383 : memref<!tpu.dma_semaphore, #tpu.memory_space<semaphore_mem>>) src(%dma_wait3A_391 : memref<128x64xf32, #tpu.memory_space<vmem>>) dst(%dma_wait3A_387 : memref<128x64xf32, #tpu.memory_space<hbm>>)
      } else {
      }
      %scan3A_180 = arith.constant 0 : i32
      %scan3A_181 = arith.constant 0 : i32
      %scan3A_182 = arith.constant 32 : i32
      %scan3A_183 = arith.addi %scan3A_181, %scan3A_182 : i32
      %scan3A_184 = arith.constant 1 : i32
      scf.for %scan3A_371 = %scan3A_181 to %scan3A_183 step %scan3A_184  : i32 {
        %mul3A_372 = arith.constant 4 : i32
        %mul3A_373 = arith.muli %scan3A_371, %mul3A_372 : i32
        %add3A_374 = arith.constant 0 : i32
        %add3A_375 = arith.addi %mul3A_373, %add3A_374 : i32
        %get3A = arith.constant 0 : i32
        %get3A_376 = arith.index_cast %get3A : i32 to index
        %get3A_377 = arith.index_cast %add3A_375 : i32 to index
        %get3A_378 = arith.constant 0 : index
        %get3A_379 = tpu.vector_load %arg6[%get3A_376, %get3A_377, %get3A_378] {strides = array<i32>} : memref<4x128x64xf32, #tpu.memory_space<vmem>>, vector<1x1x16xf32>,
        %get3A_380 = vector.shape_cast %get3A_379 : vector<1x1x16xf32> to vector<16xf32>
        %mul3A_381 = arith.constant 8.000000e+00 : f32
        %mul3A_382 = vector.broadcast %mul3A_381 : f32 to vector<16xf32>
        %mul3A_383 = arith.mulf %get3A_380, %mul3A_382 : vector<16xf32>
        %swap3A = arith.constant 0 : i32
        %swap3A_384 = arith.index_cast %swap3A : i32 to index
        %swap3A_385 = arith.index_cast %add3A_375 : i32 to index
        %swap3A_386 = arith.constant 0 : index
        %swap3A_387 = tpu.vector_load %arg7[%swap3A_384, %swap3A_385, %swap3A_386] {strides = array<i32>} : memref<4x128x64xf32, #tpu.memory_space<vmem>>, vector<1x1x16xf32>,
        %swap3A_388 = vector.shape_cast %swap3A_387 : vector<1x1x16xf32> to vector<16xf32>
        %swap3A_389 = vector.shape_cast %mul3A_383 : vector<16xf32> to vector<1x1x16xf32>
        tpu.vector_store %arg7[%swap3A_384, %swap3A_385, %swap3A_386], %swap3A_389 {strides = array<i32>} : memref<4x128x64xf32, #tpu.memory_space<vmem>>, vector<1x1x16xf32>,
        %get3A_390 = arith.constant 0 : i32
        %get3A_391 = arith.index_cast %get3A_390 : i32 to index
        %get3A_392 = arith.index_cast %add3A_375 : i32 to index
        %get3A_393 = arith.constant 16 : index
        %get3A_394 = tpu.vector_load %arg6[%get3A_391, %get3A_392, %get3A_393] {strides = array<i32>} : memref<4x128x64xf32, #tpu.memory_space<vmem>>, vector<1x1x16xf32>,
        %get3A_395 = vector.shape_cast %get3A_394 : vector<1x1x16xf32> to vector<16xf32>
        %mul3A_396 = arith.constant 8.000000e+00 : f32
        %mul3A_397 = vector.broadcast %mul3A_396 : f32 to vector<16xf32>
        %mul3A_398 = arith.mulf %get3A_395, %mul3A_397 : vector<16xf32>
        %swap3A_399 = arith.constant 0 : i32
        %swap3A_400 = arith.index_cast %swap3A_399 : i32 to index
        %swap3A_401 = arith.index_cast %add3A_375 : i32 to index
        %swap3A_402 = arith.constant 16 : index
        %swap3A_403 = tpu.vector_load %arg7[%swap3A_400, %swap3A_401, %swap3A_402] {strides = array<i32>} : memref<4x128x64xf32, #tpu.memory_space<vmem>>, vector<1x1x16xf32>,
        %swap3A_404 = vector.shape_cast %swap3A_403 : vector<1x1x16xf32> to vector<16xf32>
        %swap3A_405 = vector.shape_cast %mul3A_398 : vector<16xf32> to vector<1x1x16xf32>
        tpu.vector_store %arg7[%swap3A_400, %swap3A_401, %swap3A_402], %swap3A_405 {strides = array<i32>} : memref<4x128x64xf32, #tpu.memory_space<vmem>>, vector<1x1x16xf32>,
        %get3A_406 = arith.constant 0 : i32
        %get3A_407 = arith.index_cast %get3A_406 : i32 to index
        %get3A_408 = arith.index_cast %add3A_375 : i32 to index
        %get3A_409 = arith.constant 32 : index
        %get3A_410 = tpu.vector_load %arg6[%get3A_407, %get3A_408, %get3A_409] {strides = array<i32>} : memref<4x128x64xf32, #tpu.memory_space<vmem>>, vector<1x1x16xf32>,
        %get3A_411 = vector.shape_cast %get3A_410 : vector<1x1x16xf32> to vector<16xf32>
        %mul3A_412 = arith.constant 8.000000e+00 : f32
        %mul3A_413 = vector.broadcast %mul3A_412 : f32 to vector<16xf32>
        %mul3A_414 = arith.mulf %get3A_411, %mul3A_413 : vector<16xf32>
        %swap3A_415 = arith.constant 0 : i32
        %swap3A_416 = arith.index_cast %swap3A_415 : i32 to index
        %swap3A_417 = arith.index_cast %add3A_375 : i32 to index
        %swap3A_418 = arith.constant 32 : index
        %swap3A_419 = tpu.vector_load %arg7[%swap3A_416, %swap3A_417, %swap3A_418] {strides = array<i32>} : memref<4x128x64xf32, #tpu.memory_space<vmem>>, vector<1x1x16xf32>,
        %swap3A_420 = vector.shape_cast %swap3A_419 : vector<1x1x16xf32> to vector<16xf32>
        %swap3A_421 = vector.shape_cast %mul3A_414 : vector<16xf32> to vector<1x1x16xf32>
        tpu.vector_store %arg7[%swap3A_416, %swap3A_417, %swap3A_418], %swap3A_421 {strides = array<i32>} : memref<4x128x64xf32, #tpu.memory_space<vmem>>, vector<1x1x16xf32>,
        %get3A_422 = arith.constant 0 : i32
        %get3A_423 = arith.index_cast %get3A_422 : i32 to index
        %get3A_424 = arith.index_cast %add3A_375 : i32 to index
        %get3A_425 = arith.constant 48 : index
        %get3A_426 = tpu.vector_load %arg6[%get3A_423, %get3A_424, %get3A_425] {strides = array<i32>} : memref<4x128x64xf32, #tpu.memory_space<vmem>>, vector<1x1x16xf32>,
        %get3A_427 = vector.shape_cast %get3A_426 : vector<1x1x16xf32> to vector<16xf32>
        %mul3A_428 = arith.constant 8.000000e+00 : f32
        %mul3A_429 = vector.broadcast %mul3A_428 : f32 to vector<16xf32>
        %mul3A_430 = arith.mulf %get3A_427, %mul3A_429 : vector<16xf32>
        %swap3A_431 = arith.constant 0 : i32
        %swap3A_432 = arith.index_cast %swap3A_431 : i32 to index
        %swap3A_433 = arith.index_cast %add3A_375 : i32 to index
        %swap3A_434 = arith.constant 48 : index
        %swap3A_435 = tpu.vector_load %arg7[%swap3A_432, %swap3A_433, %swap3A_434] {strides = array<i32>} : memref<4x128x64xf32, #tpu.memory_space<vmem>>, vector<1x1x16xf32>,
        %swap3A_436 = vector.shape_cast %swap3A_435 : vector<1x1x16xf32> to vector<16xf32>
        %swap3A_437 = vector.shape_cast %mul3A_430 : vector<16xf32> to vector<1x1x16xf32>
        tpu.vector_store %arg7[%swap3A_432, %swap3A_433, %swap3A_434], %swap3A_437 {strides = array<i32>} : memref<4x128x64xf32, #tpu.memory_space<vmem>>, vector<1x1x16xf32>,
        %mul3A_438 = arith.constant 4 : i32
        %mul3A_439 = arith.muli %scan3A_371, %mul3A_438 : i32
        %add3A_440 = arith.constant 1 : i32
        %add3A_441 = arith.addi %mul3A_439, %add3A_440 : i32
        %get3A_442 = arith.constant 0 : i32
        %get3A_443 = arith.index_cast %get3A_442 : i32 to index
        %get3A_444 = arith.index_cast %add3A_441 : i32 to index
        %get3A_445 = arith.constant 0 : index
        %get3A_446 = tpu.vector_load %arg6[%get3A_443, %get3A_444, %get3A_445] {strides = array<i32>} : memref<4x128x64xf32, #tpu.memory_space<vmem>>, vector<1x1x16xf32>,
        %get3A_447 = vector.shape_cast %get3A_446 : vector<1x1x16xf32> to vector<16xf32>
        %mul3A_448 = arith.constant 8.000000e+00 : f32
        %mul3A_449 = vector.broadcast %mul3A_448 : f32 to vector<16xf32>
        %mul3A_450 = arith.mulf %get3A_447, %mul3A_449 : vector<16xf32>
        %swap3A_451 = arith.constant 0 : i32
        %swap3A_452 = arith.index_cast %swap3A_451 : i32 to index
        %swap3A_453 = arith.index_cast %add3A_441 : i32 to index
        %swap3A_454 = arith.constant 0 : index
        %swap3A_455 = tpu.vector_load %arg7[%swap3A_452, %swap3A_453, %swap3A_454] {strides = array<i32>} : memref<4x128x64xf32, #tpu.memory_space<vmem>>, vector<1x1x16xf32>,
        %swap3A_456 = vector.shape_cast %swap3A_455 : vector<1x1x16xf32> to vector<16xf32>
        %swap3A_457 = vector.shape_cast %mul3A_450 : vector<16xf32> to vector<1x1x16xf32>
        tpu.vector_store %arg7[%swap3A_452, %swap3A_453, %swap3A_454], %swap3A_457 {strides = array<i32>} : memref<4x128x64xf32, #tpu.memory_space<vmem>>, vector<1x1x16xf32>,
        %get3A_458 = arith.constant 0 : i32
        %get3A_459 = arith.index_cast %get3A_458 : i32 to index
        %get3A_460 = arith.index_cast %add3A_441 : i32 to index
        %get3A_461 = arith.constant 16 : index
        %get3A_462 = tpu.vector_load %arg6[%get3A_459, %get3A_460, %get3A_461] {strides = array<i32>} : memref<4x128x64xf32, #tpu.memory_space<vmem>>, vector<1x1x16xf32>,
        %get3A_463 = vector.shape_cast %get3A_462 : vector<1x1x16xf32> to vector<16xf32>
        %mul3A_464 = arith.constant 8.000000e+00 : f32
        %mul3A_465 = vector.broadcast %mul3A_464 : f32 to vector<16xf32>
        %mul3A_466 = arith.mulf %get3A_463, %mul3A_465 : vector<16xf32>
        %swap3A_467 = arith.constant 0 : i32
        %swap3A_468 = arith.index_cast %swap3A_467 : i32 to index
        %swap3A_469 = arith.index_cast %add3A_441 : i32 to index
        %swap3A_470 = arith.constant 16 : index
        %swap3A_471 = tpu.vector_load %arg7[%swap3A_468, %swap3A_469, %swap3A_470] {strides = array<i32>} : memref<4x128x64xf32, #tpu.memory_space<vmem>>, vector<1x1x16xf32>,
        %swap3A_472 = vector.shape_cast %swap3A_471 : vector<1x1x16xf32> to vector<16xf32>
        %swap3A_473 = vector.shape_cast %mul3A_466 : vector<16xf32> to vector<1x1x16xf32>
        tpu.vector_store %arg7[%swap3A_468, %swap3A_469, %swap3A_470], %swap3A_473 {strides = array<i32>} : memref<4x128x64xf32, #tpu.memory_space<vmem>>, vector<1x1x16xf32>,
        %get3A_474 = arith.constant 0 : i32
        %get3A_475 = arith.index_cast %get3A_474 : i32 to index
        %get3A_476 = arith.index_cast %add3A_441 : i32 to index
        %get3A_477 = arith.constant 32 : index
        %get3A_478 = tpu.vector_load %arg6[%get3A_475, %get3A_476, %get3A_477] {strides = array<i32>} : memref<4x128x64xf32, #tpu.memory_space<vmem>>, vector<1x1x16xf32>,
        %get3A_479 = vector.shape_cast %get3A_478 : vector<1x1x16xf32> to vector<16xf32>
        %mul3A_480 = arith.constant 8.000000e+00 : f32
        %mul3A_481 = vector.broadcast %mul3A_480 : f32 to vector<16xf32>
        %mul3A_482 = arith.mulf %get3A_479, %mul3A_481 : vector<16xf32>
        %swap3A_483 = arith.constant 0 : i32
        %swap3A_484 = arith.index_cast %swap3A_483 : i32 to index
        %swap3A_485 = arith.index_cast %add3A_441 : i32 to index
        %swap3A_486 = arith.constant 32 : index
        %swap3A_487 = tpu.vector_load %arg7[%swap3A_484, %swap3A_485, %swap3A_486] {strides = array<i32>} : memref<4x128x64xf32, #tpu.memory_space<vmem>>, vector<1x1x16xf32>,
        %swap3A_488 = vector.shape_cast %swap3A_487 : vector<1x1x16xf32> to vector<16xf32>
        %swap3A_489 = vector.shape_cast %mul3A_482 : vector<16xf32> to vector<1x1x16xf32>
        tpu.vector_store %arg7[%swap3A_484, %swap3A_485, %swap3A_486], %swap3A_489 {strides = array<i32>} : memref<4x128x64xf32, #tpu.memory_space<vmem>>, vector<1x1x16xf32>,
        %get3A_490 = arith.constant 0 : i32
        %get3A_491 = arith.index_cast %get3A_490 : i32 to index
        %get3A_492 = arith.index_cast %add3A_441 : i32 to index
        %get3A_493 = arith.constant 48 : index
        %get3A_494 = tpu.vector_load %arg6[%get3A_491, %get3A_492, %get3A_493] {strides = array<i32>} : memref<4x128x64xf32, #tpu.memory_space<vmem>>, vector<1x1x16xf32>,
        %get3A_495 = vector.shape_cast %get3A_494 : vector<1x1x16xf32> to vector<16xf32>
        %mul3A_496 = arith.constant 8.000000e+00 : f32
        %mul3A_497 = vector.broadcast %mul3A_496 : f32 to vector<16xf32>
        %mul3A_498 = arith.mulf %get3A_495, %mul3A_497 : vector<16xf32>
        %swap3A_499 = arith.constant 0 : i32
        %swap3A_500 = arith.index_cast %swap3A_499 : i32 to index
        %swap3A_501 = arith.index_cast %add3A_441 : i32 to index
        %swap3A_502 = arith.constant 48 : index
        %swap3A_503 = tpu.vector_load %arg7[%swap3A_500, %swap3A_501, %swap3A_502] {strides = array<i32>} : memref<4x128x64xf32, #tpu.memory_space<vmem>>, vector<1x1x16xf32>,
        %swap3A_504 = vector.shape_cast %swap3A_503 : vector<1x1x16xf32> to vector<16xf32>
        %swap3A_505 = vector.shape_cast %mul3A_498 : vector<16xf32> to vector<1x1x16xf32>
        tpu.vector_store %arg7[%swap3A_500, %swap3A_501, %swap3A_502], %swap3A_505 {strides = array<i32>} : memref<4x128x64xf32, #tpu.memory_space<vmem>>, vector<1x1x16xf32>,
        %mul3A_506 = arith.constant 4 : i32
        %mul3A_507 = arith.muli %scan3A_371, %mul3A_506 : i32
        %add3A_508 = arith.constant 2 : i32
        %add3A_509 = arith.addi %mul3A_507, %add3A_508 : i32
        %get3A_510 = arith.constant 0 : i32
        %get3A_511 = arith.index_cast %get3A_510 : i32 to index
        %get3A_512 = arith.index_cast %add3A_509 : i32 to index
        %get3A_513 = arith.constant 0 : index
        %get3A_514 = tpu.vector_load %arg6[%get3A_511, %get3A_512, %get3A_513] {strides = array<i32>} : memref<4x128x64xf32, #tpu.memory_space<vmem>>, vector<1x1x16xf32>,
        %get3A_515 = vector.shape_cast %get3A_514 : vector<1x1x16xf32> to vector<16xf32>
        %mul3A_516 = arith.constant 8.000000e+00 : f32
        %mul3A_517 = vector.broadcast %mul3A_516 : f32 to vector<16xf32>
        %mul3A_518 = arith.mulf %get3A_515, %mul3A_517 : vector<16xf32>
        %swap3A_519 = arith.constant 0 : i32
        %swap3A_520 = arith.index_cast %swap3A_519 : i32 to index
        %swap3A_521 = arith.index_cast %add3A_509 : i32 to index
        %swap3A_522 = arith.constant 0 : index
        %swap3A_523 = tpu.vector_load %arg7[%swap3A_520, %swap3A_521, %swap3A_522] {strides = array<i32>} : memref<4x128x64xf32, #tpu.memory_space<vmem>>, vector<1x1x16xf32>,
        %swap3A_524 = vector.shape_cast %swap3A_523 : vector<1x1x16xf32> to vector<16xf32>
        %swap3A_525 = vector.shape_cast %mul3A_518 : vector<16xf32> to vector<1x1x16xf32>
        tpu.vector_store %arg7[%swap3A_520, %swap3A_521, %swap3A_522], %swap3A_525 {strides = array<i32>} : memref<4x128x64xf32, #tpu.memory_space<vmem>>, vector<1x1x16xf32>,
        %get3A_526 = arith.constant 0 : i32
        %get3A_527 = arith.index_cast %get3A_526 : i32 to index
        %get3A_528 = arith.index_cast %add3A_509 : i32 to index
        %get3A_529 = arith.constant 16 : index
        %get3A_530 = tpu.vector_load %arg6[%get3A_527, %get3A_528, %get3A_529] {strides = array<i32>} : memref<4x128x64xf32, #tpu.memory_space<vmem>>, vector<1x1x16xf32>,
        %get3A_531 = vector.shape_cast %get3A_530 : vector<1x1x16xf32> to vector<16xf32>
        %mul3A_532 = arith.constant 8.000000e+00 : f32
        %mul3A_533 = vector.broadcast %mul3A_532 : f32 to vector<16xf32>
        %mul3A_534 = arith.mulf %get3A_531, %mul3A_533 : vector<16xf32>
        %swap3A_535 = arith.constant 0 : i32
        %swap3A_536 = arith.index_cast %swap3A_535 : i32 to index
        %swap3A_537 = arith.index_cast %add3A_509 : i32 to index
        %swap3A_538 = arith.constant 16 : index
        %swap3A_539 = tpu.vector_load %arg7[%swap3A_536, %swap3A_537, %swap3A_538] {strides = array<i32>} : memref<4x128x64xf32, #tpu.memory_space<vmem>>, vector<1x1x16xf32>,
        %swap3A_540 = vector.shape_cast %swap3A_539 : vector<1x1x16xf32> to vector<16xf32>
        %swap3A_541 = vector.shape_cast %mul3A_534 : vector<16xf32> to vector<1x1x16xf32>
        tpu.vector_store %arg7[%swap3A_536, %swap3A_537, %swap3A_538], %swap3A_541 {strides = array<i32>} : memref<4x128x64xf32, #tpu.memory_space<vmem>>, vector<1x1x16xf32>,
        %get3A_542 = arith.constant 0 : i32
        %get3A_543 = arith.index_cast %get3A_542 : i32 to index
        %get3A_544 = arith.index_cast %add3A_509 : i32 to index
        %get3A_545 = arith.constant 32 : index
        %get3A_546 = tpu.vector_load %arg6[%get3A_543, %get3A_544, %get3A_545] {strides = array<i32>} : memref<4x128x64xf32, #tpu.memory_space<vmem>>, vector<1x1x16xf32>,
        %get3A_547 = vector.shape_cast %get3A_546 : vector<1x1x16xf32> to vector<16xf32>
        %mul3A_548 = arith.constant 8.000000e+00 : f32
        %mul3A_549 = vector.broadcast %mul3A_548 : f32 to vector<16xf32>
        %mul3A_550 = arith.mulf %get3A_547, %mul3A_549 : vector<16xf32>
        %swap3A_551 = arith.constant 0 : i32
        %swap3A_552 = arith.index_cast %swap3A_551 : i32 to index
        %swap3A_553 = arith.index_cast %add3A_509 : i32 to index
        %swap3A_554 = arith.constant 32 : index
        %swap3A_555 = tpu.vector_load %arg7[%swap3A_552, %swap3A_553, %swap3A_554] {strides = array<i32>} : memref<4x128x64xf32, #tpu.memory_space<vmem>>, vector<1x1x16xf32>,
        %swap3A_556 = vector.shape_cast %swap3A_555 : vector<1x1x16xf32> to vector<16xf32>
        %swap3A_557 = vector.shape_cast %mul3A_550 : vector<16xf32> to vector<1x1x16xf32>
        tpu.vector_store %arg7[%swap3A_552, %swap3A_553, %swap3A_554], %swap3A_557 {strides = array<i32>} : memref<4x128x64xf32, #tpu.memory_space<vmem>>, vector<1x1x16xf32>,
        %get3A_558 = arith.constant 0 : i32
        %get3A_559 = arith.index_cast %get3A_558 : i32 to index
        %get3A_560 = arith.index_cast %add3A_509 : i32 to index
        %get3A_561 = arith.constant 48 : index
        %get3A_562 = tpu.vector_load %arg6[%get3A_559, %get3A_560, %get3A_561] {strides = array<i32>} : memref<4x128x64xf32, #tpu.memory_space<vmem>>, vector<1x1x16xf32>,
        %get3A_563 = vector.shape_cast %get3A_562 : vector<1x1x16xf32> to vector<16xf32>
        %mul3A_564 = arith.constant 8.000000e+00 : f32
        %mul3A_565 = vector.broadcast %mul3A_564 : f32 to vector<16xf32>
        %mul3A_566 = arith.mulf %get3A_563, %mul3A_565 : vector<16xf32>
        %swap3A_567 = arith.constant 0 : i32
        %swap3A_568 = arith.index_cast %swap3A_567 : i32 to index
        %swap3A_569 = arith.index_cast %add3A_509 : i32 to index
        %swap3A_570 = arith.constant 48 : index
        %swap3A_571 = tpu.vector_load %arg7[%swap3A_568, %swap3A_569, %swap3A_570] {strides = array<i32>} : memref<4x128x64xf32, #tpu.memory_space<vmem>>, vector<1x1x16xf32>,
        %swap3A_572 = vector.shape_cast %swap3A_571 : vector<1x1x16xf32> to vector<16xf32>
        %swap3A_573 = vector.shape_cast %mul3A_566 : vector<16xf32> to vector<1x1x16xf32>
        tpu.vector_store %arg7[%swap3A_568, %swap3A_569, %swap3A_570], %swap3A_573 {strides = array<i32>} : memref<4x128x64xf32, #tpu.memory_space<vmem>>, vector<1x1x16xf32>,
        %mul3A_574 = arith.constant 4 : i32
        %mul3A_575 = arith.muli %scan3A_371, %mul3A_574 : i32
        %add3A_576 = arith.constant 3 : i32
        %add3A_577 = arith.addi %mul3A_575, %add3A_576 : i32
        %get3A_578 = arith.constant 0 : i32
        %get3A_579 = arith.index_cast %get3A_578 : i32 to index
        %get3A_580 = arith.index_cast %add3A_577 : i32 to index
        %get3A_581 = arith.constant 0 : index
        %get3A_582 = tpu.vector_load %arg6[%get3A_579, %get3A_580, %get3A_581] {strides = array<i32>} : memref<4x128x64xf32, #tpu.memory_space<vmem>>, vector<1x1x16xf32>,
        %get3A_583 = vector.shape_cast %get3A_582 : vector<1x1x16xf32> to vector<16xf32>
        %mul3A_584 = arith.constant 8.000000e+00 : f32
        %mul3A_585 = vector.broadcast %mul3A_584 : f32 to vector<16xf32>
        %mul3A_586 = arith.mulf %get3A_583, %mul3A_585 : vector<16xf32>
        %swap3A_587 = arith.constant 0 : i32
        %swap3A_588 = arith.index_cast %swap3A_587 : i32 to index
        %swap3A_589 = arith.index_cast %add3A_577 : i32 to index
        %swap3A_590 = arith.constant 0 : index
        %swap3A_591 = tpu.vector_load %arg7[%swap3A_588, %swap3A_589, %swap3A_590] {strides = array<i32>} : memref<4x128x64xf32, #tpu.memory_space<vmem>>, vector<1x1x16xf32>,
        %swap3A_592 = vector.shape_cast %swap3A_591 : vector<1x1x16xf32> to vector<16xf32>
        %swap3A_593 = vector.shape_cast %mul3A_586 : vector<16xf32> to vector<1x1x16xf32>
        tpu.vector_store %arg7[%swap3A_588, %swap3A_589, %swap3A_590], %swap3A_593 {strides = array<i32>} : memref<4x128x64xf32, #tpu.memory_space<vmem>>, vector<1x1x16xf32>,
        %get3A_594 = arith.constant 0 : i32
        %get3A_595 = arith.index_cast %get3A_594 : i32 to index
        %get3A_596 = arith.index_cast %add3A_577 : i32 to index
        %get3A_597 = arith.constant 16 : index
        %get3A_598 = tpu.vector_load %arg6[%get3A_595, %get3A_596, %get3A_597] {strides = array<i32>} : memref<4x128x64xf32, #tpu.memory_space<vmem>>, vector<1x1x16xf32>,
        %get3A_599 = vector.shape_cast %get3A_598 : vector<1x1x16xf32> to vector<16xf32>
        %mul3A_600 = arith.constant 8.000000e+00 : f32
        %mul3A_601 = vector.broadcast %mul3A_600 : f32 to vector<16xf32>
        %mul3A_602 = arith.mulf %get3A_599, %mul3A_601 : vector<16xf32>
        %swap3A_603 = arith.constant 0 : i32
        %swap3A_604 = arith.index_cast %swap3A_603 : i32 to index
        %swap3A_605 = arith.index_cast %add3A_577 : i32 to index
        %swap3A_606 = arith.constant 16 : index
        %swap3A_607 = tpu.vector_load %arg7[%swap3A_604, %swap3A_605, %swap3A_606] {strides = array<i32>} : memref<4x128x64xf32, #tpu.memory_space<vmem>>, vector<1x1x16xf32>,
        %swap3A_608 = vector.shape_cast %swap3A_607 : vector<1x1x16xf32> to vector<16xf32>
        %swap3A_609 = vector.shape_cast %mul3A_602 : vector<16xf32> to vector<1x1x16xf32>
        tpu.vector_store %arg7[%swap3A_604, %swap3A_605, %swap3A_606], %swap3A_609 {strides = array<i32>} : memref<4x128x64xf32, #tpu.memory_space<vmem>>, vector<1x1x16xf32>,
        %get3A_610 = arith.constant 0 : i32
        %get3A_611 = arith.index_cast %get3A_610 : i32 to index
        %get3A_612 = arith.index_cast %add3A_577 : i32 to index
        %get3A_613 = arith.constant 32 : index
        %get3A_614 = tpu.vector_load %arg6[%get3A_611, %get3A_612, %get3A_613] {strides = array<i32>} : memref<4x128x64xf32, #tpu.memory_space<vmem>>, vector<1x1x16xf32>,
        %get3A_615 = vector.shape_cast %get3A_614 : vector<1x1x16xf32> to vector<16xf32>
        %mul3A_616 = arith.constant 8.000000e+00 : f32
        %mul3A_617 = vector.broadcast %mul3A_616 : f32 to vector<16xf32>
        %mul3A_618 = arith.mulf %get3A_615, %mul3A_617 : vector<16xf32>
        %swap3A_619 = arith.constant 0 : i32
        %swap3A_620 = arith.index_cast %swap3A_619 : i32 to index
        %swap3A_621 = arith.index_cast %add3A_577 : i32 to index
        %swap3A_622 = arith.constant 32 : index
        %swap3A_623 = tpu.vector_load %arg7[%swap3A_620, %swap3A_621, %swap3A_622] {strides = array<i32>} : memref<4x128x64xf32, #tpu.memory_space<vmem>>, vector<1x1x16xf32>,
        %swap3A_624 = vector.shape_cast %swap3A_623 : vector<1x1x16xf32> to vector<16xf32>
        %swap3A_625 = vector.shape_cast %mul3A_618 : vector<16xf32> to vector<1x1x16xf32>
        tpu.vector_store %arg7[%swap3A_620, %swap3A_621, %swap3A_622], %swap3A_625 {strides = array<i32>} : memref<4x128x64xf32, #tpu.memory_space<vmem>>, vector<1x1x16xf32>,
        %get3A_626 = arith.constant 0 : i32
        %get3A_627 = arith.index_cast %get3A_626 : i32 to index
        %get3A_628 = arith.index_cast %add3A_577 : i32 to index
        %get3A_629 = arith.constant 48 : index
        %get3A_630 = tpu.vector_load %arg6[%get3A_627, %get3A_628, %get3A_629] {strides = array<i32>} : memref<4x128x64xf32, #tpu.memory_space<vmem>>, vector<1x1x16xf32>,
        %get3A_631 = vector.shape_cast %get3A_630 : vector<1x1x16xf32> to vector<16xf32>
        %mul3A_632 = arith.constant 8.000000e+00 : f32
        %mul3A_633 = vector.broadcast %mul3A_632 : f32 to vector<16xf32>
        %mul3A_634 = arith.mulf %get3A_631, %mul3A_633 : vector<16xf32>
        %swap3A_635 = arith.constant 0 : i32
        %swap3A_636 = arith.index_cast %swap3A_635 : i32 to index
        %swap3A_637 = arith.index_cast %add3A_577 : i32 to index
        %swap3A_638 = arith.constant 48 : index
        %swap3A_639 = tpu.vector_load %arg7[%swap3A_636, %swap3A_637, %swap3A_638] {strides = array<i32>} : memref<4x128x64xf32, #tpu.memory_space<vmem>>, vector<1x1x16xf32>,
        %swap3A_640 = vector.shape_cast %swap3A_639 : vector<1x1x16xf32> to vector<16xf32>
        %swap3A_641 = vector.shape_cast %mul3A_634 : vector<16xf32> to vector<1x1x16xf32>
        tpu.vector_store %arg7[%swap3A_636, %swap3A_637, %swap3A_638], %swap3A_641 {strides = array<i32>} : memref<4x128x64xf32, #tpu.memory_space<vmem>>, vector<1x1x16xf32>,
      }
      %scan3A_185 = arith.constant 32 : i32
      %add3A_186 = arith.constant 1 : i32
      %add3A_187 = arith.addi %scan3A_162, %add3A_186 : i32
      %lt3A = arith.constant 50 : i32
      %lt3A_188 = arith.cmpi slt, %add3A_187, %lt3A : i32
      %convert_element_type3A_189 = arith.extui %lt3A_188 : i1 to i32
      %cond3A_190 = arith.constant 0 : i32
      %cond3A_191 = arith.cmpi ne, %convert_element_type3A_189, %cond3A_190 : i32
      scf.if %cond3A_191 {
        %add3A_371 = arith.constant 1 : i32
        %add3A_372 = arith.addi %scan3A_162, %add3A_371 : i32
        %dma_start3A_373 = arith.constant 0 : i32
        %dma_start3A_374 = arith.constant 0 : i32
        %dma_start3A_375 = arith.constant 0 : i32
        %dma_start3A_376 = arith.constant 0 : i32
        %dma_start3A_377 = tpu.memref_slice %arg6[%dma_start3A_373, %dma_start3A_375, %dma_start3A_376] : memref<4x128x64xf32, #tpu.memory_space<vmem>> -> memref<1x128x64xf32, #tpu.memory_space<vmem>>
        %dma_start3A_378 = tpu.memref_squeeze %dma_start3A_377 : memref<1x128x64xf32, #tpu.memory_space<vmem>> -> memref<128x64xf32, #tpu.memory_space<vmem>>
        %dma_start3A_379 = arith.constant 0 : i32
        %dma_start3A_380 = tpu.memref_slice %arg5[%add3A_372, %dma_start3A_379] : memref<50x512xi32, #tpu.memory_space<vmem>> -> memref<1x128xi32, #tpu.memory_space<vmem>>
        %dma_start3A_381 = tpu.memref_squeeze %dma_start3A_380 : memref<1x128xi32, #tpu.memory_space<vmem>> -> memref<128xi32, #tpu.memory_space<vmem>>
        %dma_start3A_382 = arith.constant 0 : i32
        %dma_start3A_383 = arith.constant 0 : i32
        %dma_start3A_384 = tpu.memref_slice %arg2[%dma_start3A_382, %dma_start3A_383] : memref<1000000x64xf32, #tpu.memory_space<hbm>> -> memref<1000000x64xf32, #tpu.memory_space<hbm>>
        %dma_start3A_385 = tpu.memref_slice %arg9[%dma_start3A_374] : memref<4x!tpu.dma_semaphore, #tpu.memory_space<semaphore_mem>> -> memref<1x!tpu.dma_semaphore, #tpu.memory_space<semaphore_mem>>
        %dma_start3A_386 = tpu.memref_squeeze %dma_start3A_385 : memref<1x!tpu.dma_semaphore, #tpu.memory_space<semaphore_mem>> -> memref<!tpu.dma_semaphore, #tpu.memory_space<semaphore_mem>>
        tpu.enqueue_indirect_dma source(%dma_start3A_384 : memref<1000000x64xf32, #tpu.memory_space<hbm>>) target(%dma_start3A_378 : memref<128x64xf32, #tpu.memory_space<vmem>>) offsets(%dma_start3A_381 : memref<128xi32, #tpu.memory_space<vmem>>) semaphore(%dma_start3A_386 : memref<!tpu.dma_semaphore, #tpu.memory_space<semaphore_mem>>)
      } else {
      }
      %add3A_192 = arith.constant 0 : i32
      %add3A_193 = arith.addi %mul3A_2, %add3A_192 : i32
      %dma_start3A_194 = arith.constant 0 : i32
      %dma_start3A_195 = arith.constant 0 : i32
      %dma_start3A_196 = arith.constant 0 : i32
      %dma_start3A_197 = arith.constant 0 : i32
      %dma_start3A_198 = tpu.memref_slice %arg7[%dma_start3A_194, %dma_start3A_196, %dma_start3A_197] : memref<4x128x64xf32, #tpu.memory_space<vmem>> -> memref<1x128x64xf32, #tpu.memory_space<vmem>>
      %dma_start3A_199 = tpu.memref_squeeze %dma_start3A_198 : memref<1x128x64xf32, #tpu.memory_space<vmem>> -> memref<128x64xf32, #tpu.memory_space<vmem>>
      %dma_start3A_200 = arith.constant 0 : i32
      %dma_start3A_201 = tpu.memref_slice %arg4[%scan3A_162, %add3A_193, %dma_start3A_200] : memref<50x16384x64xf32, #tpu.memory_space<hbm>> -> memref<1x128x64xf32, #tpu.memory_space<hbm>>
      %dma_start3A_202 = tpu.memref_squeeze %dma_start3A_201 : memref<1x128x64xf32, #tpu.memory_space<hbm>> -> memref<128x64xf32, #tpu.memory_space<hbm>>
      %dma_start3A_203 = tpu.memref_slice %arg10[%dma_start3A_195] : memref<4x!tpu.dma_semaphore, #tpu.memory_space<semaphore_mem>> -> memref<1x!tpu.dma_semaphore, #tpu.memory_space<semaphore_mem>>
      %dma_start3A_204 = tpu.memref_squeeze %dma_start3A_203 : memref<1x!tpu.dma_semaphore, #tpu.memory_space<semaphore_mem>> -> memref<!tpu.dma_semaphore, #tpu.memory_space<semaphore_mem>>
      %dma_start3A_205 = arith.constant 0 : i32
      %dma_start3A_206 = tpu.memref_slice %arg4[%scan3A_162, %add3A_193, %dma_start3A_205] : memref<50x16384x64xf32, #tpu.memory_space<hbm>> -> memref<1x128x64xf32, #tpu.memory_space<hbm>>
      %dma_start3A_207 = tpu.memref_squeeze %dma_start3A_206 : memref<1x128x64xf32, #tpu.memory_space<hbm>> -> memref<128x64xf32, #tpu.memory_space<hbm>>
      %dma_start3A_208 = arith.constant 0 : i32
      %dma_start3A_209 = arith.constant 0 : i32
      %dma_start3A_210 = tpu.memref_slice %arg7[%dma_start3A_194, %dma_start3A_208, %dma_start3A_209] : memref<4x128x64xf32, #tpu.memory_space<vmem>> -> memref<1x128x64xf32, #tpu.memory_space<vmem>>
      %dma_start3A_211 = tpu.memref_squeeze %dma_start3A_210 : memref<1x128x64xf32, #tpu.memory_space<vmem>> -> memref<128x64xf32, #tpu.memory_space<vmem>>
      tpu.enqueue_dma source(%dma_start3A_211 : memref<128x64xf32, #tpu.memory_space<vmem>>) target(%dma_start3A_207 : memref<128x64xf32, #tpu.memory_space<hbm>>) target_semaphore(%dma_start3A_204 : memref<!tpu.dma_semaphore, #tpu.memory_space<semaphore_mem>>)
      %dma_wait3A_212 = arith.constant 0 : i32
      %dma_wait3A_213 = arith.constant 1 : i32
      %dma_wait3A_214 = arith.constant 1 : i32
      %dma_wait3A_215 = arith.constant 0 : i32
      %dma_wait3A_216 = arith.constant 0 : i32
      %dma_wait3A_217 = tpu.memref_slice %arg6[%dma_wait3A_213, %dma_wait3A_215, %dma_wait3A_216] : memref<4x128x64xf32, #tpu.memory_space<vmem>> -> memref<1x128x64xf32, #tpu.memory_space<vmem>>
      %dma_wait3A_218 = tpu.memref_squeeze %dma_wait3A_217 : memref<1x128x64xf32, #tpu.memory_space<vmem>> -> memref<128x64xf32, #tpu.memory_space<vmem>>
      %dma_wait3A_219 = arith.constant 0 : i32
      %dma_wait3A_220 = tpu.memref_slice %arg5[%dma_wait3A_212, %dma_wait3A_219] : memref<50x512xi32, #tpu.memory_space<vmem>> -> memref<1x128xi32, #tpu.memory_space<vmem>>
      %dma_wait3A_221 = tpu.memref_squeeze %dma_wait3A_220 : memref<1x128xi32, #tpu.memory_space<vmem>> -> memref<128xi32, #tpu.memory_space<vmem>>
      %dma_wait3A_222 = arith.constant 0 : i32
      %dma_wait3A_223 = arith.constant 0 : i32
      %dma_wait3A_224 = tpu.memref_slice %arg2[%dma_wait3A_222, %dma_wait3A_223] : memref<1000000x64xf32, #tpu.memory_space<hbm>> -> memref<1000000x64xf32, #tpu.memory_space<hbm>>
      %dma_wait3A_225 = tpu.memref_slice %arg9[%dma_wait3A_214] : memref<4x!tpu.dma_semaphore, #tpu.memory_space<semaphore_mem>> -> memref<1x!tpu.dma_semaphore, #tpu.memory_space<semaphore_mem>>
      %dma_wait3A_226 = tpu.memref_squeeze %dma_wait3A_225 : memref<1x!tpu.dma_semaphore, #tpu.memory_space<semaphore_mem>> -> memref<!tpu.dma_semaphore, #tpu.memory_space<semaphore_mem>>
      tpu.wait_indirect_dma semaphore(%dma_wait3A_226 : memref<!tpu.dma_semaphore, #tpu.memory_space<semaphore_mem>>) src(%dma_wait3A_224 : memref<1000000x64xf32, #tpu.memory_space<hbm>>) dst(%dma_wait3A_218 : memref<128x64xf32, #tpu.memory_space<vmem>>)
      %ge3A_227 = arith.constant 1 : i32
      %ge3A_228 = arith.cmpi sge, %scan3A_162, %ge3A_227 : i32
      %convert_element_type3A_229 = arith.extui %ge3A_228 : i1 to i32
      %cond3A_230 = arith.constant 0 : i32
      %cond3A_231 = arith.cmpi ne, %convert_element_type3A_229, %cond3A_230 : i32
      scf.if %cond3A_231 {
        %dma_wait3A_371 = arith.constant 1 : i32
        %dma_wait3A_372 = arith.constant 0 : i32
        %dma_wait3A_373 = arith.constant 1 : i32
        %dma_wait3A_374 = arith.constant 0 : i32
        %dma_wait3A_375 = arith.constant 0 : i32
        %dma_wait3A_376 = tpu.memref_slice %arg7[%dma_wait3A_371, %dma_wait3A_374, %dma_wait3A_375] : memref<4x128x64xf32, #tpu.memory_space<vmem>> -> memref<1x128x64xf32, #tpu.memory_space<vmem>>
        %dma_wait3A_377 = tpu.memref_squeeze %dma_wait3A_376 : memref<1x128x64xf32, #tpu.memory_space<vmem>> -> memref<128x64xf32, #tpu.memory_space<vmem>>
        %dma_wait3A_378 = arith.constant 0 : i32
        %dma_wait3A_379 = arith.constant 0 : i32
        %dma_wait3A_380 = tpu.memref_slice %arg4[%dma_wait3A_372, %dma_wait3A_378, %dma_wait3A_379] : memref<50x16384x64xf32, #tpu.memory_space<hbm>> -> memref<1x128x64xf32, #tpu.memory_space<hbm>>
        %dma_wait3A_381 = tpu.memref_squeeze %dma_wait3A_380 : memref<1x128x64xf32, #tpu.memory_space<hbm>> -> memref<128x64xf32, #tpu.memory_space<hbm>>
        %dma_wait3A_382 = tpu.memref_slice %arg10[%dma_wait3A_373] : memref<4x!tpu.dma_semaphore, #tpu.memory_space<semaphore_mem>> -> memref<1x!tpu.dma_semaphore, #tpu.memory_space<semaphore_mem>>
        %dma_wait3A_383 = tpu.memref_squeeze %dma_wait3A_382 : memref<1x!tpu.dma_semaphore, #tpu.memory_space<semaphore_mem>> -> memref<!tpu.dma_semaphore, #tpu.memory_space<semaphore_mem>>
        %dma_wait3A_384 = arith.constant 0 : i32
        %dma_wait3A_385 = arith.constant 0 : i32
        %dma_wait3A_386 = tpu.memref_slice %arg4[%dma_wait3A_372, %dma_wait3A_384, %dma_wait3A_385] : memref<50x16384x64xf32, #tpu.memory_space<hbm>> -> memref<1x128x64xf32, #tpu.memory_space<hbm>>
        %dma_wait3A_387 = tpu.memref_squeeze %dma_wait3A_386 : memref<1x128x64xf32, #tpu.memory_space<hbm>> -> memref<128x64xf32, #tpu.memory_space<hbm>>
        %dma_wait3A_388 = arith.constant 0 : i32
        %dma_wait3A_389 = arith.constant 0 : i32
        %dma_wait3A_390 = tpu.memref_slice %arg7[%dma_wait3A_371, %dma_wait3A_388, %dma_wait3A_389] : memref<4x128x64xf32, #tpu.memory_space<vmem>> -> memref<1x128x64xf32, #tpu.memory_space<vmem>>
        %dma_wait3A_391 = tpu.memref_squeeze %dma_wait3A_390 : memref<1x128x64xf32, #tpu.memory_space<vmem>> -> memref<128x64xf32, #tpu.memory_space<vmem>>
        tpu.wait_dma2 semaphore(%dma_wait3A_383 : memref<!tpu.dma_semaphore, #tpu.memory_space<semaphore_mem>>) src(%dma_wait3A_391 : memref<128x64xf32, #tpu.memory_space<vmem>>) dst(%dma_wait3A_387 : memref<128x64xf32, #tpu.memory_space<hbm>>)
      } else {
      }
      %scan3A_232 = arith.constant 0 : i32
      %scan3A_233 = arith.constant 0 : i32
      %scan3A_234 = arith.constant 32 : i32
      %scan3A_235 = arith.addi %scan3A_233, %scan3A_234 : i32
      %scan3A_236 = arith.constant 1 : i32
      scf.for %scan3A_371 = %scan3A_233 to %scan3A_235 step %scan3A_236  : i32 {
        %mul3A_372 = arith.constant 4 : i32
        %mul3A_373 = arith.muli %scan3A_371, %mul3A_372 : i32
        %add3A_374 = arith.constant 0 : i32
        %add3A_375 = arith.addi %mul3A_373, %add3A_374 : i32
        %get3A = arith.constant 1 : i32
        %get3A_376 = arith.index_cast %get3A : i32 to index
        %get3A_377 = arith.index_cast %add3A_375 : i32 to index
        %get3A_378 = arith.constant 0 : index
        %get3A_379 = tpu.vector_load %arg6[%get3A_376, %get3A_377, %get3A_378] {strides = array<i32>} : memref<4x128x64xf32, #tpu.memory_space<vmem>>, vector<1x1x16xf32>,
        %get3A_380 = vector.shape_cast %get3A_379 : vector<1x1x16xf32> to vector<16xf32>
        %mul3A_381 = arith.constant 8.000000e+00 : f32
        %mul3A_382 = vector.broadcast %mul3A_381 : f32 to vector<16xf32>
        %mul3A_383 = arith.mulf %get3A_380, %mul3A_382 : vector<16xf32>
        %swap3A = arith.constant 1 : i32
        %swap3A_384 = arith.index_cast %swap3A : i32 to index
        %swap3A_385 = arith.index_cast %add3A_375 : i32 to index
        %swap3A_386 = arith.constant 0 : index
        %swap3A_387 = tpu.vector_load %arg7[%swap3A_384, %swap3A_385, %swap3A_386] {strides = array<i32>} : memref<4x128x64xf32, #tpu.memory_space<vmem>>, vector<1x1x16xf32>,
        %swap3A_388 = vector.shape_cast %swap3A_387 : vector<1x1x16xf32> to vector<16xf32>
        %swap3A_389 = vector.shape_cast %mul3A_383 : vector<16xf32> to vector<1x1x16xf32>
        tpu.vector_store %arg7[%swap3A_384, %swap3A_385, %swap3A_386], %swap3A_389 {strides = array<i32>} : memref<4x128x64xf32, #tpu.memory_space<vmem>>, vector<1x1x16xf32>,
        %get3A_390 = arith.constant 1 : i32
        %get3A_391 = arith.index_cast %get3A_390 : i32 to index
        %get3A_392 = arith.index_cast %add3A_375 : i32 to index
        %get3A_393 = arith.constant 16 : index
        %get3A_394 = tpu.vector_load %arg6[%get3A_391, %get3A_392, %get3A_393] {strides = array<i32>} : memref<4x128x64xf32, #tpu.memory_space<vmem>>, vector<1x1x16xf32>,
        %get3A_395 = vector.shape_cast %get3A_394 : vector<1x1x16xf32> to vector<16xf32>
        %mul3A_396 = arith.constant 8.000000e+00 : f32
        %mul3A_397 = vector.broadcast %mul3A_396 : f32 to vector<16xf32>
        %mul3A_398 = arith.mulf %get3A_395, %mul3A_397 : vector<16xf32>
        %swap3A_399 = arith.constant 1 : i32
        %swap3A_400 = arith.index_cast %swap3A_399 : i32 to index
        %swap3A_401 = arith.index_cast %add3A_375 : i32 to index
        %swap3A_402 = arith.constant 16 : index
        %swap3A_403 = tpu.vector_load %arg7[%swap3A_400, %swap3A_401, %swap3A_402] {strides = array<i32>} : memref<4x128x64xf32, #tpu.memory_space<vmem>>, vector<1x1x16xf32>,
        %swap3A_404 = vector.shape_cast %swap3A_403 : vector<1x1x16xf32> to vector<16xf32>
        %swap3A_405 = vector.shape_cast %mul3A_398 : vector<16xf32> to vector<1x1x16xf32>
        tpu.vector_store %arg7[%swap3A_400, %swap3A_401, %swap3A_402], %swap3A_405 {strides = array<i32>} : memref<4x128x64xf32, #tpu.memory_space<vmem>>, vector<1x1x16xf32>,
        %get3A_406 = arith.constant 1 : i32
        %get3A_407 = arith.index_cast %get3A_406 : i32 to index
        %get3A_408 = arith.index_cast %add3A_375 : i32 to index
        %get3A_409 = arith.constant 32 : index
        %get3A_410 = tpu.vector_load %arg6[%get3A_407, %get3A_408, %get3A_409] {strides = array<i32>} : memref<4x128x64xf32, #tpu.memory_space<vmem>>, vector<1x1x16xf32>,
        %get3A_411 = vector.shape_cast %get3A_410 : vector<1x1x16xf32> to vector<16xf32>
        %mul3A_412 = arith.constant 8.000000e+00 : f32
        %mul3A_413 = vector.broadcast %mul3A_412 : f32 to vector<16xf32>
        %mul3A_414 = arith.mulf %get3A_411, %mul3A_413 : vector<16xf32>
        %swap3A_415 = arith.constant 1 : i32
        %swap3A_416 = arith.index_cast %swap3A_415 : i32 to index
        %swap3A_417 = arith.index_cast %add3A_375 : i32 to index
        %swap3A_418 = arith.constant 32 : index
        %swap3A_419 = tpu.vector_load %arg7[%swap3A_416, %swap3A_417, %swap3A_418] {strides = array<i32>} : memref<4x128x64xf32, #tpu.memory_space<vmem>>, vector<1x1x16xf32>,
        %swap3A_420 = vector.shape_cast %swap3A_419 : vector<1x1x16xf32> to vector<16xf32>
        %swap3A_421 = vector.shape_cast %mul3A_414 : vector<16xf32> to vector<1x1x16xf32>
        tpu.vector_store %arg7[%swap3A_416, %swap3A_417, %swap3A_418], %swap3A_421 {strides = array<i32>} : memref<4x128x64xf32, #tpu.memory_space<vmem>>, vector<1x1x16xf32>,
        %get3A_422 = arith.constant 1 : i32
        %get3A_423 = arith.index_cast %get3A_422 : i32 to index
        %get3A_424 = arith.index_cast %add3A_375 : i32 to index
        %get3A_425 = arith.constant 48 : index
        %get3A_426 = tpu.vector_load %arg6[%get3A_423, %get3A_424, %get3A_425] {strides = array<i32>} : memref<4x128x64xf32, #tpu.memory_space<vmem>>, vector<1x1x16xf32>,
        %get3A_427 = vector.shape_cast %get3A_426 : vector<1x1x16xf32> to vector<16xf32>
        %mul3A_428 = arith.constant 8.000000e+00 : f32
        %mul3A_429 = vector.broadcast %mul3A_428 : f32 to vector<16xf32>
        %mul3A_430 = arith.mulf %get3A_427, %mul3A_429 : vector<16xf32>
        %swap3A_431 = arith.constant 1 : i32
        %swap3A_432 = arith.index_cast %swap3A_431 : i32 to index
        %swap3A_433 = arith.index_cast %add3A_375 : i32 to index
        %swap3A_434 = arith.constant 48 : index
        %swap3A_435 = tpu.vector_load %arg7[%swap3A_432, %swap3A_433, %swap3A_434] {strides = array<i32>} : memref<4x128x64xf32, #tpu.memory_space<vmem>>, vector<1x1x16xf32>,
        %swap3A_436 = vector.shape_cast %swap3A_435 : vector<1x1x16xf32> to vector<16xf32>
        %swap3A_437 = vector.shape_cast %mul3A_430 : vector<16xf32> to vector<1x1x16xf32>
        tpu.vector_store %arg7[%swap3A_432, %swap3A_433, %swap3A_434], %swap3A_437 {strides = array<i32>} : memref<4x128x64xf32, #tpu.memory_space<vmem>>, vector<1x1x16xf32>,
        %mul3A_438 = arith.constant 4 : i32
        %mul3A_439 = arith.muli %scan3A_371, %mul3A_438 : i32
        %add3A_440 = arith.constant 1 : i32
        %add3A_441 = arith.addi %mul3A_439, %add3A_440 : i32
        %get3A_442 = arith.constant 1 : i32
        %get3A_443 = arith.index_cast %get3A_442 : i32 to index
        %get3A_444 = arith.index_cast %add3A_441 : i32 to index
        %get3A_445 = arith.constant 0 : index
        %get3A_446 = tpu.vector_load %arg6[%get3A_443, %get3A_444, %get3A_445] {strides = array<i32>} : memref<4x128x64xf32, #tpu.memory_space<vmem>>, vector<1x1x16xf32>,
        %get3A_447 = vector.shape_cast %get3A_446 : vector<1x1x16xf32> to vector<16xf32>
        %mul3A_448 = arith.constant 8.000000e+00 : f32
        %mul3A_449 = vector.broadcast %mul3A_448 : f32 to vector<16xf32>
        %mul3A_450 = arith.mulf %get3A_447, %mul3A_449 : vector<16xf32>
        %swap3A_451 = arith.constant 1 : i32
        %swap3A_452 = arith.index_cast %swap3A_451 : i32 to index
        %swap3A_453 = arith.index_cast %add3A_441 : i32 to index
        %swap3A_454 = arith.constant 0 : index
        %swap3A_455 = tpu.vector_load %arg7[%swap3A_452, %swap3A_453, %swap3A_454] {strides = array<i32>} : memref<4x128x64xf32, #tpu.memory_space<vmem>>, vector<1x1x16xf32>,
        %swap3A_456 = vector.shape_cast %swap3A_455 : vector<1x1x16xf32> to vector<16xf32>
        %swap3A_457 = vector.shape_cast %mul3A_450 : vector<16xf32> to vector<1x1x16xf32>
        tpu.vector_store %arg7[%swap3A_452, %swap3A_453, %swap3A_454], %swap3A_457 {strides = array<i32>} : memref<4x128x64xf32, #tpu.memory_space<vmem>>, vector<1x1x16xf32>,
        %get3A_458 = arith.constant 1 : i32
        %get3A_459 = arith.index_cast %get3A_458 : i32 to index
        %get3A_460 = arith.index_cast %add3A_441 : i32 to index
        %get3A_461 = arith.constant 16 : index
        %get3A_462 = tpu.vector_load %arg6[%get3A_459, %get3A_460, %get3A_461] {strides = array<i32>} : memref<4x128x64xf32, #tpu.memory_space<vmem>>, vector<1x1x16xf32>,
        %get3A_463 = vector.shape_cast %get3A_462 : vector<1x1x16xf32> to vector<16xf32>
        %mul3A_464 = arith.constant 8.000000e+00 : f32
        %mul3A_465 = vector.broadcast %mul3A_464 : f32 to vector<16xf32>
        %mul3A_466 = arith.mulf %get3A_463, %mul3A_465 : vector<16xf32>
        %swap3A_467 = arith.constant 1 : i32
        %swap3A_468 = arith.index_cast %swap3A_467 : i32 to index
        %swap3A_469 = arith.index_cast %add3A_441 : i32 to index
        %swap3A_470 = arith.constant 16 : index
        %swap3A_471 = tpu.vector_load %arg7[%swap3A_468, %swap3A_469, %swap3A_470] {strides = array<i32>} : memref<4x128x64xf32, #tpu.memory_space<vmem>>, vector<1x1x16xf32>,
        %swap3A_472 = vector.shape_cast %swap3A_471 : vector<1x1x16xf32> to vector<16xf32>
        %swap3A_473 = vector.shape_cast %mul3A_466 : vector<16xf32> to vector<1x1x16xf32>
        tpu.vector_store %arg7[%swap3A_468, %swap3A_469, %swap3A_470], %swap3A_473 {strides = array<i32>} : memref<4x128x64xf32, #tpu.memory_space<vmem>>, vector<1x1x16xf32>,
        %get3A_474 = arith.constant 1 : i32
        %get3A_475 = arith.index_cast %get3A_474 : i32 to index
        %get3A_476 = arith.index_cast %add3A_441 : i32 to index
        %get3A_477 = arith.constant 32 : index
        %get3A_478 = tpu.vector_load %arg6[%get3A_475, %get3A_476, %get3A_477] {strides = array<i32>} : memref<4x128x64xf32, #tpu.memory_space<vmem>>, vector<1x1x16xf32>,
        %get3A_479 = vector.shape_cast %get3A_478 : vector<1x1x16xf32> to vector<16xf32>
        %mul3A_480 = arith.constant 8.000000e+00 : f32
        %mul3A_481 = vector.broadcast %mul3A_480 : f32 to vector<16xf32>
        %mul3A_482 = arith.mulf %get3A_479, %mul3A_481 : vector<16xf32>
        %swap3A_483 = arith.constant 1 : i32
        %swap3A_484 = arith.index_cast %swap3A_483 : i32 to index
        %swap3A_485 = arith.index_cast %add3A_441 : i32 to index
        %swap3A_486 = arith.constant 32 : index
        %swap3A_487 = tpu.vector_load %arg7[%swap3A_484, %swap3A_485, %swap3A_486] {strides = array<i32>} : memref<4x128x64xf32, #tpu.memory_space<vmem>>, vector<1x1x16xf32>,
        %swap3A_488 = vector.shape_cast %swap3A_487 : vector<1x1x16xf32> to vector<16xf32>
        %swap3A_489 = vector.shape_cast %mul3A_482 : vector<16xf32> to vector<1x1x16xf32>
        tpu.vector_store %arg7[%swap3A_484, %swap3A_485, %swap3A_486], %swap3A_489 {strides = array<i32>} : memref<4x128x64xf32, #tpu.memory_space<vmem>>, vector<1x1x16xf32>,
        %get3A_490 = arith.constant 1 : i32
        %get3A_491 = arith.index_cast %get3A_490 : i32 to index
        %get3A_492 = arith.index_cast %add3A_441 : i32 to index
        %get3A_493 = arith.constant 48 : index
        %get3A_494 = tpu.vector_load %arg6[%get3A_491, %get3A_492, %get3A_493] {strides = array<i32>} : memref<4x128x64xf32, #tpu.memory_space<vmem>>, vector<1x1x16xf32>,
        %get3A_495 = vector.shape_cast %get3A_494 : vector<1x1x16xf32> to vector<16xf32>
        %mul3A_496 = arith.constant 8.000000e+00 : f32
        %mul3A_497 = vector.broadcast %mul3A_496 : f32 to vector<16xf32>
        %mul3A_498 = arith.mulf %get3A_495, %mul3A_497 : vector<16xf32>
        %swap3A_499 = arith.constant 1 : i32
        %swap3A_500 = arith.index_cast %swap3A_499 : i32 to index
        %swap3A_501 = arith.index_cast %add3A_441 : i32 to index
        %swap3A_502 = arith.constant 48 : index
        %swap3A_503 = tpu.vector_load %arg7[%swap3A_500, %swap3A_501, %swap3A_502] {strides = array<i32>} : memref<4x128x64xf32, #tpu.memory_space<vmem>>, vector<1x1x16xf32>,
        %swap3A_504 = vector.shape_cast %swap3A_503 : vector<1x1x16xf32> to vector<16xf32>
        %swap3A_505 = vector.shape_cast %mul3A_498 : vector<16xf32> to vector<1x1x16xf32>
        tpu.vector_store %arg7[%swap3A_500, %swap3A_501, %swap3A_502], %swap3A_505 {strides = array<i32>} : memref<4x128x64xf32, #tpu.memory_space<vmem>>, vector<1x1x16xf32>,
        %mul3A_506 = arith.constant 4 : i32
        %mul3A_507 = arith.muli %scan3A_371, %mul3A_506 : i32
        %add3A_508 = arith.constant 2 : i32
        %add3A_509 = arith.addi %mul3A_507, %add3A_508 : i32
        %get3A_510 = arith.constant 1 : i32
        %get3A_511 = arith.index_cast %get3A_510 : i32 to index
        %get3A_512 = arith.index_cast %add3A_509 : i32 to index
        %get3A_513 = arith.constant 0 : index
        %get3A_514 = tpu.vector_load %arg6[%get3A_511, %get3A_512, %get3A_513] {strides = array<i32>} : memref<4x128x64xf32, #tpu.memory_space<vmem>>, vector<1x1x16xf32>,
        %get3A_515 = vector.shape_cast %get3A_514 : vector<1x1x16xf32> to vector<16xf32>
        %mul3A_516 = arith.constant 8.000000e+00 : f32
        %mul3A_517 = vector.broadcast %mul3A_516 : f32 to vector<16xf32>
        %mul3A_518 = arith.mulf %get3A_515, %mul3A_517 : vector<16xf32>
        %swap3A_519 = arith.constant 1 : i32
        %swap3A_520 = arith.index_cast %swap3A_519 : i32 to index
        %swap3A_521 = arith.index_cast %add3A_509 : i32 to index
        %swap3A_522 = arith.constant 0 : index
        %swap3A_523 = tpu.vector_load %arg7[%swap3A_520, %swap3A_521, %swap3A_522] {strides = array<i32>} : memref<4x128x64xf32, #tpu.memory_space<vmem>>, vector<1x1x16xf32>,
        %swap3A_524 = vector.shape_cast %swap3A_523 : vector<1x1x16xf32> to vector<16xf32>
        %swap3A_525 = vector.shape_cast %mul3A_518 : vector<16xf32> to vector<1x1x16xf32>
        tpu.vector_store %arg7[%swap3A_520, %swap3A_521, %swap3A_522], %swap3A_525 {strides = array<i32>} : memref<4x128x64xf32, #tpu.memory_space<vmem>>, vector<1x1x16xf32>,
        %get3A_526 = arith.constant 1 : i32
        %get3A_527 = arith.index_cast %get3A_526 : i32 to index
        %get3A_528 = arith.index_cast %add3A_509 : i32 to index
        %get3A_529 = arith.constant 16 : index
        %get3A_530 = tpu.vector_load %arg6[%get3A_527, %get3A_528, %get3A_529] {strides = array<i32>} : memref<4x128x64xf32, #tpu.memory_space<vmem>>, vector<1x1x16xf32>,
        %get3A_531 = vector.shape_cast %get3A_530 : vector<1x1x16xf32> to vector<16xf32>
        %mul3A_532 = arith.constant 8.000000e+00 : f32
        %mul3A_533 = vector.broadcast %mul3A_532 : f32 to vector<16xf32>
        %mul3A_534 = arith.mulf %get3A_531, %mul3A_533 : vector<16xf32>
        %swap3A_535 = arith.constant 1 : i32
        %swap3A_536 = arith.index_cast %swap3A_535 : i32 to index
        %swap3A_537 = arith.index_cast %add3A_509 : i32 to index
        %swap3A_538 = arith.constant 16 : index
        %swap3A_539 = tpu.vector_load %arg7[%swap3A_536, %swap3A_537, %swap3A_538] {strides = array<i32>} : memref<4x128x64xf32, #tpu.memory_space<vmem>>, vector<1x1x16xf32>,
        %swap3A_540 = vector.shape_cast %swap3A_539 : vector<1x1x16xf32> to vector<16xf32>
        %swap3A_541 = vector.shape_cast %mul3A_534 : vector<16xf32> to vector<1x1x16xf32>
        tpu.vector_store %arg7[%swap3A_536, %swap3A_537, %swap3A_538], %swap3A_541 {strides = array<i32>} : memref<4x128x64xf32, #tpu.memory_space<vmem>>, vector<1x1x16xf32>,
        %get3A_542 = arith.constant 1 : i32
        %get3A_543 = arith.index_cast %get3A_542 : i32 to index
        %get3A_544 = arith.index_cast %add3A_509 : i32 to index
        %get3A_545 = arith.constant 32 : index
        %get3A_546 = tpu.vector_load %arg6[%get3A_543, %get3A_544, %get3A_545] {strides = array<i32>} : memref<4x128x64xf32, #tpu.memory_space<vmem>>, vector<1x1x16xf32>,
        %get3A_547 = vector.shape_cast %get3A_546 : vector<1x1x16xf32> to vector<16xf32>
        %mul3A_548 = arith.constant 8.000000e+00 : f32
        %mul3A_549 = vector.broadcast %mul3A_548 : f32 to vector<16xf32>
        %mul3A_550 = arith.mulf %get3A_547, %mul3A_549 : vector<16xf32>
        %swap3A_551 = arith.constant 1 : i32
        %swap3A_552 = arith.index_cast %swap3A_551 : i32 to index
        %swap3A_553 = arith.index_cast %add3A_509 : i32 to index
        %swap3A_554 = arith.constant 32 : index
        %swap3A_555 = tpu.vector_load %arg7[%swap3A_552, %swap3A_553, %swap3A_554] {strides = array<i32>} : memref<4x128x64xf32, #tpu.memory_space<vmem>>, vector<1x1x16xf32>,
        %swap3A_556 = vector.shape_cast %swap3A_555 : vector<1x1x16xf32> to vector<16xf32>
        %swap3A_557 = vector.shape_cast %mul3A_550 : vector<16xf32> to vector<1x1x16xf32>
        tpu.vector_store %arg7[%swap3A_552, %swap3A_553, %swap3A_554], %swap3A_557 {strides = array<i32>} : memref<4x128x64xf32, #tpu.memory_space<vmem>>, vector<1x1x16xf32>,
        %get3A_558 = arith.constant 1 : i32
        %get3A_559 = arith.index_cast %get3A_558 : i32 to index
        %get3A_560 = arith.index_cast %add3A_509 : i32 to index
        %get3A_561 = arith.constant 48 : index
        %get3A_562 = tpu.vector_load %arg6[%get3A_559, %get3A_560, %get3A_561] {strides = array<i32>} : memref<4x128x64xf32, #tpu.memory_space<vmem>>, vector<1x1x16xf32>,
        %get3A_563 = vector.shape_cast %get3A_562 : vector<1x1x16xf32> to vector<16xf32>
        %mul3A_564 = arith.constant 8.000000e+00 : f32
        %mul3A_565 = vector.broadcast %mul3A_564 : f32 to vector<16xf32>
        %mul3A_566 = arith.mulf %get3A_563, %mul3A_565 : vector<16xf32>
        %swap3A_567 = arith.constant 1 : i32
        %swap3A_568 = arith.index_cast %swap3A_567 : i32 to index
        %swap3A_569 = arith.index_cast %add3A_509 : i32 to index
        %swap3A_570 = arith.constant 48 : index
        %swap3A_571 = tpu.vector_load %arg7[%swap3A_568, %swap3A_569, %swap3A_570] {strides = array<i32>} : memref<4x128x64xf32, #tpu.memory_space<vmem>>, vector<1x1x16xf32>,
        %swap3A_572 = vector.shape_cast %swap3A_571 : vector<1x1x16xf32> to vector<16xf32>
        %swap3A_573 = vector.shape_cast %mul3A_566 : vector<16xf32> to vector<1x1x16xf32>
        tpu.vector_store %arg7[%swap3A_568, %swap3A_569, %swap3A_570], %swap3A_573 {strides = array<i32>} : memref<4x128x64xf32, #tpu.memory_space<vmem>>, vector<1x1x16xf32>,
        %mul3A_574 = arith.constant 4 : i32
        %mul3A_575 = arith.muli %scan3A_371, %mul3A_574 : i32
        %add3A_576 = arith.constant 3 : i32
        %add3A_577 = arith.addi %mul3A_575, %add3A_576 : i32
        %get3A_578 = arith.constant 1 : i32
        %get3A_579 = arith.index_cast %get3A_578 : i32 to index
        %get3A_580 = arith.index_cast %add3A_577 : i32 to index
        %get3A_581 = arith.constant 0 : index
        %get3A_582 = tpu.vector_load %arg6[%get3A_579, %get3A_580, %get3A_581] {strides = array<i32>} : memref<4x128x64xf32, #tpu.memory_space<vmem>>, vector<1x1x16xf32>,
        %get3A_583 = vector.shape_cast %get3A_582 : vector<1x1x16xf32> to vector<16xf32>
        %mul3A_584 = arith.constant 8.000000e+00 : f32
        %mul3A_585 = vector.broadcast %mul3A_584 : f32 to vector<16xf32>
        %mul3A_586 = arith.mulf %get3A_583, %mul3A_585 : vector<16xf32>
        %swap3A_587 = arith.constant 1 : i32
        %swap3A_588 = arith.index_cast %swap3A_587 : i32 to index
        %swap3A_589 = arith.index_cast %add3A_577 : i32 to index
        %swap3A_590 = arith.constant 0 : index
        %swap3A_591 = tpu.vector_load %arg7[%swap3A_588, %swap3A_589, %swap3A_590] {strides = array<i32>} : memref<4x128x64xf32, #tpu.memory_space<vmem>>, vector<1x1x16xf32>,
        %swap3A_592 = vector.shape_cast %swap3A_591 : vector<1x1x16xf32> to vector<16xf32>
        %swap3A_593 = vector.shape_cast %mul3A_586 : vector<16xf32> to vector<1x1x16xf32>
        tpu.vector_store %arg7[%swap3A_588, %swap3A_589, %swap3A_590], %swap3A_593 {strides = array<i32>} : memref<4x128x64xf32, #tpu.memory_space<vmem>>, vector<1x1x16xf32>,
        %get3A_594 = arith.constant 1 : i32
        %get3A_595 = arith.index_cast %get3A_594 : i32 to index
        %get3A_596 = arith.index_cast %add3A_577 : i32 to index
        %get3A_597 = arith.constant 16 : index
        %get3A_598 = tpu.vector_load %arg6[%get3A_595, %get3A_596, %get3A_597] {strides = array<i32>} : memref<4x128x64xf32, #tpu.memory_space<vmem>>, vector<1x1x16xf32>,
        %get3A_599 = vector.shape_cast %get3A_598 : vector<1x1x16xf32> to vector<16xf32>
        %mul3A_600 = arith.constant 8.000000e+00 : f32
        %mul3A_601 = vector.broadcast %mul3A_600 : f32 to vector<16xf32>
        %mul3A_602 = arith.mulf %get3A_599, %mul3A_601 : vector<16xf32>
        %swap3A_603 = arith.constant 1 : i32
        %swap3A_604 = arith.index_cast %swap3A_603 : i32 to index
        %swap3A_605 = arith.index_cast %add3A_577 : i32 to index
        %swap3A_606 = arith.constant 16 : index
        %swap3A_607 = tpu.vector_load %arg7[%swap3A_604, %swap3A_605, %swap3A_606] {strides = array<i32>} : memref<4x128x64xf32, #tpu.memory_space<vmem>>, vector<1x1x16xf32>,
        %swap3A_608 = vector.shape_cast %swap3A_607 : vector<1x1x16xf32> to vector<16xf32>
        %swap3A_609 = vector.shape_cast %mul3A_602 : vector<16xf32> to vector<1x1x16xf32>
        tpu.vector_store %arg7[%swap3A_604, %swap3A_605, %swap3A_606], %swap3A_609 {strides = array<i32>} : memref<4x128x64xf32, #tpu.memory_space<vmem>>, vector<1x1x16xf32>,
        %get3A_610 = arith.constant 1 : i32
        %get3A_611 = arith.index_cast %get3A_610 : i32 to index
        %get3A_612 = arith.index_cast %add3A_577 : i32 to index
        %get3A_613 = arith.constant 32 : index
        %get3A_614 = tpu.vector_load %arg6[%get3A_611, %get3A_612, %get3A_613] {strides = array<i32>} : memref<4x128x64xf32, #tpu.memory_space<vmem>>, vector<1x1x16xf32>,
        %get3A_615 = vector.shape_cast %get3A_614 : vector<1x1x16xf32> to vector<16xf32>
        %mul3A_616 = arith.constant 8.000000e+00 : f32
        %mul3A_617 = vector.broadcast %mul3A_616 : f32 to vector<16xf32>
        %mul3A_618 = arith.mulf %get3A_615, %mul3A_617 : vector<16xf32>
        %swap3A_619 = arith.constant 1 : i32
        %swap3A_620 = arith.index_cast %swap3A_619 : i32 to index
        %swap3A_621 = arith.index_cast %add3A_577 : i32 to index
        %swap3A_622 = arith.constant 32 : index
        %swap3A_623 = tpu.vector_load %arg7[%swap3A_620, %swap3A_621, %swap3A_622] {strides = array<i32>} : memref<4x128x64xf32, #tpu.memory_space<vmem>>, vector<1x1x16xf32>,
        %swap3A_624 = vector.shape_cast %swap3A_623 : vector<1x1x16xf32> to vector<16xf32>
        %swap3A_625 = vector.shape_cast %mul3A_618 : vector<16xf32> to vector<1x1x16xf32>
        tpu.vector_store %arg7[%swap3A_620, %swap3A_621, %swap3A_622], %swap3A_625 {strides = array<i32>} : memref<4x128x64xf32, #tpu.memory_space<vmem>>, vector<1x1x16xf32>,
        %get3A_626 = arith.constant 1 : i32
        %get3A_627 = arith.index_cast %get3A_626 : i32 to index
        %get3A_628 = arith.index_cast %add3A_577 : i32 to index
        %get3A_629 = arith.constant 48 : index
        %get3A_630 = tpu.vector_load %arg6[%get3A_627, %get3A_628, %get3A_629] {strides = array<i32>} : memref<4x128x64xf32, #tpu.memory_space<vmem>>, vector<1x1x16xf32>,
        %get3A_631 = vector.shape_cast %get3A_630 : vector<1x1x16xf32> to vector<16xf32>
        %mul3A_632 = arith.constant 8.000000e+00 : f32
        %mul3A_633 = vector.broadcast %mul3A_632 : f32 to vector<16xf32>
        %mul3A_634 = arith.mulf %get3A_631, %mul3A_633 : vector<16xf32>
        %swap3A_635 = arith.constant 1 : i32
        %swap3A_636 = arith.index_cast %swap3A_635 : i32 to index
        %swap3A_637 = arith.index_cast %add3A_577 : i32 to index
        %swap3A_638 = arith.constant 48 : index
        %swap3A_639 = tpu.vector_load %arg7[%swap3A_636, %swap3A_637, %swap3A_638] {strides = array<i32>} : memref<4x128x64xf32, #tpu.memory_space<vmem>>, vector<1x1x16xf32>,
        %swap3A_640 = vector.shape_cast %swap3A_639 : vector<1x1x16xf32> to vector<16xf32>
        %swap3A_641 = vector.shape_cast %mul3A_634 : vector<16xf32> to vector<1x1x16xf32>
        tpu.vector_store %arg7[%swap3A_636, %swap3A_637, %swap3A_638], %swap3A_641 {strides = array<i32>} : memref<4x128x64xf32, #tpu.memory_space<vmem>>, vector<1x1x16xf32>,
      }
      %scan3A_237 = arith.constant 32 : i32
      %add3A_238 = arith.constant 1 : i32
      %add3A_239 = arith.addi %scan3A_162, %add3A_238 : i32
      %lt3A_240 = arith.constant 50 : i32
      %lt3A_241 = arith.cmpi slt, %add3A_239, %lt3A_240 : i32
      %convert_element_type3A_242 = arith.extui %lt3A_241 : i1 to i32
      %cond3A_243 = arith.constant 0 : i32
      %cond3A_244 = arith.cmpi ne, %convert_element_type3A_242, %cond3A_243 : i32
      scf.if %cond3A_244 {
        %add3A_371 = arith.constant 1 : i32
        %add3A_372 = arith.addi %scan3A_162, %add3A_371 : i32
        %dma_start3A_373 = arith.constant 1 : i32
        %dma_start3A_374 = arith.constant 1 : i32
        %dma_start3A_375 = arith.constant 0 : i32
        %dma_start3A_376 = arith.constant 0 : i32
        %dma_start3A_377 = tpu.memref_slice %arg6[%dma_start3A_373, %dma_start3A_375, %dma_start3A_376] : memref<4x128x64xf32, #tpu.memory_space<vmem>> -> memref<1x128x64xf32, #tpu.memory_space<vmem>>
        %dma_start3A_378 = tpu.memref_squeeze %dma_start3A_377 : memref<1x128x64xf32, #tpu.memory_space<vmem>> -> memref<128x64xf32, #tpu.memory_space<vmem>>
        %dma_start3A_379 = arith.constant 128 : i32
        %dma_start3A_380 = tpu.memref_slice %arg5[%add3A_372, %dma_start3A_379] : memref<50x512xi32, #tpu.memory_space<vmem>> -> memref<1x128xi32, #tpu.memory_space<vmem>>
        %dma_start3A_381 = tpu.memref_squeeze %dma_start3A_380 : memref<1x128xi32, #tpu.memory_space<vmem>> -> memref<128xi32, #tpu.memory_space<vmem>>
        %dma_start3A_382 = arith.constant 0 : i32
        %dma_start3A_383 = arith.constant 0 : i32
        %dma_start3A_384 = tpu.memref_slice %arg2[%dma_start3A_382, %dma_start3A_383] : memref<1000000x64xf32, #tpu.memory_space<hbm>> -> memref<1000000x64xf32, #tpu.memory_space<hbm>>
        %dma_start3A_385 = tpu.memref_slice %arg9[%dma_start3A_374] : memref<4x!tpu.dma_semaphore, #tpu.memory_space<semaphore_mem>> -> memref<1x!tpu.dma_semaphore, #tpu.memory_space<semaphore_mem>>
        %dma_start3A_386 = tpu.memref_squeeze %dma_start3A_385 : memref<1x!tpu.dma_semaphore, #tpu.memory_space<semaphore_mem>> -> memref<!tpu.dma_semaphore, #tpu.memory_space<semaphore_mem>>
        tpu.enqueue_indirect_dma source(%dma_start3A_384 : memref<1000000x64xf32, #tpu.memory_space<hbm>>) target(%dma_start3A_378 : memref<128x64xf32, #tpu.memory_space<vmem>>) offsets(%dma_start3A_381 : memref<128xi32, #tpu.memory_space<vmem>>) semaphore(%dma_start3A_386 : memref<!tpu.dma_semaphore, #tpu.memory_space<semaphore_mem>>)
      } else {
      }
      %add3A_245 = arith.constant 128 : i32
      %add3A_246 = arith.addi %mul3A_2, %add3A_245 : i32
      %dma_start3A_247 = arith.constant 1 : i32
      %dma_start3A_248 = arith.constant 1 : i32
      %dma_start3A_249 = arith.constant 0 : i32
      %dma_start3A_250 = arith.constant 0 : i32
      %dma_start3A_251 = tpu.memref_slice %arg7[%dma_start3A_247, %dma_start3A_249, %dma_start3A_250] : memref<4x128x64xf32, #tpu.memory_space<vmem>> -> memref<1x128x64xf32, #tpu.memory_space<vmem>>
      %dma_start3A_252 = tpu.memref_squeeze %dma_start3A_251 : memref<1x128x64xf32, #tpu.memory_space<vmem>> -> memref<128x64xf32, #tpu.memory_space<vmem>>
      %dma_start3A_253 = arith.constant 0 : i32
      %dma_start3A_254 = tpu.memref_slice %arg4[%scan3A_162, %add3A_246, %dma_start3A_253] : memref<50x16384x64xf32, #tpu.memory_space<hbm>> -> memref<1x128x64xf32, #tpu.memory_space<hbm>>
      %dma_start3A_255 = tpu.memref_squeeze %dma_start3A_254 : memref<1x128x64xf32, #tpu.memory_space<hbm>> -> memref<128x64xf32, #tpu.memory_space<hbm>>
      %dma_start3A_256 = tpu.memref_slice %arg10[%dma_start3A_248] : memref<4x!tpu.dma_semaphore, #tpu.memory_space<semaphore_mem>> -> memref<1x!tpu.dma_semaphore, #tpu.memory_space<semaphore_mem>>
      %dma_start3A_257 = tpu.memref_squeeze %dma_start3A_256 : memref<1x!tpu.dma_semaphore, #tpu.memory_space<semaphore_mem>> -> memref<!tpu.dma_semaphore, #tpu.memory_space<semaphore_mem>>
      %dma_start3A_258 = arith.constant 0 : i32
      %dma_start3A_259 = tpu.memref_slice %arg4[%scan3A_162, %add3A_246, %dma_start3A_258] : memref<50x16384x64xf32, #tpu.memory_space<hbm>> -> memref<1x128x64xf32, #tpu.memory_space<hbm>>
      %dma_start3A_260 = tpu.memref_squeeze %dma_start3A_259 : memref<1x128x64xf32, #tpu.memory_space<hbm>> -> memref<128x64xf32, #tpu.memory_space<hbm>>
      %dma_start3A_261 = arith.constant 0 : i32
      %dma_start3A_262 = arith.constant 0 : i32
      %dma_start3A_263 = tpu.memref_slice %arg7[%dma_start3A_247, %dma_start3A_261, %dma_start3A_262] : memref<4x128x64xf32, #tpu.memory_space<vmem>> -> memref<1x128x64xf32, #tpu.memory_space<vmem>>
      %dma_start3A_264 = tpu.memref_squeeze %dma_start3A_263 : memref<1x128x64xf32, #tpu.memory_space<vmem>> -> memref<128x64xf32, #tpu.memory_space<vmem>>
      tpu.enqueue_dma source(%dma_start3A_264 : memref<128x64xf32, #tpu.memory_space<vmem>>) target(%dma_start3A_260 : memref<128x64xf32, #tpu.memory_space<hbm>>) target_semaphore(%dma_start3A_257 : memref<!tpu.dma_semaphore, #tpu.memory_space<semaphore_mem>>)
      %dma_wait3A_265 = arith.constant 0 : i32
      %dma_wait3A_266 = arith.constant 2 : i32
      %dma_wait3A_267 = arith.constant 2 : i32
      %dma_wait3A_268 = arith.constant 0 : i32
      %dma_wait3A_269 = arith.constant 0 : i32
      %dma_wait3A_270 = tpu.memref_slice %arg6[%dma_wait3A_266, %dma_wait3A_268, %dma_wait3A_269] : memref<4x128x64xf32, #tpu.memory_space<vmem>> -> memref<1x128x64xf32, #tpu.memory_space<vmem>>
      %dma_wait3A_271 = tpu.memref_squeeze %dma_wait3A_270 : memref<1x128x64xf32, #tpu.memory_space<vmem>> -> memref<128x64xf32, #tpu.memory_space<vmem>>
      %dma_wait3A_272 = arith.constant 0 : i32
      %dma_wait3A_273 = tpu.memref_slice %arg5[%dma_wait3A_265, %dma_wait3A_272] : memref<50x512xi32, #tpu.memory_space<vmem>> -> memref<1x128xi32, #tpu.memory_space<vmem>>
      %dma_wait3A_274 = tpu.memref_squeeze %dma_wait3A_273 : memref<1x128xi32, #tpu.memory_space<vmem>> -> memref<128xi32, #tpu.memory_space<vmem>>
      %dma_wait3A_275 = arith.constant 0 : i32
      %dma_wait3A_276 = arith.constant 0 : i32
      %dma_wait3A_277 = tpu.memref_slice %arg2[%dma_wait3A_275, %dma_wait3A_276] : memref<1000000x64xf32, #tpu.memory_space<hbm>> -> memref<1000000x64xf32, #tpu.memory_space<hbm>>
      %dma_wait3A_278 = tpu.memref_slice %arg9[%dma_wait3A_267] : memref<4x!tpu.dma_semaphore, #tpu.memory_space<semaphore_mem>> -> memref<1x!tpu.dma_semaphore, #tpu.memory_space<semaphore_mem>>
      %dma_wait3A_279 = tpu.memref_squeeze %dma_wait3A_278 : memref<1x!tpu.dma_semaphore, #tpu.memory_space<semaphore_mem>> -> memref<!tpu.dma_semaphore, #tpu.memory_space<semaphore_mem>>
      tpu.wait_indirect_dma semaphore(%dma_wait3A_279 : memref<!tpu.dma_semaphore, #tpu.memory_space<semaphore_mem>>) src(%dma_wait3A_277 : memref<1000000x64xf32, #tpu.memory_space<hbm>>) dst(%dma_wait3A_271 : memref<128x64xf32, #tpu.memory_space<vmem>>)
      %ge3A_280 = arith.constant 1 : i32
      %ge3A_281 = arith.cmpi sge, %scan3A_162, %ge3A_280 : i32
      %convert_element_type3A_282 = arith.extui %ge3A_281 : i1 to i32
      %cond3A_283 = arith.constant 0 : i32
      %cond3A_284 = arith.cmpi ne, %convert_element_type3A_282, %cond3A_283 : i32
      scf.if %cond3A_284 {
        %dma_wait3A_371 = arith.constant 2 : i32
        %dma_wait3A_372 = arith.constant 0 : i32
        %dma_wait3A_373 = arith.constant 2 : i32
        %dma_wait3A_374 = arith.constant 0 : i32
        %dma_wait3A_375 = arith.constant 0 : i32
        %dma_wait3A_376 = tpu.memref_slice %arg7[%dma_wait3A_371, %dma_wait3A_374, %dma_wait3A_375] : memref<4x128x64xf32, #tpu.memory_space<vmem>> -> memref<1x128x64xf32, #tpu.memory_space<vmem>>
        %dma_wait3A_377 = tpu.memref_squeeze %dma_wait3A_376 : memref<1x128x64xf32, #tpu.memory_space<vmem>> -> memref<128x64xf32, #tpu.memory_space<vmem>>
        %dma_wait3A_378 = arith.constant 0 : i32
        %dma_wait3A_379 = arith.constant 0 : i32
        %dma_wait3A_380 = tpu.memref_slice %arg4[%dma_wait3A_372, %dma_wait3A_378, %dma_wait3A_379] : memref<50x16384x64xf32, #tpu.memory_space<hbm>> -> memref<1x128x64xf32, #tpu.memory_space<hbm>>
        %dma_wait3A_381 = tpu.memref_squeeze %dma_wait3A_380 : memref<1x128x64xf32, #tpu.memory_space<hbm>> -> memref<128x64xf32, #tpu.memory_space<hbm>>
        %dma_wait3A_382 = tpu.memref_slice %arg10[%dma_wait3A_373] : memref<4x!tpu.dma_semaphore, #tpu.memory_space<semaphore_mem>> -> memref<1x!tpu.dma_semaphore, #tpu.memory_space<semaphore_mem>>
        %dma_wait3A_383 = tpu.memref_squeeze %dma_wait3A_382 : memref<1x!tpu.dma_semaphore, #tpu.memory_space<semaphore_mem>> -> memref<!tpu.dma_semaphore, #tpu.memory_space<semaphore_mem>>
        %dma_wait3A_384 = arith.constant 0 : i32
        %dma_wait3A_385 = arith.constant 0 : i32
        %dma_wait3A_386 = tpu.memref_slice %arg4[%dma_wait3A_372, %dma_wait3A_384, %dma_wait3A_385] : memref<50x16384x64xf32, #tpu.memory_space<hbm>> -> memref<1x128x64xf32, #tpu.memory_space<hbm>>
        %dma_wait3A_387 = tpu.memref_squeeze %dma_wait3A_386 : memref<1x128x64xf32, #tpu.memory_space<hbm>> -> memref<128x64xf32, #tpu.memory_space<hbm>>
        %dma_wait3A_388 = arith.constant 0 : i32
        %dma_wait3A_389 = arith.constant 0 : i32
        %dma_wait3A_390 = tpu.memref_slice %arg7[%dma_wait3A_371, %dma_wait3A_388, %dma_wait3A_389] : memref<4x128x64xf32, #tpu.memory_space<vmem>> -> memref<1x128x64xf32, #tpu.memory_space<vmem>>
        %dma_wait3A_391 = tpu.memref_squeeze %dma_wait3A_390 : memref<1x128x64xf32, #tpu.memory_space<vmem>> -> memref<128x64xf32, #tpu.memory_space<vmem>>
        tpu.wait_dma2 semaphore(%dma_wait3A_383 : memref<!tpu.dma_semaphore, #tpu.memory_space<semaphore_mem>>) src(%dma_wait3A_391 : memref<128x64xf32, #tpu.memory_space<vmem>>) dst(%dma_wait3A_387 : memref<128x64xf32, #tpu.memory_space<hbm>>)
      } else {
      }
      %scan3A_285 = arith.constant 0 : i32
      %scan3A_286 = arith.constant 0 : i32
      %scan3A_287 = arith.constant 32 : i32
      %scan3A_288 = arith.addi %scan3A_286, %scan3A_287 : i32
      %scan3A_289 = arith.constant 1 : i32
      scf.for %scan3A_371 = %scan3A_286 to %scan3A_288 step %scan3A_289  : i32 {
        %mul3A_372 = arith.constant 4 : i32
        %mul3A_373 = arith.muli %scan3A_371, %mul3A_372 : i32
        %add3A_374 = arith.constant 0 : i32
        %add3A_375 = arith.addi %mul3A_373, %add3A_374 : i32
        %get3A = arith.constant 2 : i32
        %get3A_376 = arith.index_cast %get3A : i32 to index
        %get3A_377 = arith.index_cast %add3A_375 : i32 to index
        %get3A_378 = arith.constant 0 : index
        %get3A_379 = tpu.vector_load %arg6[%get3A_376, %get3A_377, %get3A_378] {strides = array<i32>} : memref<4x128x64xf32, #tpu.memory_space<vmem>>, vector<1x1x16xf32>,
        %get3A_380 = vector.shape_cast %get3A_379 : vector<1x1x16xf32> to vector<16xf32>
        %mul3A_381 = arith.constant 8.000000e+00 : f32
        %mul3A_382 = vector.broadcast %mul3A_381 : f32 to vector<16xf32>
        %mul3A_383 = arith.mulf %get3A_380, %mul3A_382 : vector<16xf32>
        %swap3A = arith.constant 2 : i32
        %swap3A_384 = arith.index_cast %swap3A : i32 to index
        %swap3A_385 = arith.index_cast %add3A_375 : i32 to index
        %swap3A_386 = arith.constant 0 : index
        %swap3A_387 = tpu.vector_load %arg7[%swap3A_384, %swap3A_385, %swap3A_386] {strides = array<i32>} : memref<4x128x64xf32, #tpu.memory_space<vmem>>, vector<1x1x16xf32>,
        %swap3A_388 = vector.shape_cast %swap3A_387 : vector<1x1x16xf32> to vector<16xf32>
        %swap3A_389 = vector.shape_cast %mul3A_383 : vector<16xf32> to vector<1x1x16xf32>
        tpu.vector_store %arg7[%swap3A_384, %swap3A_385, %swap3A_386], %swap3A_389 {strides = array<i32>} : memref<4x128x64xf32, #tpu.memory_space<vmem>>, vector<1x1x16xf32>,
        %get3A_390 = arith.constant 2 : i32
        %get3A_391 = arith.index_cast %get3A_390 : i32 to index
        %get3A_392 = arith.index_cast %add3A_375 : i32 to index
        %get3A_393 = arith.constant 16 : index
        %get3A_394 = tpu.vector_load %arg6[%get3A_391, %get3A_392, %get3A_393] {strides = array<i32>} : memref<4x128x64xf32, #tpu.memory_space<vmem>>, vector<1x1x16xf32>,
        %get3A_395 = vector.shape_cast %get3A_394 : vector<1x1x16xf32> to vector<16xf32>
        %mul3A_396 = arith.constant 8.000000e+00 : f32
        %mul3A_397 = vector.broadcast %mul3A_396 : f32 to vector<16xf32>
        %mul3A_398 = arith.mulf %get3A_395, %mul3A_397 : vector<16xf32>
        %swap3A_399 = arith.constant 2 : i32
        %swap3A_400 = arith.index_cast %swap3A_399 : i32 to index
        %swap3A_401 = arith.index_cast %add3A_375 : i32 to index
        %swap3A_402 = arith.constant 16 : index
        %swap3A_403 = tpu.vector_load %arg7[%swap3A_400, %swap3A_401, %swap3A_402] {strides = array<i32>} : memref<4x128x64xf32, #tpu.memory_space<vmem>>, vector<1x1x16xf32>,
        %swap3A_404 = vector.shape_cast %swap3A_403 : vector<1x1x16xf32> to vector<16xf32>
        %swap3A_405 = vector.shape_cast %mul3A_398 : vector<16xf32> to vector<1x1x16xf32>
        tpu.vector_store %arg7[%swap3A_400, %swap3A_401, %swap3A_402], %swap3A_405 {strides = array<i32>} : memref<4x128x64xf32, #tpu.memory_space<vmem>>, vector<1x1x16xf32>,
        %get3A_406 = arith.constant 2 : i32
        %get3A_407 = arith.index_cast %get3A_406 : i32 to index
        %get3A_408 = arith.index_cast %add3A_375 : i32 to index
        %get3A_409 = arith.constant 32 : index
        %get3A_410 = tpu.vector_load %arg6[%get3A_407, %get3A_408, %get3A_409] {strides = array<i32>} : memref<4x128x64xf32, #tpu.memory_space<vmem>>, vector<1x1x16xf32>,
        %get3A_411 = vector.shape_cast %get3A_410 : vector<1x1x16xf32> to vector<16xf32>
        %mul3A_412 = arith.constant 8.000000e+00 : f32
        %mul3A_413 = vector.broadcast %mul3A_412 : f32 to vector<16xf32>
        %mul3A_414 = arith.mulf %get3A_411, %mul3A_413 : vector<16xf32>
        %swap3A_415 = arith.constant 2 : i32
        %swap3A_416 = arith.index_cast %swap3A_415 : i32 to index
        %swap3A_417 = arith.index_cast %add3A_375 : i32 to index
        %swap3A_418 = arith.constant 32 : index
        %swap3A_419 = tpu.vector_load %arg7[%swap3A_416, %swap3A_417, %swap3A_418] {strides = array<i32>} : memref<4x128x64xf32, #tpu.memory_space<vmem>>, vector<1x1x16xf32>,
        %swap3A_420 = vector.shape_cast %swap3A_419 : vector<1x1x16xf32> to vector<16xf32>
        %swap3A_421 = vector.shape_cast %mul3A_414 : vector<16xf32> to vector<1x1x16xf32>
        tpu.vector_store %arg7[%swap3A_416, %swap3A_417, %swap3A_418], %swap3A_421 {strides = array<i32>} : memref<4x128x64xf32, #tpu.memory_space<vmem>>, vector<1x1x16xf32>,
        %get3A_422 = arith.constant 2 : i32
        %get3A_423 = arith.index_cast %get3A_422 : i32 to index
        %get3A_424 = arith.index_cast %add3A_375 : i32 to index
        %get3A_425 = arith.constant 48 : index
        %get3A_426 = tpu.vector_load %arg6[%get3A_423, %get3A_424, %get3A_425] {strides = array<i32>} : memref<4x128x64xf32, #tpu.memory_space<vmem>>, vector<1x1x16xf32>,
        %get3A_427 = vector.shape_cast %get3A_426 : vector<1x1x16xf32> to vector<16xf32>
        %mul3A_428 = arith.constant 8.000000e+00 : f32
        %mul3A_429 = vector.broadcast %mul3A_428 : f32 to vector<16xf32>
        %mul3A_430 = arith.mulf %get3A_427, %mul3A_429 : vector<16xf32>
        %swap3A_431 = arith.constant 2 : i32
        %swap3A_432 = arith.index_cast %swap3A_431 : i32 to index
        %swap3A_433 = arith.index_cast %add3A_375 : i32 to index
        %swap3A_434 = arith.constant 48 : index
        %swap3A_435 = tpu.vector_load %arg7[%swap3A_432, %swap3A_433, %swap3A_434] {strides = array<i32>} : memref<4x128x64xf32, #tpu.memory_space<vmem>>, vector<1x1x16xf32>,
        %swap3A_436 = vector.shape_cast %swap3A_435 : vector<1x1x16xf32> to vector<16xf32>
        %swap3A_437 = vector.shape_cast %mul3A_430 : vector<16xf32> to vector<1x1x16xf32>
        tpu.vector_store %arg7[%swap3A_432, %swap3A_433, %swap3A_434], %swap3A_437 {strides = array<i32>} : memref<4x128x64xf32, #tpu.memory_space<vmem>>, vector<1x1x16xf32>,
        %mul3A_438 = arith.constant 4 : i32
        %mul3A_439 = arith.muli %scan3A_371, %mul3A_438 : i32
        %add3A_440 = arith.constant 1 : i32
        %add3A_441 = arith.addi %mul3A_439, %add3A_440 : i32
        %get3A_442 = arith.constant 2 : i32
        %get3A_443 = arith.index_cast %get3A_442 : i32 to index
        %get3A_444 = arith.index_cast %add3A_441 : i32 to index
        %get3A_445 = arith.constant 0 : index
        %get3A_446 = tpu.vector_load %arg6[%get3A_443, %get3A_444, %get3A_445] {strides = array<i32>} : memref<4x128x64xf32, #tpu.memory_space<vmem>>, vector<1x1x16xf32>,
        %get3A_447 = vector.shape_cast %get3A_446 : vector<1x1x16xf32> to vector<16xf32>
        %mul3A_448 = arith.constant 8.000000e+00 : f32
        %mul3A_449 = vector.broadcast %mul3A_448 : f32 to vector<16xf32>
        %mul3A_450 = arith.mulf %get3A_447, %mul3A_449 : vector<16xf32>
        %swap3A_451 = arith.constant 2 : i32
        %swap3A_452 = arith.index_cast %swap3A_451 : i32 to index
        %swap3A_453 = arith.index_cast %add3A_441 : i32 to index
        %swap3A_454 = arith.constant 0 : index
        %swap3A_455 = tpu.vector_load %arg7[%swap3A_452, %swap3A_453, %swap3A_454] {strides = array<i32>} : memref<4x128x64xf32, #tpu.memory_space<vmem>>, vector<1x1x16xf32>,
        %swap3A_456 = vector.shape_cast %swap3A_455 : vector<1x1x16xf32> to vector<16xf32>
        %swap3A_457 = vector.shape_cast %mul3A_450 : vector<16xf32> to vector<1x1x16xf32>
        tpu.vector_store %arg7[%swap3A_452, %swap3A_453, %swap3A_454], %swap3A_457 {strides = array<i32>} : memref<4x128x64xf32, #tpu.memory_space<vmem>>, vector<1x1x16xf32>,
        %get3A_458 = arith.constant 2 : i32
        %get3A_459 = arith.index_cast %get3A_458 : i32 to index
        %get3A_460 = arith.index_cast %add3A_441 : i32 to index
        %get3A_461 = arith.constant 16 : index
        %get3A_462 = tpu.vector_load %arg6[%get3A_459, %get3A_460, %get3A_461] {strides = array<i32>} : memref<4x128x64xf32, #tpu.memory_space<vmem>>, vector<1x1x16xf32>,
        %get3A_463 = vector.shape_cast %get3A_462 : vector<1x1x16xf32> to vector<16xf32>
        %mul3A_464 = arith.constant 8.000000e+00 : f32
        %mul3A_465 = vector.broadcast %mul3A_464 : f32 to vector<16xf32>
        %mul3A_466 = arith.mulf %get3A_463, %mul3A_465 : vector<16xf32>
        %swap3A_467 = arith.constant 2 : i32
        %swap3A_468 = arith.index_cast %swap3A_467 : i32 to index
        %swap3A_469 = arith.index_cast %add3A_441 : i32 to index
        %swap3A_470 = arith.constant 16 : index
        %swap3A_471 = tpu.vector_load %arg7[%swap3A_468, %swap3A_469, %swap3A_470] {strides = array<i32>} : memref<4x128x64xf32, #tpu.memory_space<vmem>>, vector<1x1x16xf32>,
        %swap3A_472 = vector.shape_cast %swap3A_471 : vector<1x1x16xf32> to vector<16xf32>
        %swap3A_473 = vector.shape_cast %mul3A_466 : vector<16xf32> to vector<1x1x16xf32>
        tpu.vector_store %arg7[%swap3A_468, %swap3A_469, %swap3A_470], %swap3A_473 {strides = array<i32>} : memref<4x128x64xf32, #tpu.memory_space<vmem>>, vector<1x1x16xf32>,
        %get3A_474 = arith.constant 2 : i32
        %get3A_475 = arith.index_cast %get3A_474 : i32 to index
        %get3A_476 = arith.index_cast %add3A_441 : i32 to index
        %get3A_477 = arith.constant 32 : index
        %get3A_478 = tpu.vector_load %arg6[%get3A_475, %get3A_476, %get3A_477] {strides = array<i32>} : memref<4x128x64xf32, #tpu.memory_space<vmem>>, vector<1x1x16xf32>,
        %get3A_479 = vector.shape_cast %get3A_478 : vector<1x1x16xf32> to vector<16xf32>
        %mul3A_480 = arith.constant 8.000000e+00 : f32
        %mul3A_481 = vector.broadcast %mul3A_480 : f32 to vector<16xf32>
        %mul3A_482 = arith.mulf %get3A_479, %mul3A_481 : vector<16xf32>
        %swap3A_483 = arith.constant 2 : i32
        %swap3A_484 = arith.index_cast %swap3A_483 : i32 to index
        %swap3A_485 = arith.index_cast %add3A_441 : i32 to index
        %swap3A_486 = arith.constant 32 : index
        %swap3A_487 = tpu.vector_load %arg7[%swap3A_484, %swap3A_485, %swap3A_486] {strides = array<i32>} : memref<4x128x64xf32, #tpu.memory_space<vmem>>, vector<1x1x16xf32>,
        %swap3A_488 = vector.shape_cast %swap3A_487 : vector<1x1x16xf32> to vector<16xf32>
        %swap3A_489 = vector.shape_cast %mul3A_482 : vector<16xf32> to vector<1x1x16xf32>
        tpu.vector_store %arg7[%swap3A_484, %swap3A_485, %swap3A_486], %swap3A_489 {strides = array<i32>} : memref<4x128x64xf32, #tpu.memory_space<vmem>>, vector<1x1x16xf32>,
        %get3A_490 = arith.constant 2 : i32
        %get3A_491 = arith.index_cast %get3A_490 : i32 to index
        %get3A_492 = arith.index_cast %add3A_441 : i32 to index
        %get3A_493 = arith.constant 48 : index
        %get3A_494 = tpu.vector_load %arg6[%get3A_491, %get3A_492, %get3A_493] {strides = array<i32>} : memref<4x128x64xf32, #tpu.memory_space<vmem>>, vector<1x1x16xf32>,
        %get3A_495 = vector.shape_cast %get3A_494 : vector<1x1x16xf32> to vector<16xf32>
        %mul3A_496 = arith.constant 8.000000e+00 : f32
        %mul3A_497 = vector.broadcast %mul3A_496 : f32 to vector<16xf32>
        %mul3A_498 = arith.mulf %get3A_495, %mul3A_497 : vector<16xf32>
        %swap3A_499 = arith.constant 2 : i32
        %swap3A_500 = arith.index_cast %swap3A_499 : i32 to index
        %swap3A_501 = arith.index_cast %add3A_441 : i32 to index
        %swap3A_502 = arith.constant 48 : index
        %swap3A_503 = tpu.vector_load %arg7[%swap3A_500, %swap3A_501, %swap3A_502] {strides = array<i32>} : memref<4x128x64xf32, #tpu.memory_space<vmem>>, vector<1x1x16xf32>,
        %swap3A_504 = vector.shape_cast %swap3A_503 : vector<1x1x16xf32> to vector<16xf32>
        %swap3A_505 = vector.shape_cast %mul3A_498 : vector<16xf32> to vector<1x1x16xf32>
        tpu.vector_store %arg7[%swap3A_500, %swap3A_501, %swap3A_502], %swap3A_505 {strides = array<i32>} : memref<4x128x64xf32, #tpu.memory_space<vmem>>, vector<1x1x16xf32>,
        %mul3A_506 = arith.constant 4 : i32
        %mul3A_507 = arith.muli %scan3A_371, %mul3A_506 : i32
        %add3A_508 = arith.constant 2 : i32
        %add3A_509 = arith.addi %mul3A_507, %add3A_508 : i32
        %get3A_510 = arith.constant 2 : i32
        %get3A_511 = arith.index_cast %get3A_510 : i32 to index
        %get3A_512 = arith.index_cast %add3A_509 : i32 to index
        %get3A_513 = arith.constant 0 : index
        %get3A_514 = tpu.vector_load %arg6[%get3A_511, %get3A_512, %get3A_513] {strides = array<i32>} : memref<4x128x64xf32, #tpu.memory_space<vmem>>, vector<1x1x16xf32>,
        %get3A_515 = vector.shape_cast %get3A_514 : vector<1x1x16xf32> to vector<16xf32>
        %mul3A_516 = arith.constant 8.000000e+00 : f32
        %mul3A_517 = vector.broadcast %mul3A_516 : f32 to vector<16xf32>
        %mul3A_518 = arith.mulf %get3A_515, %mul3A_517 : vector<16xf32>
        %swap3A_519 = arith.constant 2 : i32
        %swap3A_520 = arith.index_cast %swap3A_519 : i32 to index
        %swap3A_521 = arith.index_cast %add3A_509 : i32 to index
        %swap3A_522 = arith.constant 0 : index
        %swap3A_523 = tpu.vector_load %arg7[%swap3A_520, %swap3A_521, %swap3A_522] {strides = array<i32>} : memref<4x128x64xf32, #tpu.memory_space<vmem>>, vector<1x1x16xf32>,
        %swap3A_524 = vector.shape_cast %swap3A_523 : vector<1x1x16xf32> to vector<16xf32>
        %swap3A_525 = vector.shape_cast %mul3A_518 : vector<16xf32> to vector<1x1x16xf32>
        tpu.vector_store %arg7[%swap3A_520, %swap3A_521, %swap3A_522], %swap3A_525 {strides = array<i32>} : memref<4x128x64xf32, #tpu.memory_space<vmem>>, vector<1x1x16xf32>,
        %get3A_526 = arith.constant 2 : i32
        %get3A_527 = arith.index_cast %get3A_526 : i32 to index
        %get3A_528 = arith.index_cast %add3A_509 : i32 to index
        %get3A_529 = arith.constant 16 : index
        %get3A_530 = tpu.vector_load %arg6[%get3A_527, %get3A_528, %get3A_529] {strides = array<i32>} : memref<4x128x64xf32, #tpu.memory_space<vmem>>, vector<1x1x16xf32>,
        %get3A_531 = vector.shape_cast %get3A_530 : vector<1x1x16xf32> to vector<16xf32>
        %mul3A_532 = arith.constant 8.000000e+00 : f32
        %mul3A_533 = vector.broadcast %mul3A_532 : f32 to vector<16xf32>
        %mul3A_534 = arith.mulf %get3A_531, %mul3A_533 : vector<16xf32>
        %swap3A_535 = arith.constant 2 : i32
        %swap3A_536 = arith.index_cast %swap3A_535 : i32 to index
        %swap3A_537 = arith.index_cast %add3A_509 : i32 to index
        %swap3A_538 = arith.constant 16 : index
        %swap3A_539 = tpu.vector_load %arg7[%swap3A_536, %swap3A_537, %swap3A_538] {strides = array<i32>} : memref<4x128x64xf32, #tpu.memory_space<vmem>>, vector<1x1x16xf32>,
        %swap3A_540 = vector.shape_cast %swap3A_539 : vector<1x1x16xf32> to vector<16xf32>
        %swap3A_541 = vector.shape_cast %mul3A_534 : vector<16xf32> to vector<1x1x16xf32>
        tpu.vector_store %arg7[%swap3A_536, %swap3A_537, %swap3A_538], %swap3A_541 {strides = array<i32>} : memref<4x128x64xf32, #tpu.memory_space<vmem>>, vector<1x1x16xf32>,
        %get3A_542 = arith.constant 2 : i32
        %get3A_543 = arith.index_cast %get3A_542 : i32 to index
        %get3A_544 = arith.index_cast %add3A_509 : i32 to index
        %get3A_545 = arith.constant 32 : index
        %get3A_546 = tpu.vector_load %arg6[%get3A_543, %get3A_544, %get3A_545] {strides = array<i32>} : memref<4x128x64xf32, #tpu.memory_space<vmem>>, vector<1x1x16xf32>,
        %get3A_547 = vector.shape_cast %get3A_546 : vector<1x1x16xf32> to vector<16xf32>
        %mul3A_548 = arith.constant 8.000000e+00 : f32
        %mul3A_549 = vector.broadcast %mul3A_548 : f32 to vector<16xf32>
        %mul3A_550 = arith.mulf %get3A_547, %mul3A_549 : vector<16xf32>
        %swap3A_551 = arith.constant 2 : i32
        %swap3A_552 = arith.index_cast %swap3A_551 : i32 to index
        %swap3A_553 = arith.index_cast %add3A_509 : i32 to index
        %swap3A_554 = arith.constant 32 : index
        %swap3A_555 = tpu.vector_load %arg7[%swap3A_552, %swap3A_553, %swap3A_554] {strides = array<i32>} : memref<4x128x64xf32, #tpu.memory_space<vmem>>, vector<1x1x16xf32>,
        %swap3A_556 = vector.shape_cast %swap3A_555 : vector<1x1x16xf32> to vector<16xf32>
        %swap3A_557 = vector.shape_cast %mul3A_550 : vector<16xf32> to vector<1x1x16xf32>
        tpu.vector_store %arg7[%swap3A_552, %swap3A_553, %swap3A_554], %swap3A_557 {strides = array<i32>} : memref<4x128x64xf32, #tpu.memory_space<vmem>>, vector<1x1x16xf32>,
        %get3A_558 = arith.constant 2 : i32
        %get3A_559 = arith.index_cast %get3A_558 : i32 to index
        %get3A_560 = arith.index_cast %add3A_509 : i32 to index
        %get3A_561 = arith.constant 48 : index
        %get3A_562 = tpu.vector_load %arg6[%get3A_559, %get3A_560, %get3A_561] {strides = array<i32>} : memref<4x128x64xf32, #tpu.memory_space<vmem>>, vector<1x1x16xf32>,
        %get3A_563 = vector.shape_cast %get3A_562 : vector<1x1x16xf32> to vector<16xf32>
        %mul3A_564 = arith.constant 8.000000e+00 : f32
        %mul3A_565 = vector.broadcast %mul3A_564 : f32 to vector<16xf32>
        %mul3A_566 = arith.mulf %get3A_563, %mul3A_565 : vector<16xf32>
        %swap3A_567 = arith.constant 2 : i32
        %swap3A_568 = arith.index_cast %swap3A_567 : i32 to index
        %swap3A_569 = arith.index_cast %add3A_509 : i32 to index
        %swap3A_570 = arith.constant 48 : index
        %swap3A_571 = tpu.vector_load %arg7[%swap3A_568, %swap3A_569, %swap3A_570] {strides = array<i32>} : memref<4x128x64xf32, #tpu.memory_space<vmem>>, vector<1x1x16xf32>,
        %swap3A_572 = vector.shape_cast %swap3A_571 : vector<1x1x16xf32> to vector<16xf32>
        %swap3A_573 = vector.shape_cast %mul3A_566 : vector<16xf32> to vector<1x1x16xf32>
        tpu.vector_store %arg7[%swap3A_568, %swap3A_569, %swap3A_570], %swap3A_573 {strides = array<i32>} : memref<4x128x64xf32, #tpu.memory_space<vmem>>, vector<1x1x16xf32>,
        %mul3A_574 = arith.constant 4 : i32
        %mul3A_575 = arith.muli %scan3A_371, %mul3A_574 : i32
        %add3A_576 = arith.constant 3 : i32
        %add3A_577 = arith.addi %mul3A_575, %add3A_576 : i32
        %get3A_578 = arith.constant 2 : i32
        %get3A_579 = arith.index_cast %get3A_578 : i32 to index
        %get3A_580 = arith.index_cast %add3A_577 : i32 to index
        %get3A_581 = arith.constant 0 : index
        %get3A_582 = tpu.vector_load %arg6[%get3A_579, %get3A_580, %get3A_581] {strides = array<i32>} : memref<4x128x64xf32, #tpu.memory_space<vmem>>, vector<1x1x16xf32>,
        %get3A_583 = vector.shape_cast %get3A_582 : vector<1x1x16xf32> to vector<16xf32>
        %mul3A_584 = arith.constant 8.000000e+00 : f32
        %mul3A_585 = vector.broadcast %mul3A_584 : f32 to vector<16xf32>
        %mul3A_586 = arith.mulf %get3A_583, %mul3A_585 : vector<16xf32>
        %swap3A_587 = arith.constant 2 : i32
        %swap3A_588 = arith.index_cast %swap3A_587 : i32 to index
        %swap3A_589 = arith.index_cast %add3A_577 : i32 to index
        %swap3A_590 = arith.constant 0 : index
        %swap3A_591 = tpu.vector_load %arg7[%swap3A_588, %swap3A_589, %swap3A_590] {strides = array<i32>} : memref<4x128x64xf32, #tpu.memory_space<vmem>>, vector<1x1x16xf32>,
        %swap3A_592 = vector.shape_cast %swap3A_591 : vector<1x1x16xf32> to vector<16xf32>
        %swap3A_593 = vector.shape_cast %mul3A_586 : vector<16xf32> to vector<1x1x16xf32>
        tpu.vector_store %arg7[%swap3A_588, %swap3A_589, %swap3A_590], %swap3A_593 {strides = array<i32>} : memref<4x128x64xf32, #tpu.memory_space<vmem>>, vector<1x1x16xf32>,
        %get3A_594 = arith.constant 2 : i32
        %get3A_595 = arith.index_cast %get3A_594 : i32 to index
        %get3A_596 = arith.index_cast %add3A_577 : i32 to index
        %get3A_597 = arith.constant 16 : index
        %get3A_598 = tpu.vector_load %arg6[%get3A_595, %get3A_596, %get3A_597] {strides = array<i32>} : memref<4x128x64xf32, #tpu.memory_space<vmem>>, vector<1x1x16xf32>,
        %get3A_599 = vector.shape_cast %get3A_598 : vector<1x1x16xf32> to vector<16xf32>
        %mul3A_600 = arith.constant 8.000000e+00 : f32
        %mul3A_601 = vector.broadcast %mul3A_600 : f32 to vector<16xf32>
        %mul3A_602 = arith.mulf %get3A_599, %mul3A_601 : vector<16xf32>
        %swap3A_603 = arith.constant 2 : i32
        %swap3A_604 = arith.index_cast %swap3A_603 : i32 to index
        %swap3A_605 = arith.index_cast %add3A_577 : i32 to index
        %swap3A_606 = arith.constant 16 : index
        %swap3A_607 = tpu.vector_load %arg7[%swap3A_604, %swap3A_605, %swap3A_606] {strides = array<i32>} : memref<4x128x64xf32, #tpu.memory_space<vmem>>, vector<1x1x16xf32>,
        %swap3A_608 = vector.shape_cast %swap3A_607 : vector<1x1x16xf32> to vector<16xf32>
        %swap3A_609 = vector.shape_cast %mul3A_602 : vector<16xf32> to vector<1x1x16xf32>
        tpu.vector_store %arg7[%swap3A_604, %swap3A_605, %swap3A_606], %swap3A_609 {strides = array<i32>} : memref<4x128x64xf32, #tpu.memory_space<vmem>>, vector<1x1x16xf32>,
        %get3A_610 = arith.constant 2 : i32
        %get3A_611 = arith.index_cast %get3A_610 : i32 to index
        %get3A_612 = arith.index_cast %add3A_577 : i32 to index
        %get3A_613 = arith.constant 32 : index
        %get3A_614 = tpu.vector_load %arg6[%get3A_611, %get3A_612, %get3A_613] {strides = array<i32>} : memref<4x128x64xf32, #tpu.memory_space<vmem>>, vector<1x1x16xf32>,
        %get3A_615 = vector.shape_cast %get3A_614 : vector<1x1x16xf32> to vector<16xf32>
        %mul3A_616 = arith.constant 8.000000e+00 : f32
        %mul3A_617 = vector.broadcast %mul3A_616 : f32 to vector<16xf32>
        %mul3A_618 = arith.mulf %get3A_615, %mul3A_617 : vector<16xf32>
        %swap3A_619 = arith.constant 2 : i32
        %swap3A_620 = arith.index_cast %swap3A_619 : i32 to index
        %swap3A_621 = arith.index_cast %add3A_577 : i32 to index
        %swap3A_622 = arith.constant 32 : index
        %swap3A_623 = tpu.vector_load %arg7[%swap3A_620, %swap3A_621, %swap3A_622] {strides = array<i32>} : memref<4x128x64xf32, #tpu.memory_space<vmem>>, vector<1x1x16xf32>,
        %swap3A_624 = vector.shape_cast %swap3A_623 : vector<1x1x16xf32> to vector<16xf32>
        %swap3A_625 = vector.shape_cast %mul3A_618 : vector<16xf32> to vector<1x1x16xf32>
        tpu.vector_store %arg7[%swap3A_620, %swap3A_621, %swap3A_622], %swap3A_625 {strides = array<i32>} : memref<4x128x64xf32, #tpu.memory_space<vmem>>, vector<1x1x16xf32>,
        %get3A_626 = arith.constant 2 : i32
        %get3A_627 = arith.index_cast %get3A_626 : i32 to index
        %get3A_628 = arith.index_cast %add3A_577 : i32 to index
        %get3A_629 = arith.constant 48 : index
        %get3A_630 = tpu.vector_load %arg6[%get3A_627, %get3A_628, %get3A_629] {strides = array<i32>} : memref<4x128x64xf32, #tpu.memory_space<vmem>>, vector<1x1x16xf32>,
        %get3A_631 = vector.shape_cast %get3A_630 : vector<1x1x16xf32> to vector<16xf32>
        %mul3A_632 = arith.constant 8.000000e+00 : f32
        %mul3A_633 = vector.broadcast %mul3A_632 : f32 to vector<16xf32>
        %mul3A_634 = arith.mulf %get3A_631, %mul3A_633 : vector<16xf32>
        %swap3A_635 = arith.constant 2 : i32
        %swap3A_636 = arith.index_cast %swap3A_635 : i32 to index
        %swap3A_637 = arith.index_cast %add3A_577 : i32 to index
        %swap3A_638 = arith.constant 48 : index
        %swap3A_639 = tpu.vector_load %arg7[%swap3A_636, %swap3A_637, %swap3A_638] {strides = array<i32>} : memref<4x128x64xf32, #tpu.memory_space<vmem>>, vector<1x1x16xf32>,
        %swap3A_640 = vector.shape_cast %swap3A_639 : vector<1x1x16xf32> to vector<16xf32>
        %swap3A_641 = vector.shape_cast %mul3A_634 : vector<16xf32> to vector<1x1x16xf32>
        tpu.vector_store %arg7[%swap3A_636, %swap3A_637, %swap3A_638], %swap3A_641 {strides = array<i32>} : memref<4x128x64xf32, #tpu.memory_space<vmem>>, vector<1x1x16xf32>,
      }
      %scan3A_290 = arith.constant 32 : i32
      %add3A_291 = arith.constant 1 : i32
      %add3A_292 = arith.addi %scan3A_162, %add3A_291 : i32
      %lt3A_293 = arith.constant 50 : i32
      %lt3A_294 = arith.cmpi slt, %add3A_292, %lt3A_293 : i32
      %convert_element_type3A_295 = arith.extui %lt3A_294 : i1 to i32
      %cond3A_296 = arith.constant 0 : i32
      %cond3A_297 = arith.cmpi ne, %convert_element_type3A_295, %cond3A_296 : i32
      scf.if %cond3A_297 {
        %add3A_371 = arith.constant 1 : i32
        %add3A_372 = arith.addi %scan3A_162, %add3A_371 : i32
        %dma_start3A_373 = arith.constant 2 : i32
        %dma_start3A_374 = arith.constant 2 : i32
        %dma_start3A_375 = arith.constant 0 : i32
        %dma_start3A_376 = arith.constant 0 : i32
        %dma_start3A_377 = tpu.memref_slice %arg6[%dma_start3A_373, %dma_start3A_375, %dma_start3A_376] : memref<4x128x64xf32, #tpu.memory_space<vmem>> -> memref<1x128x64xf32, #tpu.memory_space<vmem>>
        %dma_start3A_378 = tpu.memref_squeeze %dma_start3A_377 : memref<1x128x64xf32, #tpu.memory_space<vmem>> -> memref<128x64xf32, #tpu.memory_space<vmem>>
        %dma_start3A_379 = arith.constant 256 : i32
        %dma_start3A_380 = tpu.memref_slice %arg5[%add3A_372, %dma_start3A_379] : memref<50x512xi32, #tpu.memory_space<vmem>> -> memref<1x128xi32, #tpu.memory_space<vmem>>
        %dma_start3A_381 = tpu.memref_squeeze %dma_start3A_380 : memref<1x128xi32, #tpu.memory_space<vmem>> -> memref<128xi32, #tpu.memory_space<vmem>>
        %dma_start3A_382 = arith.constant 0 : i32
        %dma_start3A_383 = arith.constant 0 : i32
        %dma_start3A_384 = tpu.memref_slice %arg2[%dma_start3A_382, %dma_start3A_383] : memref<1000000x64xf32, #tpu.memory_space<hbm>> -> memref<1000000x64xf32, #tpu.memory_space<hbm>>
        %dma_start3A_385 = tpu.memref_slice %arg9[%dma_start3A_374] : memref<4x!tpu.dma_semaphore, #tpu.memory_space<semaphore_mem>> -> memref<1x!tpu.dma_semaphore, #tpu.memory_space<semaphore_mem>>
        %dma_start3A_386 = tpu.memref_squeeze %dma_start3A_385 : memref<1x!tpu.dma_semaphore, #tpu.memory_space<semaphore_mem>> -> memref<!tpu.dma_semaphore, #tpu.memory_space<semaphore_mem>>
        tpu.enqueue_indirect_dma source(%dma_start3A_384 : memref<1000000x64xf32, #tpu.memory_space<hbm>>) target(%dma_start3A_378 : memref<128x64xf32, #tpu.memory_space<vmem>>) offsets(%dma_start3A_381 : memref<128xi32, #tpu.memory_space<vmem>>) semaphore(%dma_start3A_386 : memref<!tpu.dma_semaphore, #tpu.memory_space<semaphore_mem>>)
      } else {
      }
      %add3A_298 = arith.constant 256 : i32
      %add3A_299 = arith.addi %mul3A_2, %add3A_298 : i32
      %dma_start3A_300 = arith.constant 2 : i32
      %dma_start3A_301 = arith.constant 2 : i32
      %dma_start3A_302 = arith.constant 0 : i32
      %dma_start3A_303 = arith.constant 0 : i32
      %dma_start3A_304 = tpu.memref_slice %arg7[%dma_start3A_300, %dma_start3A_302, %dma_start3A_303] : memref<4x128x64xf32, #tpu.memory_space<vmem>> -> memref<1x128x64xf32, #tpu.memory_space<vmem>>
      %dma_start3A_305 = tpu.memref_squeeze %dma_start3A_304 : memref<1x128x64xf32, #tpu.memory_space<vmem>> -> memref<128x64xf32, #tpu.memory_space<vmem>>
      %dma_start3A_306 = arith.constant 0 : i32
      %dma_start3A_307 = tpu.memref_slice %arg4[%scan3A_162, %add3A_299, %dma_start3A_306] : memref<50x16384x64xf32, #tpu.memory_space<hbm>> -> memref<1x128x64xf32, #tpu.memory_space<hbm>>
      %dma_start3A_308 = tpu.memref_squeeze %dma_start3A_307 : memref<1x128x64xf32, #tpu.memory_space<hbm>> -> memref<128x64xf32, #tpu.memory_space<hbm>>
      %dma_start3A_309 = tpu.memref_slice %arg10[%dma_start3A_301] : memref<4x!tpu.dma_semaphore, #tpu.memory_space<semaphore_mem>> -> memref<1x!tpu.dma_semaphore, #tpu.memory_space<semaphore_mem>>
      %dma_start3A_310 = tpu.memref_squeeze %dma_start3A_309 : memref<1x!tpu.dma_semaphore, #tpu.memory_space<semaphore_mem>> -> memref<!tpu.dma_semaphore, #tpu.memory_space<semaphore_mem>>
      %dma_start3A_311 = arith.constant 0 : i32
      %dma_start3A_312 = tpu.memref_slice %arg4[%scan3A_162, %add3A_299, %dma_start3A_311] : memref<50x16384x64xf32, #tpu.memory_space<hbm>> -> memref<1x128x64xf32, #tpu.memory_space<hbm>>
      %dma_start3A_313 = tpu.memref_squeeze %dma_start3A_312 : memref<1x128x64xf32, #tpu.memory_space<hbm>> -> memref<128x64xf32, #tpu.memory_space<hbm>>
      %dma_start3A_314 = arith.constant 0 : i32
      %dma_start3A_315 = arith.constant 0 : i32
      %dma_start3A_316 = tpu.memref_slice %arg7[%dma_start3A_300, %dma_start3A_314, %dma_start3A_315] : memref<4x128x64xf32, #tpu.memory_space<vmem>> -> memref<1x128x64xf32, #tpu.memory_space<vmem>>
      %dma_start3A_317 = tpu.memref_squeeze %dma_start3A_316 : memref<1x128x64xf32, #tpu.memory_space<vmem>> -> memref<128x64xf32, #tpu.memory_space<vmem>>
      tpu.enqueue_dma source(%dma_start3A_317 : memref<128x64xf32, #tpu.memory_space<vmem>>) target(%dma_start3A_313 : memref<128x64xf32, #tpu.memory_space<hbm>>) target_semaphore(%dma_start3A_310 : memref<!tpu.dma_semaphore, #tpu.memory_space<semaphore_mem>>)
      %dma_wait3A_318 = arith.constant 0 : i32
      %dma_wait3A_319 = arith.constant 3 : i32
      %dma_wait3A_320 = arith.constant 3 : i32
      %dma_wait3A_321 = arith.constant 0 : i32
      %dma_wait3A_322 = arith.constant 0 : i32
      %dma_wait3A_323 = tpu.memref_slice %arg6[%dma_wait3A_319, %dma_wait3A_321, %dma_wait3A_322] : memref<4x128x64xf32, #tpu.memory_space<vmem>> -> memref<1x128x64xf32, #tpu.memory_space<vmem>>
      %dma_wait3A_324 = tpu.memref_squeeze %dma_wait3A_323 : memref<1x128x64xf32, #tpu.memory_space<vmem>> -> memref<128x64xf32, #tpu.memory_space<vmem>>
      %dma_wait3A_325 = arith.constant 0 : i32
      %dma_wait3A_326 = tpu.memref_slice %arg5[%dma_wait3A_318, %dma_wait3A_325] : memref<50x512xi32, #tpu.memory_space<vmem>> -> memref<1x128xi32, #tpu.memory_space<vmem>>
      %dma_wait3A_327 = tpu.memref_squeeze %dma_wait3A_326 : memref<1x128xi32, #tpu.memory_space<vmem>> -> memref<128xi32, #tpu.memory_space<vmem>>
      %dma_wait3A_328 = arith.constant 0 : i32
      %dma_wait3A_329 = arith.constant 0 : i32
      %dma_wait3A_330 = tpu.memref_slice %arg2[%dma_wait3A_328, %dma_wait3A_329] : memref<1000000x64xf32, #tpu.memory_space<hbm>> -> memref<1000000x64xf32, #tpu.memory_space<hbm>>
      %dma_wait3A_331 = tpu.memref_slice %arg9[%dma_wait3A_320] : memref<4x!tpu.dma_semaphore, #tpu.memory_space<semaphore_mem>> -> memref<1x!tpu.dma_semaphore, #tpu.memory_space<semaphore_mem>>
      %dma_wait3A_332 = tpu.memref_squeeze %dma_wait3A_331 : memref<1x!tpu.dma_semaphore, #tpu.memory_space<semaphore_mem>> -> memref<!tpu.dma_semaphore, #tpu.memory_space<semaphore_mem>>
      tpu.wait_indirect_dma semaphore(%dma_wait3A_332 : memref<!tpu.dma_semaphore, #tpu.memory_space<semaphore_mem>>) src(%dma_wait3A_330 : memref<1000000x64xf32, #tpu.memory_space<hbm>>) dst(%dma_wait3A_324 : memref<128x64xf32, #tpu.memory_space<vmem>>)
      %ge3A_333 = arith.constant 1 : i32
      %ge3A_334 = arith.cmpi sge, %scan3A_162, %ge3A_333 : i32
      %convert_element_type3A_335 = arith.extui %ge3A_334 : i1 to i32
      %cond3A_336 = arith.constant 0 : i32
      %cond3A_337 = arith.cmpi ne, %convert_element_type3A_335, %cond3A_336 : i32
      scf.if %cond3A_337 {
        %dma_wait3A_371 = arith.constant 3 : i32
        %dma_wait3A_372 = arith.constant 0 : i32
        %dma_wait3A_373 = arith.constant 3 : i32
        %dma_wait3A_374 = arith.constant 0 : i32
        %dma_wait3A_375 = arith.constant 0 : i32
        %dma_wait3A_376 = tpu.memref_slice %arg7[%dma_wait3A_371, %dma_wait3A_374, %dma_wait3A_375] : memref<4x128x64xf32, #tpu.memory_space<vmem>> -> memref<1x128x64xf32, #tpu.memory_space<vmem>>
        %dma_wait3A_377 = tpu.memref_squeeze %dma_wait3A_376 : memref<1x128x64xf32, #tpu.memory_space<vmem>> -> memref<128x64xf32, #tpu.memory_space<vmem>>
        %dma_wait3A_378 = arith.constant 0 : i32
        %dma_wait3A_379 = arith.constant 0 : i32
        %dma_wait3A_380 = tpu.memref_slice %arg4[%dma_wait3A_372, %dma_wait3A_378, %dma_wait3A_379] : memref<50x16384x64xf32, #tpu.memory_space<hbm>> -> memref<1x128x64xf32, #tpu.memory_space<hbm>>
        %dma_wait3A_381 = tpu.memref_squeeze %dma_wait3A_380 : memref<1x128x64xf32, #tpu.memory_space<hbm>> -> memref<128x64xf32, #tpu.memory_space<hbm>>
        %dma_wait3A_382 = tpu.memref_slice %arg10[%dma_wait3A_373] : memref<4x!tpu.dma_semaphore, #tpu.memory_space<semaphore_mem>> -> memref<1x!tpu.dma_semaphore, #tpu.memory_space<semaphore_mem>>
        %dma_wait3A_383 = tpu.memref_squeeze %dma_wait3A_382 : memref<1x!tpu.dma_semaphore, #tpu.memory_space<semaphore_mem>> -> memref<!tpu.dma_semaphore, #tpu.memory_space<semaphore_mem>>
        %dma_wait3A_384 = arith.constant 0 : i32
        %dma_wait3A_385 = arith.constant 0 : i32
        %dma_wait3A_386 = tpu.memref_slice %arg4[%dma_wait3A_372, %dma_wait3A_384, %dma_wait3A_385] : memref<50x16384x64xf32, #tpu.memory_space<hbm>> -> memref<1x128x64xf32, #tpu.memory_space<hbm>>
        %dma_wait3A_387 = tpu.memref_squeeze %dma_wait3A_386 : memref<1x128x64xf32, #tpu.memory_space<hbm>> -> memref<128x64xf32, #tpu.memory_space<hbm>>
        %dma_wait3A_388 = arith.constant 0 : i32
        %dma_wait3A_389 = arith.constant 0 : i32
        %dma_wait3A_390 = tpu.memref_slice %arg7[%dma_wait3A_371, %dma_wait3A_388, %dma_wait3A_389] : memref<4x128x64xf32, #tpu.memory_space<vmem>> -> memref<1x128x64xf32, #tpu.memory_space<vmem>>
        %dma_wait3A_391 = tpu.memref_squeeze %dma_wait3A_390 : memref<1x128x64xf32, #tpu.memory_space<vmem>> -> memref<128x64xf32, #tpu.memory_space<vmem>>
        tpu.wait_dma2 semaphore(%dma_wait3A_383 : memref<!tpu.dma_semaphore, #tpu.memory_space<semaphore_mem>>) src(%dma_wait3A_391 : memref<128x64xf32, #tpu.memory_space<vmem>>) dst(%dma_wait3A_387 : memref<128x64xf32, #tpu.memory_space<hbm>>)
      } else {
      }
      %scan3A_338 = arith.constant 0 : i32
      %scan3A_339 = arith.constant 0 : i32
      %scan3A_340 = arith.constant 32 : i32
      %scan3A_341 = arith.addi %scan3A_339, %scan3A_340 : i32
      %scan3A_342 = arith.constant 1 : i32
      scf.for %scan3A_371 = %scan3A_339 to %scan3A_341 step %scan3A_342  : i32 {
        %mul3A_372 = arith.constant 4 : i32
        %mul3A_373 = arith.muli %scan3A_371, %mul3A_372 : i32
        %add3A_374 = arith.constant 0 : i32
        %add3A_375 = arith.addi %mul3A_373, %add3A_374 : i32
        %get3A = arith.constant 3 : i32
        %get3A_376 = arith.index_cast %get3A : i32 to index
        %get3A_377 = arith.index_cast %add3A_375 : i32 to index
        %get3A_378 = arith.constant 0 : index
        %get3A_379 = tpu.vector_load %arg6[%get3A_376, %get3A_377, %get3A_378] {strides = array<i32>} : memref<4x128x64xf32, #tpu.memory_space<vmem>>, vector<1x1x16xf32>,
        %get3A_380 = vector.shape_cast %get3A_379 : vector<1x1x16xf32> to vector<16xf32>
        %mul3A_381 = arith.constant 8.000000e+00 : f32
        %mul3A_382 = vector.broadcast %mul3A_381 : f32 to vector<16xf32>
        %mul3A_383 = arith.mulf %get3A_380, %mul3A_382 : vector<16xf32>
        %swap3A = arith.constant 3 : i32
        %swap3A_384 = arith.index_cast %swap3A : i32 to index
        %swap3A_385 = arith.index_cast %add3A_375 : i32 to index
        %swap3A_386 = arith.constant 0 : index
        %swap3A_387 = tpu.vector_load %arg7[%swap3A_384, %swap3A_385, %swap3A_386] {strides = array<i32>} : memref<4x128x64xf32, #tpu.memory_space<vmem>>, vector<1x1x16xf32>,
        %swap3A_388 = vector.shape_cast %swap3A_387 : vector<1x1x16xf32> to vector<16xf32>
        %swap3A_389 = vector.shape_cast %mul3A_383 : vector<16xf32> to vector<1x1x16xf32>
        tpu.vector_store %arg7[%swap3A_384, %swap3A_385, %swap3A_386], %swap3A_389 {strides = array<i32>} : memref<4x128x64xf32, #tpu.memory_space<vmem>>, vector<1x1x16xf32>,
        %get3A_390 = arith.constant 3 : i32
        %get3A_391 = arith.index_cast %get3A_390 : i32 to index
        %get3A_392 = arith.index_cast %add3A_375 : i32 to index
        %get3A_393 = arith.constant 16 : index
        %get3A_394 = tpu.vector_load %arg6[%get3A_391, %get3A_392, %get3A_393] {strides = array<i32>} : memref<4x128x64xf32, #tpu.memory_space<vmem>>, vector<1x1x16xf32>,
        %get3A_395 = vector.shape_cast %get3A_394 : vector<1x1x16xf32> to vector<16xf32>
        %mul3A_396 = arith.constant 8.000000e+00 : f32
        %mul3A_397 = vector.broadcast %mul3A_396 : f32 to vector<16xf32>
        %mul3A_398 = arith.mulf %get3A_395, %mul3A_397 : vector<16xf32>
        %swap3A_399 = arith.constant 3 : i32
        %swap3A_400 = arith.index_cast %swap3A_399 : i32 to index
        %swap3A_401 = arith.index_cast %add3A_375 : i32 to index
        %swap3A_402 = arith.constant 16 : index
        %swap3A_403 = tpu.vector_load %arg7[%swap3A_400, %swap3A_401, %swap3A_402] {strides = array<i32>} : memref<4x128x64xf32, #tpu.memory_space<vmem>>, vector<1x1x16xf32>,
        %swap3A_404 = vector.shape_cast %swap3A_403 : vector<1x1x16xf32> to vector<16xf32>
        %swap3A_405 = vector.shape_cast %mul3A_398 : vector<16xf32> to vector<1x1x16xf32>
        tpu.vector_store %arg7[%swap3A_400, %swap3A_401, %swap3A_402], %swap3A_405 {strides = array<i32>} : memref<4x128x64xf32, #tpu.memory_space<vmem>>, vector<1x1x16xf32>,
        %get3A_406 = arith.constant 3 : i32
        %get3A_407 = arith.index_cast %get3A_406 : i32 to index
        %get3A_408 = arith.index_cast %add3A_375 : i32 to index
        %get3A_409 = arith.constant 32 : index
        %get3A_410 = tpu.vector_load %arg6[%get3A_407, %get3A_408, %get3A_409] {strides = array<i32>} : memref<4x128x64xf32, #tpu.memory_space<vmem>>, vector<1x1x16xf32>,
        %get3A_411 = vector.shape_cast %get3A_410 : vector<1x1x16xf32> to vector<16xf32>
        %mul3A_412 = arith.constant 8.000000e+00 : f32
        %mul3A_413 = vector.broadcast %mul3A_412 : f32 to vector<16xf32>
        %mul3A_414 = arith.mulf %get3A_411, %mul3A_413 : vector<16xf32>
        %swap3A_415 = arith.constant 3 : i32
        %swap3A_416 = arith.index_cast %swap3A_415 : i32 to index
        %swap3A_417 = arith.index_cast %add3A_375 : i32 to index
        %swap3A_418 = arith.constant 32 : index
        %swap3A_419 = tpu.vector_load %arg7[%swap3A_416, %swap3A_417, %swap3A_418] {strides = array<i32>} : memref<4x128x64xf32, #tpu.memory_space<vmem>>, vector<1x1x16xf32>,
        %swap3A_420 = vector.shape_cast %swap3A_419 : vector<1x1x16xf32> to vector<16xf32>
        %swap3A_421 = vector.shape_cast %mul3A_414 : vector<16xf32> to vector<1x1x16xf32>
        tpu.vector_store %arg7[%swap3A_416, %swap3A_417, %swap3A_418], %swap3A_421 {strides = array<i32>} : memref<4x128x64xf32, #tpu.memory_space<vmem>>, vector<1x1x16xf32>,
        %get3A_422 = arith.constant 3 : i32
        %get3A_423 = arith.index_cast %get3A_422 : i32 to index
        %get3A_424 = arith.index_cast %add3A_375 : i32 to index
        %get3A_425 = arith.constant 48 : index
        %get3A_426 = tpu.vector_load %arg6[%get3A_423, %get3A_424, %get3A_425] {strides = array<i32>} : memref<4x128x64xf32, #tpu.memory_space<vmem>>, vector<1x1x16xf32>,
        %get3A_427 = vector.shape_cast %get3A_426 : vector<1x1x16xf32> to vector<16xf32>
        %mul3A_428 = arith.constant 8.000000e+00 : f32
        %mul3A_429 = vector.broadcast %mul3A_428 : f32 to vector<16xf32>
        %mul3A_430 = arith.mulf %get3A_427, %mul3A_429 : vector<16xf32>
        %swap3A_431 = arith.constant 3 : i32
        %swap3A_432 = arith.index_cast %swap3A_431 : i32 to index
        %swap3A_433 = arith.index_cast %add3A_375 : i32 to index
        %swap3A_434 = arith.constant 48 : index
        %swap3A_435 = tpu.vector_load %arg7[%swap3A_432, %swap3A_433, %swap3A_434] {strides = array<i32>} : memref<4x128x64xf32, #tpu.memory_space<vmem>>, vector<1x1x16xf32>,
        %swap3A_436 = vector.shape_cast %swap3A_435 : vector<1x1x16xf32> to vector<16xf32>
        %swap3A_437 = vector.shape_cast %mul3A_430 : vector<16xf32> to vector<1x1x16xf32>
        tpu.vector_store %arg7[%swap3A_432, %swap3A_433, %swap3A_434], %swap3A_437 {strides = array<i32>} : memref<4x128x64xf32, #tpu.memory_space<vmem>>, vector<1x1x16xf32>,
        %mul3A_438 = arith.constant 4 : i32
        %mul3A_439 = arith.muli %scan3A_371, %mul3A_438 : i32
        %add3A_440 = arith.constant 1 : i32
        %add3A_441 = arith.addi %mul3A_439, %add3A_440 : i32
        %get3A_442 = arith.constant 3 : i32
        %get3A_443 = arith.index_cast %get3A_442 : i32 to index
        %get3A_444 = arith.index_cast %add3A_441 : i32 to index
        %get3A_445 = arith.constant 0 : index
        %get3A_446 = tpu.vector_load %arg6[%get3A_443, %get3A_444, %get3A_445] {strides = array<i32>} : memref<4x128x64xf32, #tpu.memory_space<vmem>>, vector<1x1x16xf32>,
        %get3A_447 = vector.shape_cast %get3A_446 : vector<1x1x16xf32> to vector<16xf32>
        %mul3A_448 = arith.constant 8.000000e+00 : f32
        %mul3A_449 = vector.broadcast %mul3A_448 : f32 to vector<16xf32>
        %mul3A_450 = arith.mulf %get3A_447, %mul3A_449 : vector<16xf32>
        %swap3A_451 = arith.constant 3 : i32
        %swap3A_452 = arith.index_cast %swap3A_451 : i32 to index
        %swap3A_453 = arith.index_cast %add3A_441 : i32 to index
        %swap3A_454 = arith.constant 0 : index
        %swap3A_455 = tpu.vector_load %arg7[%swap3A_452, %swap3A_453, %swap3A_454] {strides = array<i32>} : memref<4x128x64xf32, #tpu.memory_space<vmem>>, vector<1x1x16xf32>,
        %swap3A_456 = vector.shape_cast %swap3A_455 : vector<1x1x16xf32> to vector<16xf32>
        %swap3A_457 = vector.shape_cast %mul3A_450 : vector<16xf32> to vector<1x1x16xf32>
        tpu.vector_store %arg7[%swap3A_452, %swap3A_453, %swap3A_454], %swap3A_457 {strides = array<i32>} : memref<4x128x64xf32, #tpu.memory_space<vmem>>, vector<1x1x16xf32>,
        %get3A_458 = arith.constant 3 : i32
        %get3A_459 = arith.index_cast %get3A_458 : i32 to index
        %get3A_460 = arith.index_cast %add3A_441 : i32 to index
        %get3A_461 = arith.constant 16 : index
        %get3A_462 = tpu.vector_load %arg6[%get3A_459, %get3A_460, %get3A_461] {strides = array<i32>} : memref<4x128x64xf32, #tpu.memory_space<vmem>>, vector<1x1x16xf32>,
        %get3A_463 = vector.shape_cast %get3A_462 : vector<1x1x16xf32> to vector<16xf32>
        %mul3A_464 = arith.constant 8.000000e+00 : f32
        %mul3A_465 = vector.broadcast %mul3A_464 : f32 to vector<16xf32>
        %mul3A_466 = arith.mulf %get3A_463, %mul3A_465 : vector<16xf32>
        %swap3A_467 = arith.constant 3 : i32
        %swap3A_468 = arith.index_cast %swap3A_467 : i32 to index
        %swap3A_469 = arith.index_cast %add3A_441 : i32 to index
        %swap3A_470 = arith.constant 16 : index
        %swap3A_471 = tpu.vector_load %arg7[%swap3A_468, %swap3A_469, %swap3A_470] {strides = array<i32>} : memref<4x128x64xf32, #tpu.memory_space<vmem>>, vector<1x1x16xf32>,
        %swap3A_472 = vector.shape_cast %swap3A_471 : vector<1x1x16xf32> to vector<16xf32>
        %swap3A_473 = vector.shape_cast %mul3A_466 : vector<16xf32> to vector<1x1x16xf32>
        tpu.vector_store %arg7[%swap3A_468, %swap3A_469, %swap3A_470], %swap3A_473 {strides = array<i32>} : memref<4x128x64xf32, #tpu.memory_space<vmem>>, vector<1x1x16xf32>,
        %get3A_474 = arith.constant 3 : i32
        %get3A_475 = arith.index_cast %get3A_474 : i32 to index
        %get3A_476 = arith.index_cast %add3A_441 : i32 to index
        %get3A_477 = arith.constant 32 : index
        %get3A_478 = tpu.vector_load %arg6[%get3A_475, %get3A_476, %get3A_477] {strides = array<i32>} : memref<4x128x64xf32, #tpu.memory_space<vmem>>, vector<1x1x16xf32>,
        %get3A_479 = vector.shape_cast %get3A_478 : vector<1x1x16xf32> to vector<16xf32>
        %mul3A_480 = arith.constant 8.000000e+00 : f32
        %mul3A_481 = vector.broadcast %mul3A_480 : f32 to vector<16xf32>
        %mul3A_482 = arith.mulf %get3A_479, %mul3A_481 : vector<16xf32>
        %swap3A_483 = arith.constant 3 : i32
        %swap3A_484 = arith.index_cast %swap3A_483 : i32 to index
        %swap3A_485 = arith.index_cast %add3A_441 : i32 to index
        %swap3A_486 = arith.constant 32 : index
        %swap3A_487 = tpu.vector_load %arg7[%swap3A_484, %swap3A_485, %swap3A_486] {strides = array<i32>} : memref<4x128x64xf32, #tpu.memory_space<vmem>>, vector<1x1x16xf32>,
        %swap3A_488 = vector.shape_cast %swap3A_487 : vector<1x1x16xf32> to vector<16xf32>
        %swap3A_489 = vector.shape_cast %mul3A_482 : vector<16xf32> to vector<1x1x16xf32>
        tpu.vector_store %arg7[%swap3A_484, %swap3A_485, %swap3A_486], %swap3A_489 {strides = array<i32>} : memref<4x128x64xf32, #tpu.memory_space<vmem>>, vector<1x1x16xf32>,
        %get3A_490 = arith.constant 3 : i32
        %get3A_491 = arith.index_cast %get3A_490 : i32 to index
        %get3A_492 = arith.index_cast %add3A_441 : i32 to index
        %get3A_493 = arith.constant 48 : index
        %get3A_494 = tpu.vector_load %arg6[%get3A_491, %get3A_492, %get3A_493] {strides = array<i32>} : memref<4x128x64xf32, #tpu.memory_space<vmem>>, vector<1x1x16xf32>,
        %get3A_495 = vector.shape_cast %get3A_494 : vector<1x1x16xf32> to vector<16xf32>
        %mul3A_496 = arith.constant 8.000000e+00 : f32
        %mul3A_497 = vector.broadcast %mul3A_496 : f32 to vector<16xf32>
        %mul3A_498 = arith.mulf %get3A_495, %mul3A_497 : vector<16xf32>
        %swap3A_499 = arith.constant 3 : i32
        %swap3A_500 = arith.index_cast %swap3A_499 : i32 to index
        %swap3A_501 = arith.index_cast %add3A_441 : i32 to index
        %swap3A_502 = arith.constant 48 : index
        %swap3A_503 = tpu.vector_load %arg7[%swap3A_500, %swap3A_501, %swap3A_502] {strides = array<i32>} : memref<4x128x64xf32, #tpu.memory_space<vmem>>, vector<1x1x16xf32>,
        %swap3A_504 = vector.shape_cast %swap3A_503 : vector<1x1x16xf32> to vector<16xf32>
        %swap3A_505 = vector.shape_cast %mul3A_498 : vector<16xf32> to vector<1x1x16xf32>
        tpu.vector_store %arg7[%swap3A_500, %swap3A_501, %swap3A_502], %swap3A_505 {strides = array<i32>} : memref<4x128x64xf32, #tpu.memory_space<vmem>>, vector<1x1x16xf32>,
        %mul3A_506 = arith.constant 4 : i32
        %mul3A_507 = arith.muli %scan3A_371, %mul3A_506 : i32
        %add3A_508 = arith.constant 2 : i32
        %add3A_509 = arith.addi %mul3A_507, %add3A_508 : i32
        %get3A_510 = arith.constant 3 : i32
        %get3A_511 = arith.index_cast %get3A_510 : i32 to index
        %get3A_512 = arith.index_cast %add3A_509 : i32 to index
        %get3A_513 = arith.constant 0 : index
        %get3A_514 = tpu.vector_load %arg6[%get3A_511, %get3A_512, %get3A_513] {strides = array<i32>} : memref<4x128x64xf32, #tpu.memory_space<vmem>>, vector<1x1x16xf32>,
        %get3A_515 = vector.shape_cast %get3A_514 : vector<1x1x16xf32> to vector<16xf32>
        %mul3A_516 = arith.constant 8.000000e+00 : f32
        %mul3A_517 = vector.broadcast %mul3A_516 : f32 to vector<16xf32>
        %mul3A_518 = arith.mulf %get3A_515, %mul3A_517 : vector<16xf32>
        %swap3A_519 = arith.constant 3 : i32
        %swap3A_520 = arith.index_cast %swap3A_519 : i32 to index
        %swap3A_521 = arith.index_cast %add3A_509 : i32 to index
        %swap3A_522 = arith.constant 0 : index
        %swap3A_523 = tpu.vector_load %arg7[%swap3A_520, %swap3A_521, %swap3A_522] {strides = array<i32>} : memref<4x128x64xf32, #tpu.memory_space<vmem>>, vector<1x1x16xf32>,
        %swap3A_524 = vector.shape_cast %swap3A_523 : vector<1x1x16xf32> to vector<16xf32>
        %swap3A_525 = vector.shape_cast %mul3A_518 : vector<16xf32> to vector<1x1x16xf32>
        tpu.vector_store %arg7[%swap3A_520, %swap3A_521, %swap3A_522], %swap3A_525 {strides = array<i32>} : memref<4x128x64xf32, #tpu.memory_space<vmem>>, vector<1x1x16xf32>,
        %get3A_526 = arith.constant 3 : i32
        %get3A_527 = arith.index_cast %get3A_526 : i32 to index
        %get3A_528 = arith.index_cast %add3A_509 : i32 to index
        %get3A_529 = arith.constant 16 : index
        %get3A_530 = tpu.vector_load %arg6[%get3A_527, %get3A_528, %get3A_529] {strides = array<i32>} : memref<4x128x64xf32, #tpu.memory_space<vmem>>, vector<1x1x16xf32>,
        %get3A_531 = vector.shape_cast %get3A_530 : vector<1x1x16xf32> to vector<16xf32>
        %mul3A_532 = arith.constant 8.000000e+00 : f32
        %mul3A_533 = vector.broadcast %mul3A_532 : f32 to vector<16xf32>
        %mul3A_534 = arith.mulf %get3A_531, %mul3A_533 : vector<16xf32>
        %swap3A_535 = arith.constant 3 : i32
        %swap3A_536 = arith.index_cast %swap3A_535 : i32 to index
        %swap3A_537 = arith.index_cast %add3A_509 : i32 to index
        %swap3A_538 = arith.constant 16 : index
        %swap3A_539 = tpu.vector_load %arg7[%swap3A_536, %swap3A_537, %swap3A_538] {strides = array<i32>} : memref<4x128x64xf32, #tpu.memory_space<vmem>>, vector<1x1x16xf32>,
        %swap3A_540 = vector.shape_cast %swap3A_539 : vector<1x1x16xf32> to vector<16xf32>
        %swap3A_541 = vector.shape_cast %mul3A_534 : vector<16xf32> to vector<1x1x16xf32>
        tpu.vector_store %arg7[%swap3A_536, %swap3A_537, %swap3A_538], %swap3A_541 {strides = array<i32>} : memref<4x128x64xf32, #tpu.memory_space<vmem>>, vector<1x1x16xf32>,
        %get3A_542 = arith.constant 3 : i32
        %get3A_543 = arith.index_cast %get3A_542 : i32 to index
        %get3A_544 = arith.index_cast %add3A_509 : i32 to index
        %get3A_545 = arith.constant 32 : index
        %get3A_546 = tpu.vector_load %arg6[%get3A_543, %get3A_544, %get3A_545] {strides = array<i32>} : memref<4x128x64xf32, #tpu.memory_space<vmem>>, vector<1x1x16xf32>,
        %get3A_547 = vector.shape_cast %get3A_546 : vector<1x1x16xf32> to vector<16xf32>
        %mul3A_548 = arith.constant 8.000000e+00 : f32
        %mul3A_549 = vector.broadcast %mul3A_548 : f32 to vector<16xf32>
        %mul3A_550 = arith.mulf %get3A_547, %mul3A_549 : vector<16xf32>
        %swap3A_551 = arith.constant 3 : i32
        %swap3A_552 = arith.index_cast %swap3A_551 : i32 to index
        %swap3A_553 = arith.index_cast %add3A_509 : i32 to index
        %swap3A_554 = arith.constant 32 : index
        %swap3A_555 = tpu.vector_load %arg7[%swap3A_552, %swap3A_553, %swap3A_554] {strides = array<i32>} : memref<4x128x64xf32, #tpu.memory_space<vmem>>, vector<1x1x16xf32>,
        %swap3A_556 = vector.shape_cast %swap3A_555 : vector<1x1x16xf32> to vector<16xf32>
        %swap3A_557 = vector.shape_cast %mul3A_550 : vector<16xf32> to vector<1x1x16xf32>
        tpu.vector_store %arg7[%swap3A_552, %swap3A_553, %swap3A_554], %swap3A_557 {strides = array<i32>} : memref<4x128x64xf32, #tpu.memory_space<vmem>>, vector<1x1x16xf32>,
        %get3A_558 = arith.constant 3 : i32
        %get3A_559 = arith.index_cast %get3A_558 : i32 to index
        %get3A_560 = arith.index_cast %add3A_509 : i32 to index
        %get3A_561 = arith.constant 48 : index
        %get3A_562 = tpu.vector_load %arg6[%get3A_559, %get3A_560, %get3A_561] {strides = array<i32>} : memref<4x128x64xf32, #tpu.memory_space<vmem>>, vector<1x1x16xf32>,
        %get3A_563 = vector.shape_cast %get3A_562 : vector<1x1x16xf32> to vector<16xf32>
        %mul3A_564 = arith.constant 8.000000e+00 : f32
        %mul3A_565 = vector.broadcast %mul3A_564 : f32 to vector<16xf32>
        %mul3A_566 = arith.mulf %get3A_563, %mul3A_565 : vector<16xf32>
        %swap3A_567 = arith.constant 3 : i32
        %swap3A_568 = arith.index_cast %swap3A_567 : i32 to index
        %swap3A_569 = arith.index_cast %add3A_509 : i32 to index
        %swap3A_570 = arith.constant 48 : index
        %swap3A_571 = tpu.vector_load %arg7[%swap3A_568, %swap3A_569, %swap3A_570] {strides = array<i32>} : memref<4x128x64xf32, #tpu.memory_space<vmem>>, vector<1x1x16xf32>,
        %swap3A_572 = vector.shape_cast %swap3A_571 : vector<1x1x16xf32> to vector<16xf32>
        %swap3A_573 = vector.shape_cast %mul3A_566 : vector<16xf32> to vector<1x1x16xf32>
        tpu.vector_store %arg7[%swap3A_568, %swap3A_569, %swap3A_570], %swap3A_573 {strides = array<i32>} : memref<4x128x64xf32, #tpu.memory_space<vmem>>, vector<1x1x16xf32>,
        %mul3A_574 = arith.constant 4 : i32
        %mul3A_575 = arith.muli %scan3A_371, %mul3A_574 : i32
        %add3A_576 = arith.constant 3 : i32
        %add3A_577 = arith.addi %mul3A_575, %add3A_576 : i32
        %get3A_578 = arith.constant 3 : i32
        %get3A_579 = arith.index_cast %get3A_578 : i32 to index
        %get3A_580 = arith.index_cast %add3A_577 : i32 to index
        %get3A_581 = arith.constant 0 : index
        %get3A_582 = tpu.vector_load %arg6[%get3A_579, %get3A_580, %get3A_581] {strides = array<i32>} : memref<4x128x64xf32, #tpu.memory_space<vmem>>, vector<1x1x16xf32>,
        %get3A_583 = vector.shape_cast %get3A_582 : vector<1x1x16xf32> to vector<16xf32>
        %mul3A_584 = arith.constant 8.000000e+00 : f32
        %mul3A_585 = vector.broadcast %mul3A_584 : f32 to vector<16xf32>
        %mul3A_586 = arith.mulf %get3A_583, %mul3A_585 : vector<16xf32>
        %swap3A_587 = arith.constant 3 : i32
        %swap3A_588 = arith.index_cast %swap3A_587 : i32 to index
        %swap3A_589 = arith.index_cast %add3A_577 : i32 to index
        %swap3A_590 = arith.constant 0 : index
        %swap3A_591 = tpu.vector_load %arg7[%swap3A_588, %swap3A_589, %swap3A_590] {strides = array<i32>} : memref<4x128x64xf32, #tpu.memory_space<vmem>>, vector<1x1x16xf32>,
        %swap3A_592 = vector.shape_cast %swap3A_591 : vector<1x1x16xf32> to vector<16xf32>
        %swap3A_593 = vector.shape_cast %mul3A_586 : vector<16xf32> to vector<1x1x16xf32>
        tpu.vector_store %arg7[%swap3A_588, %swap3A_589, %swap3A_590], %swap3A_593 {strides = array<i32>} : memref<4x128x64xf32, #tpu.memory_space<vmem>>, vector<1x1x16xf32>,
        %get3A_594 = arith.constant 3 : i32
        %get3A_595 = arith.index_cast %get3A_594 : i32 to index
        %get3A_596 = arith.index_cast %add3A_577 : i32 to index
        %get3A_597 = arith.constant 16 : index
        %get3A_598 = tpu.vector_load %arg6[%get3A_595, %get3A_596, %get3A_597] {strides = array<i32>} : memref<4x128x64xf32, #tpu.memory_space<vmem>>, vector<1x1x16xf32>,
        %get3A_599 = vector.shape_cast %get3A_598 : vector<1x1x16xf32> to vector<16xf32>
        %mul3A_600 = arith.constant 8.000000e+00 : f32
        %mul3A_601 = vector.broadcast %mul3A_600 : f32 to vector<16xf32>
        %mul3A_602 = arith.mulf %get3A_599, %mul3A_601 : vector<16xf32>
        %swap3A_603 = arith.constant 3 : i32
        %swap3A_604 = arith.index_cast %swap3A_603 : i32 to index
        %swap3A_605 = arith.index_cast %add3A_577 : i32 to index
        %swap3A_606 = arith.constant 16 : index
        %swap3A_607 = tpu.vector_load %arg7[%swap3A_604, %swap3A_605, %swap3A_606] {strides = array<i32>} : memref<4x128x64xf32, #tpu.memory_space<vmem>>, vector<1x1x16xf32>,
        %swap3A_608 = vector.shape_cast %swap3A_607 : vector<1x1x16xf32> to vector<16xf32>
        %swap3A_609 = vector.shape_cast %mul3A_602 : vector<16xf32> to vector<1x1x16xf32>
        tpu.vector_store %arg7[%swap3A_604, %swap3A_605, %swap3A_606], %swap3A_609 {strides = array<i32>} : memref<4x128x64xf32, #tpu.memory_space<vmem>>, vector<1x1x16xf32>,
        %get3A_610 = arith.constant 3 : i32
        %get3A_611 = arith.index_cast %get3A_610 : i32 to index
        %get3A_612 = arith.index_cast %add3A_577 : i32 to index
        %get3A_613 = arith.constant 32 : index
        %get3A_614 = tpu.vector_load %arg6[%get3A_611, %get3A_612, %get3A_613] {strides = array<i32>} : memref<4x128x64xf32, #tpu.memory_space<vmem>>, vector<1x1x16xf32>,
        %get3A_615 = vector.shape_cast %get3A_614 : vector<1x1x16xf32> to vector<16xf32>
        %mul3A_616 = arith.constant 8.000000e+00 : f32
        %mul3A_617 = vector.broadcast %mul3A_616 : f32 to vector<16xf32>
        %mul3A_618 = arith.mulf %get3A_615, %mul3A_617 : vector<16xf32>
        %swap3A_619 = arith.constant 3 : i32
        %swap3A_620 = arith.index_cast %swap3A_619 : i32 to index
        %swap3A_621 = arith.index_cast %add3A_577 : i32 to index
        %swap3A_622 = arith.constant 32 : index
        %swap3A_623 = tpu.vector_load %arg7[%swap3A_620, %swap3A_621, %swap3A_622] {strides = array<i32>} : memref<4x128x64xf32, #tpu.memory_space<vmem>>, vector<1x1x16xf32>,
        %swap3A_624 = vector.shape_cast %swap3A_623 : vector<1x1x16xf32> to vector<16xf32>
        %swap3A_625 = vector.shape_cast %mul3A_618 : vector<16xf32> to vector<1x1x16xf32>
        tpu.vector_store %arg7[%swap3A_620, %swap3A_621, %swap3A_622], %swap3A_625 {strides = array<i32>} : memref<4x128x64xf32, #tpu.memory_space<vmem>>, vector<1x1x16xf32>,
        %get3A_626 = arith.constant 3 : i32
        %get3A_627 = arith.index_cast %get3A_626 : i32 to index
        %get3A_628 = arith.index_cast %add3A_577 : i32 to index
        %get3A_629 = arith.constant 48 : index
        %get3A_630 = tpu.vector_load %arg6[%get3A_627, %get3A_628, %get3A_629] {strides = array<i32>} : memref<4x128x64xf32, #tpu.memory_space<vmem>>, vector<1x1x16xf32>,
        %get3A_631 = vector.shape_cast %get3A_630 : vector<1x1x16xf32> to vector<16xf32>
        %mul3A_632 = arith.constant 8.000000e+00 : f32
        %mul3A_633 = vector.broadcast %mul3A_632 : f32 to vector<16xf32>
        %mul3A_634 = arith.mulf %get3A_631, %mul3A_633 : vector<16xf32>
        %swap3A_635 = arith.constant 3 : i32
        %swap3A_636 = arith.index_cast %swap3A_635 : i32 to index
        %swap3A_637 = arith.index_cast %add3A_577 : i32 to index
        %swap3A_638 = arith.constant 48 : index
        %swap3A_639 = tpu.vector_load %arg7[%swap3A_636, %swap3A_637, %swap3A_638] {strides = array<i32>} : memref<4x128x64xf32, #tpu.memory_space<vmem>>, vector<1x1x16xf32>,
        %swap3A_640 = vector.shape_cast %swap3A_639 : vector<1x1x16xf32> to vector<16xf32>
        %swap3A_641 = vector.shape_cast %mul3A_634 : vector<16xf32> to vector<1x1x16xf32>
        tpu.vector_store %arg7[%swap3A_636, %swap3A_637, %swap3A_638], %swap3A_641 {strides = array<i32>} : memref<4x128x64xf32, #tpu.memory_space<vmem>>, vector<1x1x16xf32>,
      }
      %scan3A_343 = arith.constant 32 : i32
      %add3A_344 = arith.constant 1 : i32
      %add3A_345 = arith.addi %scan3A_162, %add3A_344 : i32
      %lt3A_346 = arith.constant 50 : i32
      %lt3A_347 = arith.cmpi slt, %add3A_345, %lt3A_346 : i32
      %convert_element_type3A_348 = arith.extui %lt3A_347 : i1 to i32
      %cond3A_349 = arith.constant 0 : i32
      %cond3A_350 = arith.cmpi ne, %convert_element_type3A_348, %cond3A_349 : i32
      scf.if %cond3A_350 {
        %add3A_371 = arith.constant 1 : i32
        %add3A_372 = arith.addi %scan3A_162, %add3A_371 : i32
        %dma_start3A_373 = arith.constant 3 : i32
        %dma_start3A_374 = arith.constant 3 : i32
        %dma_start3A_375 = arith.constant 0 : i32
        %dma_start3A_376 = arith.constant 0 : i32
        %dma_start3A_377 = tpu.memref_slice %arg6[%dma_start3A_373, %dma_start3A_375, %dma_start3A_376] : memref<4x128x64xf32, #tpu.memory_space<vmem>> -> memref<1x128x64xf32, #tpu.memory_space<vmem>>
        %dma_start3A_378 = tpu.memref_squeeze %dma_start3A_377 : memref<1x128x64xf32, #tpu.memory_space<vmem>> -> memref<128x64xf32, #tpu.memory_space<vmem>>
        %dma_start3A_379 = arith.constant 384 : i32
        %dma_start3A_380 = tpu.memref_slice %arg5[%add3A_372, %dma_start3A_379] : memref<50x512xi32, #tpu.memory_space<vmem>> -> memref<1x128xi32, #tpu.memory_space<vmem>>
        %dma_start3A_381 = tpu.memref_squeeze %dma_start3A_380 : memref<1x128xi32, #tpu.memory_space<vmem>> -> memref<128xi32, #tpu.memory_space<vmem>>
        %dma_start3A_382 = arith.constant 0 : i32
        %dma_start3A_383 = arith.constant 0 : i32
        %dma_start3A_384 = tpu.memref_slice %arg2[%dma_start3A_382, %dma_start3A_383] : memref<1000000x64xf32, #tpu.memory_space<hbm>> -> memref<1000000x64xf32, #tpu.memory_space<hbm>>
        %dma_start3A_385 = tpu.memref_slice %arg9[%dma_start3A_374] : memref<4x!tpu.dma_semaphore, #tpu.memory_space<semaphore_mem>> -> memref<1x!tpu.dma_semaphore, #tpu.memory_space<semaphore_mem>>
        %dma_start3A_386 = tpu.memref_squeeze %dma_start3A_385 : memref<1x!tpu.dma_semaphore, #tpu.memory_space<semaphore_mem>> -> memref<!tpu.dma_semaphore, #tpu.memory_space<semaphore_mem>>
        tpu.enqueue_indirect_dma source(%dma_start3A_384 : memref<1000000x64xf32, #tpu.memory_space<hbm>>) target(%dma_start3A_378 : memref<128x64xf32, #tpu.memory_space<vmem>>) offsets(%dma_start3A_381 : memref<128xi32, #tpu.memory_space<vmem>>) semaphore(%dma_start3A_386 : memref<!tpu.dma_semaphore, #tpu.memory_space<semaphore_mem>>)
      } else {
      }
      %add3A_351 = arith.constant 384 : i32
      %add3A_352 = arith.addi %mul3A_2, %add3A_351 : i32
      %dma_start3A_353 = arith.constant 3 : i32
      %dma_start3A_354 = arith.constant 3 : i32
      %dma_start3A_355 = arith.constant 0 : i32
      %dma_start3A_356 = arith.constant 0 : i32
      %dma_start3A_357 = tpu.memref_slice %arg7[%dma_start3A_353, %dma_start3A_355, %dma_start3A_356] : memref<4x128x64xf32, #tpu.memory_space<vmem>> -> memref<1x128x64xf32, #tpu.memory_space<vmem>>
      %dma_start3A_358 = tpu.memref_squeeze %dma_start3A_357 : memref<1x128x64xf32, #tpu.memory_space<vmem>> -> memref<128x64xf32, #tpu.memory_space<vmem>>
      %dma_start3A_359 = arith.constant 0 : i32
      %dma_start3A_360 = tpu.memref_slice %arg4[%scan3A_162, %add3A_352, %dma_start3A_359] : memref<50x16384x64xf32, #tpu.memory_space<hbm>> -> memref<1x128x64xf32, #tpu.memory_space<hbm>>
      %dma_start3A_361 = tpu.memref_squeeze %dma_start3A_360 : memref<1x128x64xf32, #tpu.memory_space<hbm>> -> memref<128x64xf32, #tpu.memory_space<hbm>>
      %dma_start3A_362 = tpu.memref_slice %arg10[%dma_start3A_354] : memref<4x!tpu.dma_semaphore, #tpu.memory_space<semaphore_mem>> -> memref<1x!tpu.dma_semaphore, #tpu.memory_space<semaphore_mem>>
      %dma_start3A_363 = tpu.memref_squeeze %dma_start3A_362 : memref<1x!tpu.dma_semaphore, #tpu.memory_space<semaphore_mem>> -> memref<!tpu.dma_semaphore, #tpu.memory_space<semaphore_mem>>
      %dma_start3A_364 = arith.constant 0 : i32
      %dma_start3A_365 = tpu.memref_slice %arg4[%scan3A_162, %add3A_352, %dma_start3A_364] : memref<50x16384x64xf32, #tpu.memory_space<hbm>> -> memref<1x128x64xf32, #tpu.memory_space<hbm>>
      %dma_start3A_366 = tpu.memref_squeeze %dma_start3A_365 : memref<1x128x64xf32, #tpu.memory_space<hbm>> -> memref<128x64xf32, #tpu.memory_space<hbm>>
      %dma_start3A_367 = arith.constant 0 : i32
      %dma_start3A_368 = arith.constant 0 : i32
      %dma_start3A_369 = tpu.memref_slice %arg7[%dma_start3A_353, %dma_start3A_367, %dma_start3A_368] : memref<4x128x64xf32, #tpu.memory_space<vmem>> -> memref<1x128x64xf32, #tpu.memory_space<vmem>>
      %dma_start3A_370 = tpu.memref_squeeze %dma_start3A_369 : memref<1x128x64xf32, #tpu.memory_space<vmem>> -> memref<128x64xf32, #tpu.memory_space<vmem>>
      tpu.enqueue_dma source(%dma_start3A_370 : memref<128x64xf32, #tpu.memory_space<vmem>>) target(%dma_start3A_366 : memref<128x64xf32, #tpu.memory_space<hbm>>) target_semaphore(%dma_start3A_363 : memref<!tpu.dma_semaphore, #tpu.memory_space<semaphore_mem>>)
    }
    %scan3A_78 = arith.constant 50 : i32
    %dma_wait3A = arith.constant 0 : i32
    %dma_wait3A_79 = arith.constant 0 : i32
    %dma_wait3A_80 = arith.constant 0 : i32
    %dma_wait3A_81 = arith.constant 0 : i32
    %dma_wait3A_82 = arith.constant 0 : i32
    %dma_wait3A_83 = tpu.memref_slice %arg7[%dma_wait3A, %dma_wait3A_81, %dma_wait3A_82] : memref<4x128x64xf32, #tpu.memory_space<vmem>> -> memref<1x128x64xf32, #tpu.memory_space<vmem>>
    %dma_wait3A_84 = tpu.memref_squeeze %dma_wait3A_83 : memref<1x128x64xf32, #tpu.memory_space<vmem>> -> memref<128x64xf32, #tpu.memory_space<vmem>>
    %dma_wait3A_85 = arith.constant 0 : i32
    %dma_wait3A_86 = arith.constant 0 : i32
    %dma_wait3A_87 = tpu.memref_slice %arg4[%dma_wait3A_79, %dma_wait3A_85, %dma_wait3A_86] : memref<50x16384x64xf32, #tpu.memory_space<hbm>> -> memref<1x128x64xf32, #tpu.memory_space<hbm>>
    %dma_wait3A_88 = tpu.memref_squeeze %dma_wait3A_87 : memref<1x128x64xf32, #tpu.memory_space<hbm>> -> memref<128x64xf32, #tpu.memory_space<hbm>>
    %dma_wait3A_89 = tpu.memref_slice %arg10[%dma_wait3A_80] : memref<4x!tpu.dma_semaphore, #tpu.memory_space<semaphore_mem>> -> memref<1x!tpu.dma_semaphore, #tpu.memory_space<semaphore_mem>>
    %dma_wait3A_90 = tpu.memref_squeeze %dma_wait3A_89 : memref<1x!tpu.dma_semaphore, #tpu.memory_space<semaphore_mem>> -> memref<!tpu.dma_semaphore, #tpu.memory_space<semaphore_mem>>
    %dma_wait3A_91 = arith.constant 0 : i32
    %dma_wait3A_92 = arith.constant 0 : i32
    %dma_wait3A_93 = tpu.memref_slice %arg4[%dma_wait3A_79, %dma_wait3A_91, %dma_wait3A_92] : memref<50x16384x64xf32, #tpu.memory_space<hbm>> -> memref<1x128x64xf32, #tpu.memory_space<hbm>>
    %dma_wait3A_94 = tpu.memref_squeeze %dma_wait3A_93 : memref<1x128x64xf32, #tpu.memory_space<hbm>> -> memref<128x64xf32, #tpu.memory_space<hbm>>
    %dma_wait3A_95 = arith.constant 0 : i32
    %dma_wait3A_96 = arith.constant 0 : i32
    %dma_wait3A_97 = tpu.memref_slice %arg7[%dma_wait3A, %dma_wait3A_95, %dma_wait3A_96] : memref<4x128x64xf32, #tpu.memory_space<vmem>> -> memref<1x128x64xf32, #tpu.memory_space<vmem>>
    %dma_wait3A_98 = tpu.memref_squeeze %dma_wait3A_97 : memref<1x128x64xf32, #tpu.memory_space<vmem>> -> memref<128x64xf32, #tpu.memory_space<vmem>>
    tpu.wait_dma2 semaphore(%dma_wait3A_90 : memref<!tpu.dma_semaphore, #tpu.memory_space<semaphore_mem>>) src(%dma_wait3A_98 : memref<128x64xf32, #tpu.memory_space<vmem>>) dst(%dma_wait3A_94 : memref<128x64xf32, #tpu.memory_space<hbm>>)
    %dma_wait3A_99 = arith.constant 1 : i32
    %dma_wait3A_100 = arith.constant 0 : i32
    %dma_wait3A_101 = arith.constant 1 : i32
    %dma_wait3A_102 = arith.constant 0 : i32
    %dma_wait3A_103 = arith.constant 0 : i32
    %dma_wait3A_104 = tpu.memref_slice %arg7[%dma_wait3A_99, %dma_wait3A_102, %dma_wait3A_103] : memref<4x128x64xf32, #tpu.memory_space<vmem>> -> memref<1x128x64xf32, #tpu.memory_space<vmem>>
    %dma_wait3A_105 = tpu.memref_squeeze %dma_wait3A_104 : memref<1x128x64xf32, #tpu.memory_space<vmem>> -> memref<128x64xf32, #tpu.memory_space<vmem>>
    %dma_wait3A_106 = arith.constant 0 : i32
    %dma_wait3A_107 = arith.constant 0 : i32
    %dma_wait3A_108 = tpu.memref_slice %arg4[%dma_wait3A_100, %dma_wait3A_106, %dma_wait3A_107] : memref<50x16384x64xf32, #tpu.memory_space<hbm>> -> memref<1x128x64xf32, #tpu.memory_space<hbm>>
    %dma_wait3A_109 = tpu.memref_squeeze %dma_wait3A_108 : memref<1x128x64xf32, #tpu.memory_space<hbm>> -> memref<128x64xf32, #tpu.memory_space<hbm>>
    %dma_wait3A_110 = tpu.memref_slice %arg10[%dma_wait3A_101] : memref<4x!tpu.dma_semaphore, #tpu.memory_space<semaphore_mem>> -> memref<1x!tpu.dma_semaphore, #tpu.memory_space<semaphore_mem>>
    %dma_wait3A_111 = tpu.memref_squeeze %dma_wait3A_110 : memref<1x!tpu.dma_semaphore, #tpu.memory_space<semaphore_mem>> -> memref<!tpu.dma_semaphore, #tpu.memory_space<semaphore_mem>>
    %dma_wait3A_112 = arith.constant 0 : i32
    %dma_wait3A_113 = arith.constant 0 : i32
    %dma_wait3A_114 = tpu.memref_slice %arg4[%dma_wait3A_100, %dma_wait3A_112, %dma_wait3A_113] : memref<50x16384x64xf32, #tpu.memory_space<hbm>> -> memref<1x128x64xf32, #tpu.memory_space<hbm>>
    %dma_wait3A_115 = tpu.memref_squeeze %dma_wait3A_114 : memref<1x128x64xf32, #tpu.memory_space<hbm>> -> memref<128x64xf32, #tpu.memory_space<hbm>>
    %dma_wait3A_116 = arith.constant 0 : i32
    %dma_wait3A_117 = arith.constant 0 : i32
    %dma_wait3A_118 = tpu.memref_slice %arg7[%dma_wait3A_99, %dma_wait3A_116, %dma_wait3A_117] : memref<4x128x64xf32, #tpu.memory_space<vmem>> -> memref<1x128x64xf32, #tpu.memory_space<vmem>>
    %dma_wait3A_119 = tpu.memref_squeeze %dma_wait3A_118 : memref<1x128x64xf32, #tpu.memory_space<vmem>> -> memref<128x64xf32, #tpu.memory_space<vmem>>
    tpu.wait_dma2 semaphore(%dma_wait3A_111 : memref<!tpu.dma_semaphore, #tpu.memory_space<semaphore_mem>>) src(%dma_wait3A_119 : memref<128x64xf32, #tpu.memory_space<vmem>>) dst(%dma_wait3A_115 : memref<128x64xf32, #tpu.memory_space<hbm>>)
    %dma_wait3A_120 = arith.constant 2 : i32
    %dma_wait3A_121 = arith.constant 0 : i32
    %dma_wait3A_122 = arith.constant 2 : i32
    %dma_wait3A_123 = arith.constant 0 : i32
    %dma_wait3A_124 = arith.constant 0 : i32
    %dma_wait3A_125 = tpu.memref_slice %arg7[%dma_wait3A_120, %dma_wait3A_123, %dma_wait3A_124] : memref<4x128x64xf32, #tpu.memory_space<vmem>> -> memref<1x128x64xf32, #tpu.memory_space<vmem>>
    %dma_wait3A_126 = tpu.memref_squeeze %dma_wait3A_125 : memref<1x128x64xf32, #tpu.memory_space<vmem>> -> memref<128x64xf32, #tpu.memory_space<vmem>>
    %dma_wait3A_127 = arith.constant 0 : i32
    %dma_wait3A_128 = arith.constant 0 : i32
    %dma_wait3A_129 = tpu.memref_slice %arg4[%dma_wait3A_121, %dma_wait3A_127, %dma_wait3A_128] : memref<50x16384x64xf32, #tpu.memory_space<hbm>> -> memref<1x128x64xf32, #tpu.memory_space<hbm>>
    %dma_wait3A_130 = tpu.memref_squeeze %dma_wait3A_129 : memref<1x128x64xf32, #tpu.memory_space<hbm>> -> memref<128x64xf32, #tpu.memory_space<hbm>>
    %dma_wait3A_131 = tpu.memref_slice %arg10[%dma_wait3A_122] : memref<4x!tpu.dma_semaphore, #tpu.memory_space<semaphore_mem>> -> memref<1x!tpu.dma_semaphore, #tpu.memory_space<semaphore_mem>>
    %dma_wait3A_132 = tpu.memref_squeeze %dma_wait3A_131 : memref<1x!tpu.dma_semaphore, #tpu.memory_space<semaphore_mem>> -> memref<!tpu.dma_semaphore, #tpu.memory_space<semaphore_mem>>
    %dma_wait3A_133 = arith.constant 0 : i32
    %dma_wait3A_134 = arith.constant 0 : i32
    %dma_wait3A_135 = tpu.memref_slice %arg4[%dma_wait3A_121, %dma_wait3A_133, %dma_wait3A_134] : memref<50x16384x64xf32, #tpu.memory_space<hbm>> -> memref<1x128x64xf32, #tpu.memory_space<hbm>>
    %dma_wait3A_136 = tpu.memref_squeeze %dma_wait3A_135 : memref<1x128x64xf32, #tpu.memory_space<hbm>> -> memref<128x64xf32, #tpu.memory_space<hbm>>
    %dma_wait3A_137 = arith.constant 0 : i32
    %dma_wait3A_138 = arith.constant 0 : i32
    %dma_wait3A_139 = tpu.memref_slice %arg7[%dma_wait3A_120, %dma_wait3A_137, %dma_wait3A_138] : memref<4x128x64xf32, #tpu.memory_space<vmem>> -> memref<1x128x64xf32, #tpu.memory_space<vmem>>
    %dma_wait3A_140 = tpu.memref_squeeze %dma_wait3A_139 : memref<1x128x64xf32, #tpu.memory_space<vmem>> -> memref<128x64xf32, #tpu.memory_space<vmem>>
    tpu.wait_dma2 semaphore(%dma_wait3A_132 : memref<!tpu.dma_semaphore, #tpu.memory_space<semaphore_mem>>) src(%dma_wait3A_140 : memref<128x64xf32, #tpu.memory_space<vmem>>) dst(%dma_wait3A_136 : memref<128x64xf32, #tpu.memory_space<hbm>>)
    %dma_wait3A_141 = arith.constant 3 : i32
    %dma_wait3A_142 = arith.constant 0 : i32
    %dma_wait3A_143 = arith.constant 3 : i32
    %dma_wait3A_144 = arith.constant 0 : i32
    %dma_wait3A_145 = arith.constant 0 : i32
    %dma_wait3A_146 = tpu.memref_slice %arg7[%dma_wait3A_141, %dma_wait3A_144, %dma_wait3A_145] : memref<4x128x64xf32, #tpu.memory_space<vmem>> -> memref<1x128x64xf32, #tpu.memory_space<vmem>>
    %dma_wait3A_147 = tpu.memref_squeeze %dma_wait3A_146 : memref<1x128x64xf32, #tpu.memory_space<vmem>> -> memref<128x64xf32, #tpu.memory_space<vmem>>
    %dma_wait3A_148 = arith.constant 0 : i32
    %dma_wait3A_149 = arith.constant 0 : i32
    %dma_wait3A_150 = tpu.memref_slice %arg4[%dma_wait3A_142, %dma_wait3A_148, %dma_wait3A_149] : memref<50x16384x64xf32, #tpu.memory_space<hbm>> -> memref<1x128x64xf32, #tpu.memory_space<hbm>>
    %dma_wait3A_151 = tpu.memref_squeeze %dma_wait3A_150 : memref<1x128x64xf32, #tpu.memory_space<hbm>> -> memref<128x64xf32, #tpu.memory_space<hbm>>
    %dma_wait3A_152 = tpu.memref_slice %arg10[%dma_wait3A_143] : memref<4x!tpu.dma_semaphore, #tpu.memory_space<semaphore_mem>> -> memref<1x!tpu.dma_semaphore, #tpu.memory_space<semaphore_mem>>
    %dma_wait3A_153 = tpu.memref_squeeze %dma_wait3A_152 : memref<1x!tpu.dma_semaphore, #tpu.memory_space<semaphore_mem>> -> memref<!tpu.dma_semaphore, #tpu.memory_space<semaphore_mem>>
    %dma_wait3A_154 = arith.constant 0 : i32
    %dma_wait3A_155 = arith.constant 0 : i32
    %dma_wait3A_156 = tpu.memref_slice %arg4[%dma_wait3A_142, %dma_wait3A_154, %dma_wait3A_155] : memref<50x16384x64xf32, #tpu.memory_space<hbm>> -> memref<1x128x64xf32, #tpu.memory_space<hbm>>
    %dma_wait3A_157 = tpu.memref_squeeze %dma_wait3A_156 : memref<1x128x64xf32, #tpu.memory_space<hbm>> -> memref<128x64xf32, #tpu.memory_space<hbm>>
    %dma_wait3A_158 = arith.constant 0 : i32
    %dma_wait3A_159 = arith.constant 0 : i32
    %dma_wait3A_160 = tpu.memref_slice %arg7[%dma_wait3A_141, %dma_wait3A_158, %dma_wait3A_159] : memref<4x128x64xf32, #tpu.memory_space<vmem>> -> memref<1x128x64xf32, #tpu.memory_space<vmem>>
    %dma_wait3A_161 = tpu.memref_squeeze %dma_wait3A_160 : memref<1x128x64xf32, #tpu.memory_space<vmem>> -> memref<128x64xf32, #tpu.memory_space<vmem>>
    tpu.wait_dma2 semaphore(%dma_wait3A_153 : memref<!tpu.dma_semaphore, #tpu.memory_space<semaphore_mem>>) src(%dma_wait3A_161 : memref<128x64xf32, #tpu.memory_space<vmem>>) dst(%dma_wait3A_157 : memref<128x64xf32, #tpu.memory_space<hbm>>)
    return
  }
}

</mosaic_0001>

<sc_bundles>
// kernel: kernel.3.cloned.1.call-start
scs
__scs_entry_jumppad:
0x0: {  	(pc) =	sbr.rel $0x88, $3  }
0x1: {  	(tag) =	ssettag $0x0;
	lr =	simm.s32 $0x1  }
0x2: {  	[smem:$0x3F9F] =	sst lr;
	_ =	strace $0xD0000000  }
0x3: {  	_ = 	snop  }
0x4: {  	_ = 	snop  }
0x5: {  	_ = 	snop  }
0x6: {  	_ = 	snop  }
0x7: {  	_ = 	snop  }
__scs_overlays_trampoline_lowered:
0x8: {  	[smem:$0x3FAE] =	sst s0  }
0x9: {  	[smem:$0x3FAF] =	sst s1  }
0xa: {  	[smem:$0x3FB0] =	sst s2  }
0xb: {  	[smem:$0x3FB1] =	sst s3  }
0xc: {  	[smem:$0x3FB2] =	sst s4  }
0xd: {  	[smem:$0x3FB3] =	sst s5  }
0xe: {  	[smem:$0x3FB4] =	sst s6  }
0xf: {  	[smem:$0x3FB5] =	sst s7  }
0x10: {  	[smem:$0x3FB6] =	sst s8  }
0x11: {  	[smem:$0x3FB7] =	sst s9;
	s0 =	simm.s32 @!p0 $0x0  }
0x12: {  	s1 =	sld [smem:$0x3F9D];
	s0 =	simm.s32 @p0 $0x1  }
0x13: {  	[smem:$0x3FB8] =	sst s0;
	s0 =	simm.s32 @!p1 $0x0  }
0x14: {  	s2 =	sld [smem:$0x3F9C];
	s0 =	simm.s32 @p1 $0x1  }
0x15: {  	[smem:$0x3FB9] =	sst s0;
	s0 =	simm.s32 @!p2 $0x0  }
0x16: {  	s3 =	sld [smem:$0x3FDB];
	s0 =	simm.s32 @p2 $0x1  }
0x17: {  	s4 =	simm.s32 $0x1BF5;
	[smem:$0x3FBB] =	sst s0  }
0x18: {  	s0 =	sld [smem:$0x3F9E];
	_ =	swait.ge [sflag:s4], $0x0  }
0x19: {  	s7 =	sld [smem:$0x3F9F]  }
0x1a: {  	s8 =	sadd.s32 $0xFFFFE003, lr  }
0x1b: {  	s9 =	sadd.s32 $0xFFFFFEF7, lr;
	s5 =	simm.s32 $0xFFFFFFFF;
	p2 =	slt.u32 s8, $0xFFFFF086  }
0x1c: {  	p1 =	slt.u32 s9, $0xF7A;
	s5 =	simm.s32 @!p2 $0x0  }
0x1d: {  	s5 =	simm.s32 @p1 $0x1;
	p0 =	seq.s32 s7, s2  }
0x1e: {  	s7 =	smul.u32 @!p0 $0xF7A, s2;
	p2 =	seq.s32 @!p0 s5, $0x0  }
0x1f: {  	s9 =	smul.u32 $0xF7A, s1;
	s8 =	simm.s32 @!p0 $0x1BF5;
	p2 =	por !p2, p0  }
0x20: {  	[sflag:s8] =	ssyncset.s32 @!p0 $0xFFFFF086;
	s6 =	sadd.s32 @!p0 s3, s7;
	s7 =	simm.s32 @!p0 $0x108  }
0x21: {  	s3 =	sadd.s32 s3, s9;
	s6 =	sadd.s32 @!p0 $0x88, s6;
	s7 =	simm.s32 @p2 $0x1082  }
0x22: {  	[simem:s7], [sflag:s8] =	dma.local @!p0 [hbm:s6], $0xF7A  }
0x23: {  	s9 =	sor.u32 $0xD0000000, s2;
	s6 =	simm.s32 $0x108;
	_ =	swait.ge @!p0 [sflag:s8], $0x0  }
0x24: {  	s3 =	sadd.s32 $0x88, s3;
	s6 =	simm.s32 @!p1 $0x1082;
	[sflag:s4] =	ssyncset.s32 $0xFFFFF086  }
0x25: {  	[simem:s6], [sflag:s4] =	dma.local [hbm:s3], $0xF7A  }
0x26: {  	[smem:$0x3F9F] =	sst s1;
	(tag) =	ssettag s2;
	_ =	strace s9  }
0x27: {  	s1 =	sld [smem:$0x3FAF]  }
0x28: {  	s2 =	sld [smem:$0x3FB0]  }
0x29: {  	s4 =	sld [smem:$0x3FB2]  }
0x2a: {  	p0 =	seq.s32 s5, $0x0;
	s5 =	sld [smem:$0x3FB3]  }
0x2b: {  	s6 =	sld [smem:$0x3FB4]  }
0x2c: {  	s7 =	sld [smem:$0x3FB5]  }
0x2d: {  	s3 =	simm.s32 $0x108;
	s8 =	sld [smem:$0x3FB6]  }
0x2e: {  	s3 =	simm.s32 @!p0 $0x1082;
	s9 =	sld [smem:$0x3FB7]  }
0x2f: {  	lr =	sadd.s32 s0, s3;
	s0 =	sld [smem:$0x3FAE]  }
0x30: {  	s3 =	sld [smem:$0x3FB1]  }
0x31: {  	[smem:$0x3FBA] =	sst s10  }
0x32: {  	s10 =	sld [smem:$0x3FB8];
	_ =	sdelay $0x3  }
0x33: {  	p0 =	seq.s32 s10, $0x1;
	s10 =	sld [smem:$0x3FBA];
	_ =	sdelay $0x3  }
0x34: {  	[smem:$0x3FBA] =	sst s10  }
0x35: {  	s10 =	sld [smem:$0x3FB9];
	_ =	sdelay $0x3  }
0x36: {  	p1 =	seq.s32 s10, $0x1;
	s10 =	sld [smem:$0x3FBA];
	_ =	sdelay $0x3  }
0x37: {  	[smem:$0x3FBA] =	sst s10  }
0x38: {  	s10 =	sld [smem:$0x3FBB]  }
0x39: {  	_ = 	snop;
	(pc) =	sbr.ind lr, $3  }
0x3a: {  	_ = 	snop  }
0x3b: {  	_ = 	snop  }
0x3c: {  	p2 =	seq.s32 s10, $0x1;
	s10 =	sld [smem:$0x3FBA]  }
0x3d: {  	_ =	shalt  }
0x3e: {  	_ =	shalt  }
0x3f: {  	_ =	shalt  }
0x40: {  	_ =	shalt  }
0x41: {  	_ =	shalt  }
0x42: {  	_ =	shalt  }
0x43: {  	_ =	shalt  }
0x44: {  	_ =	shalt  }
0x45: {  	_ =	shalt  }
0x46: {  	_ =	shalt  }
0x47: {  	_ =	shalt  }
0x48: {  	_ =	shalt  }
0x49: {  	_ =	shalt  }
0x4a: {  	_ =	shalt  }
0x4b: {  	_ =	shalt  }
0x4c: {  	_ =	shalt  }
0x4d: {  	_ =	shalt  }
0x4e: {  	_ =	shalt  }
0x4f: {  	_ =	shalt  }
0x50: {  	_ =	shalt  }
0x51: {  	_ =	shalt  }
0x52: {  	_ =	shalt  }
0x53: {  	_ =	shalt  }
0x54: {  	_ =	shalt  }
0x55: {  	_ =	shalt  }
0x56: {  	_ =	shalt  }
0x57: {  	_ =	shalt  }
0x58: {  	_ =	shalt  }
0x59: {  	_ =	shalt  }
0x5a: {  	_ =	shalt  }
0x5b: {  	_ =	shalt  }
0x5c: {  	_ =	shalt  }
0x5d: {  	_ =	shalt  }
0x5e: {  	_ =	shalt  }
0x5f: {  	_ =	shalt  }
0x60: {  	_ =	shalt  }
0x61: {  	_ =	shalt  }
0x62: {  	_ =	shalt  }
0x63: {  	_ =	shalt  }
0x64: {  	_ =	shalt  }
0x65: {  	_ =	shalt  }
0x66: {  	_ =	shalt  }
0x67: {  	_ =	shalt  }
0x68: {  	_ =	shalt  }
0x69: {  	_ =	shalt  }
0x6a: {  	_ =	shalt  }
0x6b: {  	_ =	shalt  }
0x6c: {  	_ =	shalt  }
0x6d: {  	_ =	shalt  }
0x6e: {  	_ =	shalt  }
0x6f: {  	_ =	shalt  }
0x70: {  	_ =	shalt  }
0x71: {  	_ =	shalt  }
0x72: {  	_ =	shalt  }
0x73: {  	_ =	shalt  }
0x74: {  	_ =	shalt  }
0x75: {  	_ =	shalt  }
0x76: {  	_ =	shalt  }
0x77: {  	_ =	shalt  }
0x78: {  	_ =	shalt  }
0x79: {  	_ =	shalt  }
0x7a: {  	_ =	shalt  }
0x7b: {  	_ =	shalt  }
0x7c: {  	_ =	shalt  }
0x7d: {  	_ =	shalt  }
0x7e: {  	_ =	shalt  }
0x7f: {  	_ =	shalt  }
0x80: {  	_ =	shalt  }
0x81: {  	_ =	shalt  }
0x82: {  	_ =	shalt  }
0x83: {  	_ =	shalt  }
0x84: {  	_ =	shalt  }
0x85: {  	_ =	shalt  }
0x86: {  	_ =	shalt  }
0x87: {  	_ =	shalt  }
.Lfunc_end0:
.L_simem_size_0:
called_computation.1_lowered:
.L_overlay_start_0:
0x88: {  	s2 =	sld [smem:$0x3FD9]  }
0x89: {  	s3 =	sld [smem:$0x3FFE];
	_ =	sdelay $0x1  }
0x8a: {  	s1 =	srdreg.scid  }
0x8b: {  	s0 =	sand.u32 $0x1, s1  }
0x8c: {  	s17 =	sshll.u32 s0, $0xA;
	s2 =	sadd.s32 s3, s2  }
0x8d: {  	s2 =	sadd.s32 s2, s17  }
0x8e: {  	[smem:$0x3FC6] =	sst s2  }
0x8f: {  	_ = 	snop  }
0x90: {  	s2 =	sld [smem:$0x3FD0];
	(tm) =	ssettm $0x1  }
0x91: {  	s18 =	sld [smem:$0x3FFB];
	_ =	sdelay $0x3  }
0x92: {  	_ =	strace s18  }
0x93: {  	s3 =	sld [smem:$0x3FFC];
	_ =	sdelay $0x3  }
0x94: {  	_ =	strace s3  }
0x95: {  	s3 =	sld [smem:$0x3FFD];
	_ =	sdelay $0x3  }
0x96: {  	_ =	strace s3  }
0x97: {  	_ =	strace $0x8FFFFFFF  }
0x98: {  	s19 =	sld [smem:$0x3FDB];
	_ =	sdelay $0x1  }
0x99: {  	s4 =	simm.s32 $_scs_section_size  }
0x9a: {  	s5 =	simm.s32 $_size__tile_overlayer_lowered;
	s6 =	simm.s32 $_tile_overlayer_lowered  }
0x9b: {  	s22 =	simm.s32 $0x1BFF;
	s21 =	sshll.u32 s6, $0x1;
	s3 =	sadd.s32 s4, s19  }
0x9c: {  	s7 =	simm.s32 $0x0;
	s20 =	sshll.u32 s5, $0x1;
	s5 =	sadd.s32 s21, s3  }
0x9d: {  	[timem:s7], [sflag:s22] =	dma.local [hbm:s5], s20  }
0x9e: {  	_ =	swait.ge [sflag:s22], s20  }
0x9f: {  	s4 =	ssub.s32 $0x0, s20;
	[sflag:s22] =	ssyncset.done $0x0  }
0xa0: {  	[sflag:s22] =	ssyncadd.s32 s4;
	_ =	sdelay $0x1  }
0xa1: {  	s23 =	simm.s32 $0x1B8B  }
0xa2: {  	_ =	swait.ge [sflag:s23], $0x1  }
0xa3: {  	[sflag:s23] =	ssyncset.done $0x0  }
0xa4: {  	s25 =	simm.s32 $0x1B8E;
	s24 =	sld [smem:$0x3FFE];
	[sflag:s23] =	ssyncadd.s32 $0xFFFFFFFF  }
0xa5: {  	s26 =	simm.s32 $execute0_lowered;
	[smem:$0x3FD2] =	sst s25  }
0xa6: {  	s5 =	sshll.u32 s26, $0x1;
	_ =	strace $0x80000046;
	[dreg:$0x1] =	wrdreg $0xFFFFFFFF  }
0xa7: {  	s28 =	simm.s32 $_size_execute0_lowered;
	s3 =	sadd.s32 s3, s5;
	[dreg:$0x0] =	wrdreg $0x0  }
0xa8: {  	s5 =	sshll.u32 s28, $0x1;
	[dreg:$0x2] =	wrdreg s3  }
0xa9: {  	[dreg:$0x3] =	wrdreg s5  }
0xaa: {  	[dreg:$0x4] =	wrdreg $0xC0  }
0xab: {  	_ =	task [dreg:s7], $0x5FFFF  }
0xac: {  	[dreg:$0x1] =	wrdreg $0xFFFFFFFF  }
0xad: {  	[dreg:$0x0] =	wrdreg $0x60  }
0xae: {  	[dreg:$0x2] =	wrdreg s24  }
0xaf: {  	[dreg:$0x3] =	wrdreg s2  }
0xb0: {  	[dreg:$0x4] =	wrdreg $0x9  }
0xb1: {  	_ =	task.clear_ibuf [dreg:s7], $0x5FFFF;
	_ =	strace $0x90000046  }
0xb2: {  	s29 =	simm.s32 $0x9;
	_ =	strace $0x80000048  }
0xb3: {  	_ =	swait.ge [sflag:s29], $0x1  }
0xb4: {  	[sflag:s29] =	ssyncadd.s32 $0xFFFFFFFF  }
0xb5: {  	_ =	strace $0x90000048  }
0xb6: {  	_ =	sfence  }
0xb7: {  	s30 =	sld [smem:$0x0];
	_ =	sdelay $0x2  }
0xb8: {  	s31 =	sshll.u32 s1, $0xD;
	s1 =	sshrl.u32 s1, $0x2  }
0xb9: {  	s3 =	sand.u32 $0x4000, s31;
	s1 =	sadd.s32 s1, s30  }
0xba: {  	s0 =	sor.u32 s3, s0;
	s1 =	sshll.u32 s1, $0x11  }
0xbb: {  	s0 =	sor.u32 s1, s0  }
0xbc: {  	s0 =	sadd.s32 $0x8F2B, s0  }
0xbd: {  	[sflag:s0] =	ssyncadd.remote.s32 $0x1  }
0xbe: {  	_ =	sfence.sel $0xFFFF  }
0xbf: {  	[dreg:$0x0] =	wrdreg $0xFFFFFFFF;
	(pc) =	sbr.abs _section_cstart, $3  }
0xc0: {  	[dreg:$0x1] =	wrdreg $0xFFFFFFFF  }
0xc1: {  	_ =	task.clear_ibuf [dreg:s7], $0x2FFFF;
	_ =	strace $0x9FFFFFFF  }
0xc2: {  	(tm) =	ssettm $0x7FFFFFFF  }
0xc3: {  	_ =	shalt  }
tec
execute0_lowered:
.L_overlay_start_1:
0x0: {  	(tag) =	ssettag $0x1  }
0x1: {  	s0 =	rddreg [dreg:$0x0]  }
0x2: {  	s2 =	rddreg [dreg:$0x1];
	s1 =	srdreg.scid  }
0x3: {  	s3 =	simm.s32 $0x0;
	s4 =	stileid.u32;
	s11 =	simm.s32 $0x1  }
0x4: {  	s12 =	simm.s32 $0x80;
	s18 =	simm.s32 $0xC400;
	s19 =	simm.s32 $0x2  }
0x5: {  	s20 =	simm.s32 $0xE400;
	s21 =	simm.s32 $0x3;
	s22 =	simm.s32 $0x10400  }
0x6: {  	s23 =	simm.s32 $0x4;
	s24 =	simm.s32 $0x12400;
	s25 =	simm.s32 $0x5  }
0x7: {  	s28 =	simm.s32 $0x6;
	s29 =	simm.s32 $0x7;
	s30 =	simm.s32 $0x8  }
0x8: {  	s31 =	simm.s32 $0x9;
	s1 =	sand.u32 $0x1, s1;
	[smem:$0x7FF] =	sst s3  }
0x9: {  	s4 =	sshll.u32 s4, $0xA;
	s5 =	sshll.u32 s1, $0x9;
	_ =	strace $0x80000047  }
0xa: {  	s1 =	ssub.s32 $0x2, s1;
	s5 =	sor.u32 s5, s4;
	s4 =	sadd.s32 $0xF42E00, s0  }
0xb: {  	s26 =	sshrl.u32 s1, $0x1;
	s6 =	sshrl.u32 s5, $0x3;
	s5 =	sshll.u32 s5, $0x6  }
0xc: {  	s1 =	ssub.s32 s1, s26;
	s26 =	simm.s32 $0x14400;
	s0 =	sadd.s32 s6, s0  }
0xd: {  	s6 =	sor.u32 $0x2000, s5;
	s7 =	sor.u32 $0x4000, s5;
	s8 =	sor.u32 $0x6000, s5  }
0xe: {  	s9 =	smax.u32 s1, $0x1;
	s10 =	sadd.s32 $0xA00, s0;
	s0 =	simm.s32 $0x0  }
.LBB2_1:
0xf: {  	s1 =	simm.s32 $0x0  }
.LBB2_2:
0x10: {  	p0 =	sne.s32 s1, $0x18800  }
.Ltmp0:
0x11: {  	_ = 	snop;
	(pc) =	sbr.rel @p0 .LBB2_2-.Ltmp0, $3  }
0x12: {  	_ =	sdelay $0x1  }
0x13: {  	s13 =	sshra.s32 s1, $0x2;
	s14 =	sadd.s32 s1, s10;
	s1 =	sadd.s32 $0x800, s1  }
0x14: {  	[tilespmem:s13], [sflag:$0x1] =	stream.linear.gather [hbm4b:s14+s3], $0x200, $0x38;
	[tilespmem:$0x16400] =	vst v63  }
0x15: {  	_ =	swait.ge [sflag:s11], $0x200  }
0x16: {  	s1 =	simm.s32 $0x31;
	[sflag:s11] =	ssyncset.done $0x0  }
.LBB2_4:
0x17: {  	p0 =	sne.s32 s1, $0x1;
	s1 =	sadd.s32 $0xFFFFFFFF, s1;
	[sflag:s11] =	ssyncadd.s32 $0xFFFFFE00  }
.Ltmp1:
0x18: {  	(pc) =	sbr.rel @p0 .LBB2_4-.Ltmp1, $3  }
0x19: {  	_ =	sdelay $0x1  }
0x1a: {  	_ =	swait.ge [sflag:s11], $0x200  }
0x1b: {  	[sflag:s11] =	ssyncset.done $0x0  }
0x1c: {  	[sflag:s11] =	ssyncadd.s32 $0xFFFFFE00;
	s13 =	simm.s32 $0x0;
	s1 =	simm.s32 $0x6400  }
0x1d: {  	[tilespmem:s1], [sflag:$0x2] =	stream.indirect.gather [hbm4b:s4+s12], $0x40, s13, s12, $0xb8;
	[tilespmem:$0x16400] =	vst v63  }
0x1e: {  	s15 =	simm.s32 $0x8400  }
0x1f: {  	[tilespmem:s15], [sflag:$0x3] =	stream.indirect.gather [hbm4b:s4+s12], $0x40, s12, s12, $0xb8;
	[tilespmem:$0x16400] =	vst v63  }
0x20: {  	s16 =	simm.s32 $0x100;
	s14 =	simm.s32 $0xA400  }
0x21: {  	[tilespmem:s14], [sflag:$0x4] =	stream.indirect.gather [hbm4b:s4+s12], $0x40, s16, s12, $0xb8;
	[tilespmem:$0x16400] =	vst v63  }
0x22: {  	s17 =	simm.s32 $0x180  }
0x23: {  	[tilespmem:s18], [sflag:$0x5] =	stream.indirect.gather [hbm4b:s4+s12], $0x40, s17, s12, $0xb8;
	[tilespmem:$0x16400] =	vst v63  }
.LBB2_6:
0x24: {  	_ =	swait.ge [sflag:s19], $0x2000  }
0x25: {  	p0 =	seq.s32 s13, $0x0;
	[sflag:s19] =	ssyncset.done $0x0  }
0x26: {  	s1 =	simm.s32 @!p0 $0x6;
	[sflag:s19] =	ssyncadd.s32 $0xFFFFE000  }
0x27: {  	_ =	swait.ge @!p0 [sflag:s1], $0x2000  }
0x28: {  	[sflag:s1] =	ssyncset.done @!p0 $0x0  }
0x29: {  	[sflag:s1] =	ssyncadd.s32 @!p0 $0xFFFFE000;
	s1 =	simm.s32 $0x0  }
0x2a: {  	v0 =	vld [tilespmem:s1+$0x64F0]  }
0x2b: {  	v1 =	vld [tilespmem:s1+$0x6400]  }
0x2c: {  	v2 =	vld [tilespmem:s1+$0x6410]  }
0x2d: {  	v3 =	vld [tilespmem:s1+$0x6420]  }
0x2e: {  	v6 =	vld [tilespmem:s1+$0x6450]  }
0x2f: {  	v4 =	vld [tilespmem:s1+$0x6430];
	v0 =	vmul.f32 $8.000000000e+00, v0  }
0x30: {  	v5 =	vld [tilespmem:s1+$0x6440];
	v1 =	vmul.f32 $8.000000000e+00, v1  }
0x31: {  	v7 =	vld [tilespmem:s1+$0x6460];
	[tilespmem:s1+$0xE4F0] =	vst v0;
	v0 =	vmul.f32 $8.000000000e+00, v2  }
0x32: {  	v8 =	vld [tilespmem:s1+$0x6470];
	[tilespmem:s1+$0xE400] =	vst v1;
	v1 =	vmul.f32 $8.000000000e+00, v3  }
0x33: {  	v2 =	vmul.f32 $8.000000000e+00, v6;
	[tilespmem:s1+$0xE410] =	vst v0  }
0x34: {  	v9 =	vld [tilespmem:s1+$0x6480];
	v0 =	vmul.f32 $8.000000000e+00, v4;
	[tilespmem:s1+$0xE420] =	vst v1  }
0x35: {  	v4 =	vld [tilespmem:s1+$0x6490];
	v1 =	vmul.f32 $8.000000000e+00, v5;
	[tilespmem:s1+$0xE450] =	vst v2  }
0x36: {  	v3 =	vmul.f32 $8.000000000e+00, v7;
	[tilespmem:s1+$0xE430] =	vst v0;
	v0 =	vld [tilespmem:s1+$0x64A0]  }
0x37: {  	v5 =	vmul.f32 $8.000000000e+00, v8;
	[tilespmem:s1+$0xE440] =	vst v1;
	v1 =	vld [tilespmem:s1+$0x64B0]  }
0x38: {  	v2 =	vld [tilespmem:s1+$0x64C0];
	[tilespmem:s1+$0xE460] =	vst v3  }
0x39: {  	v3 =	vld [tilespmem:s1+$0x64D0];
	[tilespmem:s1+$0xE470] =	vst v5;
	v5 =	vmul.f32 $8.000000000e+00, v9  }
0x3a: {  	s14 =	simm.s32 $0x100;
	s15 =	simm.s32 $0x800;
	v6 =	vmul.f32 $8.000000000e+00, v4;
	v4 =	vld [tilespmem:s1+$0x64E0]  }
.LBB2_7:
0x3b: {  	p1 =	sne.s32 s15, $0x7C00;
	v7 =	vld [tilespmem:s14+$0x64F0];
	[tilespmem:s1+$0xE480] =	vst v5;
	v0 =	vmul.f32 $8.000000000e+00, v0  }
0x3c: {  	v5 =	vld [tilespmem:s14+$0x6400];
	[tilespmem:s1+$0xE490] =	vst v6;
	v1 =	vmul.f32 $8.000000000e+00, v1  }
0x3d: {  	v6 =	vld [tilespmem:s14+$0x6410];
	[tilespmem:s1+$0xE4A0] =	vst v0;
	v0 =	vmul.f32 $8.000000000e+00, v2  }
0x3e: {  	v2 =	vld [tilespmem:s14+$0x6420];
	[tilespmem:s1+$0xE4B0] =	vst v1;
	v1 =	vmul.f32 $8.000000000e+00, v3  }
0x3f: {  	v3 =	vld [tilespmem:s14+$0x6430];
	[tilespmem:s1+$0xE4C0] =	vst v0;
	v0 =	vmul.f32 $8.000000000e+00, v4  }
0x40: {  	v4 =	vld [tilespmem:s14+$0x6440];
	v7 =	vmul.f32 $8.000000000e+00, v7;
	[tilespmem:s1+$0xE4D0] =	vst v1  }
0x41: {  	v1 =	vmul.f32 $8.000000000e+00, v5;
	v5 =	vld [tilespmem:s14+$0x6450];
	[tilespmem:s1+$0xE4E0] =	vst v0;
	s1 =	smov.u32 s14  }
0x42: {  	v0 =	vmul.f32 $8.000000000e+00, v6;
	v6 =	vld [tilespmem:s1+$0x6460];
	[tilespmem:s1+$0xE4F0] =	vst v7  }
0x43: {  	[tilespmem:s1+$0xE400] =	vst v1;
	v1 =	vmul.f32 $8.000000000e+00, v2;
	v2 =	vld [tilespmem:s1+$0x6470]  }
0x44: {  	[tilespmem:s1+$0xE410] =	vst v0;
	v0 =	vmul.f32 $8.000000000e+00, v3;
	v3 =	vld [tilespmem:s1+$0x6480]  }
0x45: {  	[tilespmem:s1+$0xE420] =	vst v1;
	v1 =	vmul.f32 $8.000000000e+00, v4;
	v4 =	vld [tilespmem:s1+$0x6490]  }
.Ltmp2:
0x46: {  	[tilespmem:s1+$0xE430] =	vst v0;
	v5 =	vmul.f32 $8.000000000e+00, v5;
	v0 =	vld [tilespmem:s1+$0x64A0];
	(pc) =	sbr.rel @p1 .LBB2_7-.Ltmp2, $4  }
0x47: {  	[tilespmem:s1+$0xE440] =	vst v1;
	v6 =	vmul.f32 $8.000000000e+00, v6;
	v1 =	vld [tilespmem:s1+$0x64B0]  }
0x48: {  	[tilespmem:s1+$0xE450] =	vst v5;
	v7 =	vmul.f32 $8.000000000e+00, v2;
	v2 =	vld [tilespmem:s1+$0x64C0]  }
0x49: {  	[tilespmem:s1+$0xE460] =	vst v6;
	v5 =	vmul.f32 $8.000000000e+00, v3;
	v3 =	vld [tilespmem:s1+$0x64D0]  }
0x4a: {  	s14 =	sshra.s32 s15, $0x2;
	s15 =	sadd.s32 $0x400, s15;
	[tilespmem:s1+$0xE470] =	vst v7;
	v6 =	vmul.f32 $8.000000000e+00, v4;
	v4 =	vld [tilespmem:s1+$0x64E0]  }
0x4b: {  	v7 =	vld [tilespmem:s14+$0x64F0];
	[tilespmem:s1+$0xE480] =	vst v5;
	v0 =	vmul.f32 $8.000000000e+00, v0  }
0x4c: {  	v5 =	vld [tilespmem:s14+$0x6400];
	[tilespmem:s1+$0xE490] =	vst v6;
	v1 =	vmul.f32 $8.000000000e+00, v1  }
0x4d: {  	v6 =	vld [tilespmem:s14+$0x6410];
	[tilespmem:s1+$0xE4A0] =	vst v0;
	v2 =	vmul.f32 $8.000000000e+00, v2  }
0x4e: {  	v0 =	vld [tilespmem:s14+$0x6420];
	[tilespmem:s1+$0xE4B0] =	vst v1;
	v3 =	vmul.f32 $8.000000000e+00, v3  }
0x4f: {  	v1 =	vld [tilespmem:s14+$0x6430];
	[tilespmem:s1+$0xE4C0] =	vst v2;
	v4 =	vmul.f32 $8.000000000e+00, v4  }
0x50: {  	v2 =	vld [tilespmem:s14+$0x6440];
	[tilespmem:s1+$0xE4D0] =	vst v3;
	v7 =	vmul.f32 $8.000000000e+00, v7  }
0x51: {  	v3 =	vld [tilespmem:s14+$0x6450];
	[tilespmem:s1+$0xE4E0] =	vst v4;
	v4 =	vmul.f32 $8.000000000e+00, v5  }
0x52: {  	v5 =	vld [tilespmem:s14+$0x6460];
	[tilespmem:s14+$0xE4F0] =	vst v7;
	v6 =	vmul.f32 $8.000000000e+00, v6  }
0x53: {  	[tilespmem:s14+$0xE400] =	vst v4;
	v4 =	vld [tilespmem:s14+$0x6470];
	v0 =	vmul.f32 $8.000000000e+00, v0  }
0x54: {  	[tilespmem:s14+$0xE410] =	vst v6;
	v6 =	vld [tilespmem:s14+$0x6480];
	v1 =	vmul.f32 $8.000000000e+00, v1  }
0x55: {  	[tilespmem:s14+$0xE420] =	vst v0;
	v0 =	vld [tilespmem:s14+$0x6490];
	v2 =	vmul.f32 $8.000000000e+00, v2  }
0x56: {  	[tilespmem:s14+$0xE430] =	vst v1;
	v1 =	vld [tilespmem:s14+$0x64A0];
	v3 =	vmul.f32 $8.000000000e+00, v3  }
0x57: {  	[tilespmem:s14+$0xE440] =	vst v2;
	v2 =	vld [tilespmem:s14+$0x64B0];
	v5 =	vmul.f32 $8.000000000e+00, v5  }
0x58: {  	[tilespmem:s14+$0xE450] =	vst v3;
	v3 =	vld [tilespmem:s14+$0x64C0];
	v4 =	vmul.f32 $8.000000000e+00, v4  }
0x59: {  	[tilespmem:s14+$0xE460] =	vst v5;
	v5 =	vld [tilespmem:s14+$0x64D0];
	v6 =	vmul.f32 $8.000000000e+00, v6  }
0x5a: {  	[tilespmem:s14+$0xE470] =	vst v4;
	v0 =	vmul.f32 $8.000000000e+00, v0;
	v4 =	vld [tilespmem:s14+$0x64E0]  }
0x5b: {  	[tilespmem:s14+$0xE480] =	vst v6;
	v1 =	vmul.f32 $8.000000000e+00, v1  }
0x5c: {  	[tilespmem:s14+$0xE490] =	vst v0;
	v0 =	vmul.f32 $8.000000000e+00, v2  }
0x5d: {  	[tilespmem:s14+$0xE4A0] =	vst v1;
	v1 =	vmul.f32 $8.000000000e+00, v3  }
0x5e: {  	[tilespmem:s14+$0xE4B0] =	vst v0;
	v0 =	vmul.f32 $8.000000000e+00, v5  }
0x5f: {  	p1 =	seq.s32 s13, $0x31;
	s1 =	sadd.s32 $0x1, s13;
	[tilespmem:s14+$0xE4C0] =	vst v1;
	v1 =	vmul.f32 $8.000000000e+00, v4  }
0x60: {  	s16 =	simm.s32 @!p1 $0x6400;
	s13 =	sshll.u32 s13, $0x14;
	s15 =	sshll.u32 @!p1 s1, $0x9;
	[tilespmem:s14+$0xE4D0] =	vst v0  }
0x61: {  	s17 =	sor.u32 s5, s13;
	[tilespmem:s14+$0xE4E0] =	vst v1;
	s14 =	sand.u32 @!p1 $0x3FFFFE00, s15;
	s15 =	simm.s32 @!p1 $0x80  }
0x62: {  	[tilespmem:s16], [sflag:$0x2] =	stream.indirect.gather @!p1 [hbm4b:s4+s15], $0x40, s14, s15, $0xb8;
	[tilespmem:$0x16400] =	vst v63  }
0x63: {  	s15 =	sshrl.u32 s17, $0x3  }
0x64: {  	s15 =	sadd.s32 s2, s15  }
0x65: {  	[hbm4b:s15+s3] =	stream.linear.scatter [tilespmem:s20], [sflag:$0x6], $0x2000, $0x38;
	[tilespmem:$0x16400] =	vst v63  }
0x66: {  	_ =	swait.ge [sflag:s21], $0x2000  }
0x67: {  	[sflag:s21] =	ssyncset.done $0x0  }
0x68: {  	s15 =	simm.s32 @!p0 $0x7;
	[sflag:s21] =	ssyncadd.s32 $0xFFFFE000  }
0x69: {  	_ =	swait.ge @!p0 [sflag:s15], $0x2000  }
0x6a: {  	[sflag:s15] =	ssyncset.done @!p0 $0x0  }
0x6b: {  	[sflag:s15] =	ssyncadd.s32 @!p0 $0xFFFFE000;
	s15 =	simm.s32 $0x0  }
0x6c: {  	v0 =	vld [tilespmem:s15+$0x84F0]  }
0x6d: {  	v1 =	vld [tilespmem:s15+$0x8400]  }
0x6e: {  	v2 =	vld [tilespmem:s15+$0x8410]  }
0x6f: {  	v3 =	vld [tilespmem:s15+$0x8420]  }
0x70: {  	v6 =	vld [tilespmem:s15+$0x8450]  }
0x71: {  	v4 =	vld [tilespmem:s15+$0x8430];
	v0 =	vmul.f32 $8.000000000e+00, v0  }
0x72: {  	v5 =	vld [tilespmem:s15+$0x8440];
	v1 =	vmul.f32 $8.000000000e+00, v1  }
0x73: {  	v7 =	vld [tilespmem:s15+$0x8460];
	[tilespmem:s15+$0x104F0] =	vst v0;
	v0 =	vmul.f32 $8.000000000e+00, v2  }
0x74: {  	v8 =	vld [tilespmem:s15+$0x8470];
	[tilespmem:s15+$0x10400] =	vst v1;
	v1 =	vmul.f32 $8.000000000e+00, v3  }
0x75: {  	v2 =	vmul.f32 $8.000000000e+00, v6;
	[tilespmem:s15+$0x10410] =	vst v0  }
0x76: {  	v9 =	vld [tilespmem:s15+$0x8480];
	v0 =	vmul.f32 $8.000000000e+00, v4;
	[tilespmem:s15+$0x10420] =	vst v1  }
0x77: {  	v4 =	vld [tilespmem:s15+$0x8490];
	v1 =	vmul.f32 $8.000000000e+00, v5;
	[tilespmem:s15+$0x10450] =	vst v2  }
0x78: {  	v3 =	vmul.f32 $8.000000000e+00, v7;
	[tilespmem:s15+$0x10430] =	vst v0;
	v0 =	vld [tilespmem:s15+$0x84A0]  }
0x79: {  	v5 =	vmul.f32 $8.000000000e+00, v8;
	[tilespmem:s15+$0x10440] =	vst v1;
	v1 =	vld [tilespmem:s15+$0x84B0]  }
0x7a: {  	v2 =	vld [tilespmem:s15+$0x84C0];
	[tilespmem:s15+$0x10460] =	vst v3  }
0x7b: {  	v3 =	vld [tilespmem:s15+$0x84D0];
	[tilespmem:s15+$0x10470] =	vst v5;
	v5 =	vmul.f32 $8.000000000e+00, v9  }
0x7c: {  	s16 =	simm.s32 $0x100;
	s17 =	simm.s32 $0x800;
	v6 =	vmul.f32 $8.000000000e+00, v4;
	v4 =	vld [tilespmem:s15+$0x84E0]  }
.LBB2_9:
0x7d: {  	p2 =	sne.s32 s17, $0x7C00;
	v7 =	vld [tilespmem:s16+$0x84F0];
	[tilespmem:s15+$0x10480] =	vst v5;
	v0 =	vmul.f32 $8.000000000e+00, v0  }
0x7e: {  	v5 =	vld [tilespmem:s16+$0x8400];
	[tilespmem:s15+$0x10490] =	vst v6;
	v1 =	vmul.f32 $8.000000000e+00, v1  }
0x7f: {  	v6 =	vld [tilespmem:s16+$0x8410];
	[tilespmem:s15+$0x104A0] =	vst v0;
	v0 =	vmul.f32 $8.000000000e+00, v2  }
0x80: {  	v2 =	vld [tilespmem:s16+$0x8420];
	[tilespmem:s15+$0x104B0] =	vst v1;
	v1 =	vmul.f32 $8.000000000e+00, v3  }
0x81: {  	v3 =	vld [tilespmem:s16+$0x8430];
	[tilespmem:s15+$0x104C0] =	vst v0;
	v0 =	vmul.f32 $8.000000000e+00, v4  }
0x82: {  	v4 =	vld [tilespmem:s16+$0x8440];
	v7 =	vmul.f32 $8.000000000e+00, v7;
	[tilespmem:s15+$0x104D0] =	vst v1  }
0x83: {  	v1 =	vmul.f32 $8.000000000e+00, v5;
	v5 =	vld [tilespmem:s16+$0x8450];
	[tilespmem:s15+$0x104E0] =	vst v0;
	s15 =	smov.u32 s16  }
0x84: {  	v0 =	vmul.f32 $8.000000000e+00, v6;
	v6 =	vld [tilespmem:s15+$0x8460];
	[tilespmem:s15+$0x104F0] =	vst v7  }
0x85: {  	[tilespmem:s15+$0x10400] =	vst v1;
	v1 =	vmul.f32 $8.000000000e+00, v2;
	v2 =	vld [tilespmem:s15+$0x8470]  }
0x86: {  	[tilespmem:s15+$0x10410] =	vst v0;
	v0 =	vmul.f32 $8.000000000e+00, v3;
	v3 =	vld [tilespmem:s15+$0x8480]  }
0x87: {  	[tilespmem:s15+$0x10420] =	vst v1;
	v1 =	vmul.f32 $8.000000000e+00, v4;
	v4 =	vld [tilespmem:s15+$0x8490]  }
.Ltmp3:
0x88: {  	[tilespmem:s15+$0x10430] =	vst v0;
	v5 =	vmul.f32 $8.000000000e+00, v5;
	v0 =	vld [tilespmem:s15+$0x84A0];
	(pc) =	sbr.rel @p2 .LBB2_9-.Ltmp3, $4  }
0x89: {  	[tilespmem:s15+$0x10440] =	vst v1;
	v6 =	vmul.f32 $8.000000000e+00, v6;
	v1 =	vld [tilespmem:s15+$0x84B0]  }
0x8a: {  	[tilespmem:s15+$0x10450] =	vst v5;
	v7 =	vmul.f32 $8.000000000e+00, v2;
	v2 =	vld [tilespmem:s15+$0x84C0]  }
0x8b: {  	[tilespmem:s15+$0x10460] =	vst v6;
	v5 =	vmul.f32 $8.000000000e+00, v3;
	v3 =	vld [tilespmem:s15+$0x84D0]  }
0x8c: {  	s16 =	sshra.s32 s17, $0x2;
	s17 =	sadd.s32 $0x400, s17;
	[tilespmem:s15+$0x10470] =	vst v7;
	v6 =	vmul.f32 $8.000000000e+00, v4;
	v4 =	vld [tilespmem:s15+$0x84E0]  }
0x8d: {  	v7 =	vld [tilespmem:s16+$0x84F0];
	[tilespmem:s15+$0x10480] =	vst v5;
	v0 =	vmul.f32 $8.000000000e+00, v0  }
0x8e: {  	v5 =	vld [tilespmem:s16+$0x8400];
	[tilespmem:s15+$0x10490] =	vst v6;
	v1 =	vmul.f32 $8.000000000e+00, v1  }
0x8f: {  	v6 =	vld [tilespmem:s16+$0x8410];
	[tilespmem:s15+$0x104A0] =	vst v0;
	v2 =	vmul.f32 $8.000000000e+00, v2  }
0x90: {  	v0 =	vld [tilespmem:s16+$0x8420];
	[tilespmem:s15+$0x104B0] =	vst v1;
	v3 =	vmul.f32 $8.000000000e+00, v3  }
0x91: {  	v1 =	vld [tilespmem:s16+$0x8430];
	[tilespmem:s15+$0x104C0] =	vst v2;
	v4 =	vmul.f32 $8.000000000e+00, v4  }
0x92: {  	v2 =	vld [tilespmem:s16+$0x8440];
	[tilespmem:s15+$0x104D0] =	vst v3;
	v7 =	vmul.f32 $8.000000000e+00, v7  }
0x93: {  	v3 =	vld [tilespmem:s16+$0x8450];
	[tilespmem:s15+$0x104E0] =	vst v4;
	v4 =	vmul.f32 $8.000000000e+00, v5  }
0x94: {  	v5 =	vld [tilespmem:s16+$0x8460];
	[tilespmem:s16+$0x104F0] =	vst v7;
	v6 =	vmul.f32 $8.000000000e+00, v6  }
0x95: {  	[tilespmem:s16+$0x10400] =	vst v4;
	v4 =	vld [tilespmem:s16+$0x8470];
	v0 =	vmul.f32 $8.000000000e+00, v0  }
0x96: {  	[tilespmem:s16+$0x10410] =	vst v6;
	v6 =	vld [tilespmem:s16+$0x8480];
	v1 =	vmul.f32 $8.000000000e+00, v1  }
0x97: {  	[tilespmem:s16+$0x10420] =	vst v0;
	v0 =	vld [tilespmem:s16+$0x8490];
	v2 =	vmul.f32 $8.000000000e+00, v2  }
0x98: {  	[tilespmem:s16+$0x10430] =	vst v1;
	v1 =	vld [tilespmem:s16+$0x84A0];
	v3 =	vmul.f32 $8.000000000e+00, v3  }
0x99: {  	[tilespmem:s16+$0x10440] =	vst v2;
	v2 =	vld [tilespmem:s16+$0x84B0];
	v5 =	vmul.f32 $8.000000000e+00, v5  }
0x9a: {  	[tilespmem:s16+$0x10450] =	vst v3;
	v3 =	vld [tilespmem:s16+$0x84C0];
	v4 =	vmul.f32 $8.000000000e+00, v4  }
0x9b: {  	[tilespmem:s16+$0x10460] =	vst v5;
	v5 =	vld [tilespmem:s16+$0x84D0];
	v6 =	vmul.f32 $8.000000000e+00, v6  }
0x9c: {  	[tilespmem:s16+$0x10470] =	vst v4;
	v0 =	vmul.f32 $8.000000000e+00, v0;
	v4 =	vld [tilespmem:s16+$0x84E0]  }
0x9d: {  	[tilespmem:s16+$0x10480] =	vst v6;
	v1 =	vmul.f32 $8.000000000e+00, v1  }
0x9e: {  	[tilespmem:s16+$0x10490] =	vst v0;
	v0 =	vmul.f32 $8.000000000e+00, v2  }
0x9f: {  	[tilespmem:s16+$0x104A0] =	vst v1;
	v1 =	vmul.f32 $8.000000000e+00, v3  }
0xa0: {  	[tilespmem:s16+$0x104B0] =	vst v0;
	v0 =	vmul.f32 $8.000000000e+00, v5  }
0xa1: {  	[tilespmem:s16+$0x104C0] =	vst v1;
	v1 =	vmul.f32 $8.000000000e+00, v4  }
0xa2: {  	[tilespmem:s16+$0x104D0] =	vst v0  }
0xa3: {  	s17 =	simm.s32 @!p1 $0x8400;
	s15 =	sor.u32 @!p1 $0x80, s14;
	[tilespmem:s16+$0x104E0] =	vst v1;
	s16 =	simm.s32 @!p1 $0x80  }
0xa4: {  	[tilespmem:s17], [sflag:$0x3] =	stream.indirect.gather @!p1 [hbm4b:s4+s16], $0x40, s15, s16, $0xb8;
	[tilespmem:$0x16400] =	vst v63  }
0xa5: {  	s17 =	sor.u32 s6, s13  }
0xa6: {  	s15 =	sshrl.u32 s17, $0x3  }
0xa7: {  	s15 =	sadd.s32 s2, s15  }
0xa8: {  	[hbm4b:s15+s3] =	stream.linear.scatter [tilespmem:s22], [sflag:$0x7], $0x2000, $0x38;
	[tilespmem:$0x16400] =	vst v63  }
0xa9: {  	_ =	swait.ge [sflag:s23], $0x2000  }
0xaa: {  	[sflag:s23] =	ssyncset.done $0x0  }
0xab: {  	s15 =	simm.s32 @!p0 $0x8;
	[sflag:s23] =	ssyncadd.s32 $0xFFFFE000  }
0xac: {  	_ =	swait.ge @!p0 [sflag:s15], $0x2000  }
0xad: {  	[sflag:s15] =	ssyncset.done @!p0 $0x0  }
0xae: {  	[sflag:s15] =	ssyncadd.s32 @!p0 $0xFFFFE000;
	s15 =	simm.s32 $0x0  }
0xaf: {  	v0 =	vld [tilespmem:s15+$0xA4F0]  }
0xb0: {  	v1 =	vld [tilespmem:s15+$0xA400]  }
0xb1: {  	v2 =	vld [tilespmem:s15+$0xA410]  }
0xb2: {  	v3 =	vld [tilespmem:s15+$0xA420]  }
0xb3: {  	v6 =	vld [tilespmem:s15+$0xA450]  }
0xb4: {  	v4 =	vld [tilespmem:s15+$0xA430];
	v0 =	vmul.f32 $8.000000000e+00, v0  }
0xb5: {  	v5 =	vld [tilespmem:s15+$0xA440];
	v1 =	vmul.f32 $8.000000000e+00, v1  }
0xb6: {  	v7 =	vld [tilespmem:s15+$0xA460];
	[tilespmem:s15+$0x124F0] =	vst v0;
	v0 =	vmul.f32 $8.000000000e+00, v2  }
0xb7: {  	v8 =	vld [tilespmem:s15+$0xA470];
	[tilespmem:s15+$0x12400] =	vst v1;
	v1 =	vmul.f32 $8.000000000e+00, v3  }
0xb8: {  	v2 =	vmul.f32 $8.000000000e+00, v6;
	[tilespmem:s15+$0x12410] =	vst v0  }
0xb9: {  	v9 =	vld [tilespmem:s15+$0xA480];
	v0 =	vmul.f32 $8.000000000e+00, v4;
	[tilespmem:s15+$0x12420] =	vst v1  }
0xba: {  	v4 =	vld [tilespmem:s15+$0xA490];
	v1 =	vmul.f32 $8.000000000e+00, v5;
	[tilespmem:s15+$0x12450] =	vst v2  }
0xbb: {  	v3 =	vmul.f32 $8.000000000e+00, v7;
	[tilespmem:s15+$0x12430] =	vst v0;
	v0 =	vld [tilespmem:s15+$0xA4A0]  }
0xbc: {  	v5 =	vmul.f32 $8.000000000e+00, v8;
	[tilespmem:s15+$0x12440] =	vst v1;
	v1 =	vld [tilespmem:s15+$0xA4B0]  }
0xbd: {  	v2 =	vld [tilespmem:s15+$0xA4C0];
	[tilespmem:s15+$0x12460] =	vst v3  }
0xbe: {  	v3 =	vld [tilespmem:s15+$0xA4D0];
	[tilespmem:s15+$0x12470] =	vst v5;
	v5 =	vmul.f32 $8.000000000e+00, v9  }
0xbf: {  	s16 =	simm.s32 $0x100;
	s17 =	simm.s32 $0x800;
	v6 =	vmul.f32 $8.000000000e+00, v4;
	v4 =	vld [tilespmem:s15+$0xA4E0]  }
.LBB2_11:
0xc0: {  	p2 =	sne.s32 s17, $0x7C00;
	v7 =	vld [tilespmem:s16+$0xA4F0];
	[tilespmem:s15+$0x12480] =	vst v5;
	v0 =	vmul.f32 $8.000000000e+00, v0  }
0xc1: {  	v5 =	vld [tilespmem:s16+$0xA400];
	[tilespmem:s15+$0x12490] =	vst v6;
	v1 =	vmul.f32 $8.000000000e+00, v1  }
0xc2: {  	v6 =	vld [tilespmem:s16+$0xA410];
	[tilespmem:s15+$0x124A0] =	vst v0;
	v0 =	vmul.f32 $8.000000000e+00, v2  }
0xc3: {  	v2 =	vld [tilespmem:s16+$0xA420];
	[tilespmem:s15+$0x124B0] =	vst v1;
	v1 =	vmul.f32 $8.000000000e+00, v3  }
0xc4: {  	v3 =	vld [tilespmem:s16+$0xA430];
	[tilespmem:s15+$0x124C0] =	vst v0;
	v0 =	vmul.f32 $8.000000000e+00, v4  }
0xc5: {  	v4 =	vld [tilespmem:s16+$0xA440];
	v7 =	vmul.f32 $8.000000000e+00, v7;
	[tilespmem:s15+$0x124D0] =	vst v1  }
0xc6: {  	v1 =	vmul.f32 $8.000000000e+00, v5;
	v5 =	vld [tilespmem:s16+$0xA450];
	[tilespmem:s15+$0x124E0] =	vst v0;
	s15 =	smov.u32 s16  }
0xc7: {  	v0 =	vmul.f32 $8.000000000e+00, v6;
	v6 =	vld [tilespmem:s15+$0xA460];
	[tilespmem:s15+$0x124F0] =	vst v7  }
0xc8: {  	[tilespmem:s15+$0x12400] =	vst v1;
	v1 =	vmul.f32 $8.000000000e+00, v2;
	v2 =	vld [tilespmem:s15+$0xA470]  }
0xc9: {  	[tilespmem:s15+$0x12410] =	vst v0;
	v0 =	vmul.f32 $8.000000000e+00, v3;
	v3 =	vld [tilespmem:s15+$0xA480]  }
0xca: {  	[tilespmem:s15+$0x12420] =	vst v1;
	v1 =	vmul.f32 $8.000000000e+00, v4;
	v4 =	vld [tilespmem:s15+$0xA490]  }
.Ltmp4:
0xcb: {  	[tilespmem:s15+$0x12430] =	vst v0;
	v5 =	vmul.f32 $8.000000000e+00, v5;
	v0 =	vld [tilespmem:s15+$0xA4A0];
	(pc) =	sbr.rel @p2 .LBB2_11-.Ltmp4, $4  }
0xcc: {  	[tilespmem:s15+$0x12440] =	vst v1;
	v6 =	vmul.f32 $8.000000000e+00, v6;
	v1 =	vld [tilespmem:s15+$0xA4B0]  }
0xcd: {  	[tilespmem:s15+$0x12450] =	vst v5;
	v7 =	vmul.f32 $8.000000000e+00, v2;
	v2 =	vld [tilespmem:s15+$0xA4C0]  }
0xce: {  	[tilespmem:s15+$0x12460] =	vst v6;
	v5 =	vmul.f32 $8.000000000e+00, v3;
	v3 =	vld [tilespmem:s15+$0xA4D0]  }
0xcf: {  	s16 =	sshra.s32 s17, $0x2;
	s17 =	sadd.s32 $0x400, s17;
	[tilespmem:s15+$0x12470] =	vst v7;
	v6 =	vmul.f32 $8.000000000e+00, v4;
	v4 =	vld [tilespmem:s15+$0xA4E0]  }
0xd0: {  	v7 =	vld [tilespmem:s16+$0xA4F0];
	[tilespmem:s15+$0x12480] =	vst v5;
	v0 =	vmul.f32 $8.000000000e+00, v0  }
0xd1: {  	v5 =	vld [tilespmem:s16+$0xA400];
	[tilespmem:s15+$0x12490] =	vst v6;
	v1 =	vmul.f32 $8.000000000e+00, v1  }
0xd2: {  	v6 =	vld [tilespmem:s16+$0xA410];
	[tilespmem:s15+$0x124A0] =	vst v0;
	v2 =	vmul.f32 $8.000000000e+00, v2  }
0xd3: {  	v0 =	vld [tilespmem:s16+$0xA420];
	[tilespmem:s15+$0x124B0] =	vst v1;
	v3 =	vmul.f32 $8.000000000e+00, v3  }
0xd4: {  	v1 =	vld [tilespmem:s16+$0xA430];
	[tilespmem:s15+$0x124C0] =	vst v2;
	v4 =	vmul.f32 $8.000000000e+00, v4  }
0xd5: {  	v2 =	vld [tilespmem:s16+$0xA440];
	[tilespmem:s15+$0x124D0] =	vst v3;
	v7 =	vmul.f32 $8.000000000e+00, v7  }
0xd6: {  	v3 =	vld [tilespmem:s16+$0xA450];
	[tilespmem:s15+$0x124E0] =	vst v4;
	v4 =	vmul.f32 $8.000000000e+00, v5  }
0xd7: {  	v5 =	vld [tilespmem:s16+$0xA460];
	[tilespmem:s16+$0x124F0] =	vst v7;
	v6 =	vmul.f32 $8.000000000e+00, v6  }
0xd8: {  	[tilespmem:s16+$0x12400] =	vst v4;
	v4 =	vld [tilespmem:s16+$0xA470];
	v0 =	vmul.f32 $8.000000000e+00, v0  }
0xd9: {  	[tilespmem:s16+$0x12410] =	vst v6;
	v6 =	vld [tilespmem:s16+$0xA480];
	v1 =	vmul.f32 $8.000000000e+00, v1  }
0xda: {  	[tilespmem:s16+$0x12420] =	vst v0;
	v0 =	vld [tilespmem:s16+$0xA490];
	v2 =	vmul.f32 $8.000000000e+00, v2  }
0xdb: {  	[tilespmem:s16+$0x12430] =	vst v1;
	v1 =	vld [tilespmem:s16+$0xA4A0];
	v3 =	vmul.f32 $8.000000000e+00, v3  }
0xdc: {  	[tilespmem:s16+$0x12440] =	vst v2;
	v2 =	vld [tilespmem:s16+$0xA4B0];
	v5 =	vmul.f32 $8.000000000e+00, v5  }
0xdd: {  	[tilespmem:s16+$0x12450] =	vst v3;
	v3 =	vld [tilespmem:s16+$0xA4C0];
	v4 =	vmul.f32 $8.000000000e+00, v4  }
0xde: {  	[tilespmem:s16+$0x12460] =	vst v5;
	v5 =	vld [tilespmem:s16+$0xA4D0];
	v6 =	vmul.f32 $8.000000000e+00, v6  }
0xdf: {  	[tilespmem:s16+$0x12470] =	vst v4;
	v0 =	vmul.f32 $8.000000000e+00, v0;
	v4 =	vld [tilespmem:s16+$0xA4E0]  }
0xe0: {  	[tilespmem:s16+$0x12480] =	vst v6;
	v1 =	vmul.f32 $8.000000000e+00, v1  }
0xe1: {  	[tilespmem:s16+$0x12490] =	vst v0;
	v0 =	vmul.f32 $8.000000000e+00, v2  }
0xe2: {  	[tilespmem:s16+$0x124A0] =	vst v1;
	v1 =	vmul.f32 $8.000000000e+00, v3  }
0xe3: {  	[tilespmem:s16+$0x124B0] =	vst v0;
	v0 =	vmul.f32 $8.000000000e+00, v5  }
0xe4: {  	[tilespmem:s16+$0x124C0] =	vst v1;
	v1 =	vmul.f32 $8.000000000e+00, v4  }
0xe5: {  	[tilespmem:s16+$0x124D0] =	vst v0  }
0xe6: {  	s17 =	simm.s32 @!p1 $0xA400;
	s15 =	sor.u32 @!p1 $0x100, s14;
	[tilespmem:s16+$0x124E0] =	vst v1;
	s16 =	simm.s32 @!p1 $0x80  }
0xe7: {  	[tilespmem:s17], [sflag:$0x4] =	stream.indirect.gather @!p1 [hbm4b:s4+s16], $0x40, s15, s16, $0xb8;
	[tilespmem:$0x16400] =	vst v63  }
0xe8: {  	s17 =	sor.u32 s7, s13  }
0xe9: {  	s15 =	sshrl.u32 s17, $0x3  }
0xea: {  	s15 =	sadd.s32 s2, s15  }
0xeb: {  	[hbm4b:s15+s3] =	stream.linear.scatter [tilespmem:s24], [sflag:$0x8], $0x2000, $0x38;
	[tilespmem:$0x16400] =	vst v63  }
0xec: {  	_ =	swait.ge [sflag:s25], $0x2000  }
0xed: {  	[sflag:s25] =	ssyncset.done $0x0  }
0xee: {  	s15 =	simm.s32 @!p0 $0x9;
	[sflag:s25] =	ssyncadd.s32 $0xFFFFE000  }
0xef: {  	_ =	swait.ge @!p0 [sflag:s15], $0x2000  }
0xf0: {  	[sflag:s15] =	ssyncset.done @!p0 $0x0  }
0xf1: {  	[sflag:s15] =	ssyncadd.s32 @!p0 $0xFFFFE000;
	s15 =	simm.s32 $0x0  }
0xf2: {  	v0 =	vld [tilespmem:s15+$0xC4F0]  }
0xf3: {  	v1 =	vld [tilespmem:s15+$0xC400]  }
0xf4: {  	v2 =	vld [tilespmem:s15+$0xC410]  }
0xf5: {  	v3 =	vld [tilespmem:s15+$0xC420]  }
0xf6: {  	v6 =	vld [tilespmem:s15+$0xC450]  }
0xf7: {  	v4 =	vld [tilespmem:s15+$0xC430];
	v0 =	vmul.f32 $8.000000000e+00, v0  }
0xf8: {  	v5 =	vld [tilespmem:s15+$0xC440];
	v1 =	vmul.f32 $8.000000000e+00, v1  }
0xf9: {  	v7 =	vld [tilespmem:s15+$0xC460];
	[tilespmem:s15+$0x144F0] =	vst v0;
	v0 =	vmul.f32 $8.000000000e+00, v2  }
0xfa: {  	v8 =	vld [tilespmem:s15+$0xC470];
	[tilespmem:s15+$0x14400] =	vst v1;
	v1 =	vmul.f32 $8.000000000e+00, v3  }
0xfb: {  	v2 =	vmul.f32 $8.000000000e+00, v6;
	[tilespmem:s15+$0x14410] =	vst v0  }
0xfc: {  	v9 =	vld [tilespmem:s15+$0xC480];
	v0 =	vmul.f32 $8.000000000e+00, v4;
	[tilespmem:s15+$0x14420] =	vst v1  }
0xfd: {  	v4 =	vld [tilespmem:s15+$0xC490];
	v1 =	vmul.f32 $8.000000000e+00, v5;
	[tilespmem:s15+$0x14450] =	vst v2  }
0xfe: {  	v3 =	vmul.f32 $8.000000000e+00, v7;
	[tilespmem:s15+$0x14430] =	vst v0;
	v0 =	vld [tilespmem:s15+$0xC4A0]  }
0xff: {  	v5 =	vmul.f32 $8.000000000e+00, v8;
	[tilespmem:s15+$0x14440] =	vst v1;
	v1 =	vld [tilespmem:s15+$0xC4B0]  }
0x100: {  	v2 =	vld [tilespmem:s15+$0xC4C0];
	[tilespmem:s15+$0x14460] =	vst v3  }
0x101: {  	v3 =	vld [tilespmem:s15+$0xC4D0];
	[tilespmem:s15+$0x14470] =	vst v5;
	v5 =	vmul.f32 $8.000000000e+00, v9  }
0x102: {  	s16 =	simm.s32 $0x100;
	s17 =	simm.s32 $0x800;
	v6 =	vmul.f32 $8.000000000e+00, v4;
	v4 =	vld [tilespmem:s15+$0xC4E0]  }
.LBB2_13:
0x103: {  	p0 =	sne.s32 s17, $0x7C00;
	v7 =	vld [tilespmem:s16+$0xC4F0];
	[tilespmem:s15+$0x14480] =	vst v5;
	v0 =	vmul.f32 $8.000000000e+00, v0  }
0x104: {  	v5 =	vld [tilespmem:s16+$0xC400];
	[tilespmem:s15+$0x14490] =	vst v6;
	v1 =	vmul.f32 $8.000000000e+00, v1  }
0x105: {  	v6 =	vld [tilespmem:s16+$0xC410];
	[tilespmem:s15+$0x144A0] =	vst v0;
	v0 =	vmul.f32 $8.000000000e+00, v2  }
0x106: {  	v2 =	vld [tilespmem:s16+$0xC420];
	[tilespmem:s15+$0x144B0] =	vst v1;
	v1 =	vmul.f32 $8.000000000e+00, v3  }
0x107: {  	v3 =	vld [tilespmem:s16+$0xC430];
	[tilespmem:s15+$0x144C0] =	vst v0;
	v0 =	vmul.f32 $8.000000000e+00, v4  }
0x108: {  	v4 =	vld [tilespmem:s16+$0xC440];
	v7 =	vmul.f32 $8.000000000e+00, v7;
	[tilespmem:s15+$0x144D0] =	vst v1  }
0x109: {  	v1 =	vmul.f32 $8.000000000e+00, v5;
	v5 =	vld [tilespmem:s16+$0xC450];
	[tilespmem:s15+$0x144E0] =	vst v0;
	s15 =	smov.u32 s16  }
0x10a: {  	v0 =	vmul.f32 $8.000000000e+00, v6;
	v6 =	vld [tilespmem:s15+$0xC460];
	[tilespmem:s15+$0x144F0] =	vst v7  }
0x10b: {  	[tilespmem:s15+$0x14400] =	vst v1;
	v1 =	vmul.f32 $8.000000000e+00, v2;
	v2 =	vld [tilespmem:s15+$0xC470]  }
0x10c: {  	[tilespmem:s15+$0x14410] =	vst v0;
	v0 =	vmul.f32 $8.000000000e+00, v3;
	v3 =	vld [tilespmem:s15+$0xC480]  }
0x10d: {  	[tilespmem:s15+$0x14420] =	vst v1;
	v1 =	vmul.f32 $8.000000000e+00, v4;
	v4 =	vld [tilespmem:s15+$0xC490]  }
.Ltmp5:
0x10e: {  	[tilespmem:s15+$0x14430] =	vst v0;
	v5 =	vmul.f32 $8.000000000e+00, v5;
	v0 =	vld [tilespmem:s15+$0xC4A0];
	(pc) =	sbr.rel @p0 .LBB2_13-.Ltmp5, $4  }
0x10f: {  	[tilespmem:s15+$0x14440] =	vst v1;
	v6 =	vmul.f32 $8.000000000e+00, v6;
	v1 =	vld [tilespmem:s15+$0xC4B0]  }
0x110: {  	[tilespmem:s15+$0x14450] =	vst v5;
	v7 =	vmul.f32 $8.000000000e+00, v2;
	v2 =	vld [tilespmem:s15+$0xC4C0]  }
0x111: {  	[tilespmem:s15+$0x14460] =	vst v6;
	v5 =	vmul.f32 $8.000000000e+00, v3;
	v3 =	vld [tilespmem:s15+$0xC4D0]  }
0x112: {  	s16 =	sshra.s32 s17, $0x2;
	s17 =	sadd.s32 $0x400, s17;
	[tilespmem:s15+$0x14470] =	vst v7;
	v6 =	vmul.f32 $8.000000000e+00, v4;
	v4 =	vld [tilespmem:s15+$0xC4E0]  }
0x113: {  	v7 =	vld [tilespmem:s16+$0xC4F0];
	[tilespmem:s15+$0x14480] =	vst v5;
	v0 =	vmul.f32 $8.000000000e+00, v0  }
0x114: {  	v5 =	vld [tilespmem:s16+$0xC400];
	[tilespmem:s15+$0x14490] =	vst v6;
	v1 =	vmul.f32 $8.000000000e+00, v1  }
0x115: {  	v6 =	vld [tilespmem:s16+$0xC410];
	[tilespmem:s15+$0x144A0] =	vst v0;
	v2 =	vmul.f32 $8.000000000e+00, v2  }
0x116: {  	v0 =	vld [tilespmem:s16+$0xC420];
	[tilespmem:s15+$0x144B0] =	vst v1;
	v3 =	vmul.f32 $8.000000000e+00, v3  }
0x117: {  	v1 =	vld [tilespmem:s16+$0xC430];
	[tilespmem:s15+$0x144C0] =	vst v2;
	v4 =	vmul.f32 $8.000000000e+00, v4  }
0x118: {  	v2 =	vld [tilespmem:s16+$0xC440];
	[tilespmem:s15+$0x144D0] =	vst v3;
	v7 =	vmul.f32 $8.000000000e+00, v7  }
0x119: {  	v3 =	vld [tilespmem:s16+$0xC450];
	[tilespmem:s15+$0x144E0] =	vst v4;
	v50 =	vmul.f32 $8.000000000e+00, v5  }
0x11a: {  	v51 =	vld [tilespmem:s16+$0xC460];
	[tilespmem:s16+$0x144F0] =	vst v7;
	v6 =	vmul.f32 $8.000000000e+00, v6  }
0x11b: {  	v52 =	vld [tilespmem:s16+$0xC470];
	[tilespmem:s16+$0x14400] =	vst v50;
	v0 =	vmul.f32 $8.000000000e+00, v0  }
0x11c: {  	v53 =	vld [tilespmem:s16+$0xC480];
	[tilespmem:s16+$0x14410] =	vst v6;
	v1 =	vmul.f32 $8.000000000e+00, v1  }
0x11d: {  	v54 =	vld [tilespmem:s16+$0xC490];
	[tilespmem:s16+$0x14420] =	vst v0;
	v2 =	vmul.f32 $8.000000000e+00, v2  }
0x11e: {  	v55 =	vld [tilespmem:s16+$0xC4A0];
	[tilespmem:s16+$0x14430] =	vst v1;
	v3 =	vmul.f32 $8.000000000e+00, v3  }
0x11f: {  	v56 =	vld [tilespmem:s16+$0xC4B0];
	[tilespmem:s16+$0x14440] =	vst v2;
	v5 =	vmul.f32 $8.000000000e+00, v51  }
0x120: {  	v57 =	vld [tilespmem:s16+$0xC4C0];
	v4 =	vmul.f32 $8.000000000e+00, v52;
	[tilespmem:s16+$0x14450] =	vst v3  }
0x121: {  	v58 =	vld [tilespmem:s16+$0xC4D0];
	v6 =	vmul.f32 $8.000000000e+00, v53;
	[tilespmem:s16+$0x14460] =	vst v5  }
0x122: {  	v59 =	vld [tilespmem:s16+$0xC4E0];
	v0 =	vmul.f32 $8.000000000e+00, v54;
	[tilespmem:s16+$0x14470] =	vst v4  }
0x123: {  	v1 =	vmul.f32 $8.000000000e+00, v55;
	[tilespmem:s16+$0x14480] =	vst v6  }
0x124: {  	v60 =	vmul.f32 $8.000000000e+00, v56;
	[tilespmem:s16+$0x14490] =	vst v0  }
0x125: {  	v61 =	vmul.f32 $8.000000000e+00, v57;
	[tilespmem:s16+$0x144A0] =	vst v1  }
0x126: {  	v62 =	vmul.f32 $8.000000000e+00, v58;
	[tilespmem:s16+$0x144B0] =	vst v60  }
0x127: {  	s13 =	sor.u32 s8, s13;
	v63 =	vmul.f32 $8.000000000e+00, v59;
	[tilespmem:s16+$0x144C0] =	vst v61  }
0x128: {  	s14 =	sor.u32 @!p1 $0x180, s14;
	p0 =	sne.s32 s1, $0x32;
	s13 =	sshrl.u32 s13, $0x3;
	[tilespmem:s16+$0x144D0] =	vst v62  }
.Ltmp6:
0x129: {  	s15 =	simm.s32 @!p1 $0x80;
	[tilespmem:s16+$0x144E0] =	vst v63;
	s16 =	simm.s32 @!p1 $0xC400;
	(pc) =	sbr.rel @p0 .LBB2_6-.Ltmp6, $4  }
0x12a: {  	[tilespmem:s16], [sflag:$0x5] =	stream.indirect.gather @!p1 [hbm4b:s4+s15], $0x40, s14, s15, $0xb8;
	[tilespmem:$0x16400] =	vst v63  }
0x12b: {  	s13 =	sadd.s32 s2, s13  }
0x12c: {  	[hbm4b:s13+s3] =	stream.linear.scatter [tilespmem:s26], [sflag:$0x9], $0x2000, $0x38;
	[tilespmem:$0x16400] =	vst v63  }
0x12d: {  	s13 =	smov.u32 s1  }
0x12e: {  	_ =	swait.ge [sflag:s28], $0x2000  }
0x12f: {  	[sflag:s28] =	ssyncset.done $0x0  }
0x130: {  	[sflag:s28] =	ssyncadd.s32 $0xFFFFE000  }
0x131: {  	_ =	swait.ge [sflag:s29], $0x2000  }
0x132: {  	[sflag:s29] =	ssyncset.done $0x0  }
0x133: {  	s0 =	sadd.s32 $0x1, s0;
	[sflag:s29] =	ssyncadd.s32 $0xFFFFE000  }
0x134: {  	p0 =	sne.s32 s0, s9;
	_ =	swait.ge [sflag:s30], $0x2000  }
.Ltmp7:
0x135: {  	[sflag:s30] =	ssyncset.done $0x0;
	(pc) =	sbr.rel @p0 .LBB2_1-.Ltmp7, $4  }
0x136: {  	[sflag:s30] =	ssyncadd.s32 $0xFFFFE000  }
0x137: {  	_ =	swait.ge [sflag:s31], $0x2000  }
0x138: {  	[sflag:s31] =	ssyncset.done $0x0  }
0x139: {  	[sflag:s31] =	ssyncadd.s32 $0xFFFFE000  }
0x13a: {  	_ =	sfence.sel $0x180000  }
0x13b: {  	[bflag:$0x0] =	sbarrier.arrive $0xFFFF  }
0x13c: {  	_ =	strace $0x90000047  }
0x13d: {  	s0 =	stileid.u32;
	[bflag:$0x2] =	sbarrier.arrive $0xFFFF  }
0x13e: {  	p0 =	sne.s32 s0, $0x0;
	s0 =	rddreg [dreg:$0x2]  }
0x13f: {  	s0 =	sadd.s32 @!p0 $0x100000, s0  }
0x140: {  	[sflag:s0] =	ssyncadd.tile.s32 @!p0 $0x1;
	_ =	shalt  }
.Lfunc_end2:
_tile_overlayer_lowered:
.L_overlay_start_2:
0x141: {  	(tag) =	ssettag $0x2  }
0x142: {  	s0 =	rddreg [dreg:$0x0];
	s2 =	stileid.u32  }
0x143: {  	s1 =	rddreg [dreg:$0x1];
	p0 =	sne.s32 s2, $0x0  }
0x144: {  	s3 =	rddreg [dreg:$0x2];
	[bflag:$0x3] =	sbarrier.arrive $0xFFFF;
	s2 =	simm.s32 @!p0 $0x1C0A  }
0x145: {  	[timem:s3], [sflag:s2] =	dma.local @!p0 [hbm:s0], s1  }
0x146: {  	s0 =	simm.s32 @!p0 $0xA  }
0x147: {  	_ =	swait.ge @!p0 [sflag:s0], s1  }
0x148: {  	s1 =	ssub.s32 @!p0 $0x0, s1;
	[sflag:s0] =	ssyncset.done @!p0 $0x0  }
0x149: {  	[sflag:s0] =	ssyncadd.s32 @!p0 s1  }
0x14a: {  	[bflag:$0x3] =	sbarrier.arrive $0xFFFF  }
0x14b: {  	_ =	shalt  }

// kernel: sparse-core-data-format-call.cloned.1.call-start
scs
called_computation_lowered:
.L_overlay_start_0:
0x0: {  	s2 =	sld [smem:$0x3FD9]  }
0x1: {  	s3 =	sld [smem:$0x3FFE];
	_ =	sdelay $0x1  }
0x2: {  	s1 =	srdreg.scid  }
0x3: {  	s0 =	sand.u32 $0x1, s1  }
0x4: {  	s18 =	sshll.u32 s0, $0xA;
	s2 =	sadd.s32 s3, s2  }
0x5: {  	s2 =	sadd.s32 s2, s18  }
0x6: {  	[smem:$0x3FC6] =	sst s2  }
0x7: {  	_ = 	snop  }
0x8: {  	s2 =	sld [smem:$0x3FD0];
	(tm) =	ssettm $0x1  }
0x9: {  	s19 =	sld [smem:$0x3FFB];
	_ =	sdelay $0x3  }
0xa: {  	_ =	strace s19  }
0xb: {  	s3 =	sld [smem:$0x3FFC];
	_ =	sdelay $0x3  }
0xc: {  	_ =	strace s3  }
0xd: {  	s3 =	sld [smem:$0x3FFD];
	_ =	sdelay $0x3  }
0xe: {  	_ =	strace s3  }
0xf: {  	_ =	strace $0x8FFFFFFF  }
0x10: {  	s20 =	sld [smem:$0x3FDB];
	_ =	sdelay $0x1  }
0x11: {  	s4 =	simm.s32 $_scs_section_size  }
0x12: {  	s5 =	simm.s32 $_size__tile_overlayer_lowered;
	s6 =	simm.s32 $_tile_overlayer_lowered  }
0x13: {  	s23 =	simm.s32 $0x1BFF;
	s22 =	sshll.u32 s6, $0x1;
	s3 =	sadd.s32 s4, s20  }
0x14: {  	s7 =	simm.s32 $0x0;
	s21 =	sshll.u32 s5, $0x1;
	s5 =	sadd.s32 s22, s3  }
0x15: {  	[timem:s7], [sflag:s23] =	dma.local [hbm:s5], s21  }
0x16: {  	_ =	swait.ge [sflag:s23], s21  }
0x17: {  	s4 =	ssub.s32 $0x0, s21;
	[sflag:s23] =	ssyncset.done $0x0  }
0x18: {  	[sflag:s23] =	ssyncadd.s32 s4;
	_ =	sdelay $0x1  }
0x19: {  	s24 =	simm.s32 $0x1B8B  }
0x1a: {  	_ =	swait.ge [sflag:s24], $0x1  }
0x1b: {  	[sflag:s24] =	ssyncset.done $0x0  }
0x1c: {  	s26 =	simm.s32 $0x1B8E;
	s25 =	sld [smem:$0x3FFE];
	[sflag:s24] =	ssyncadd.s32 $0xFFFFFFFF  }
0x1d: {  	s27 =	simm.s32 $execute0_lowered;
	[smem:$0x3FD2] =	sst s26  }
0x1e: {  	s5 =	sshll.u32 s27, $0x1;
	_ =	strace $0x80000049;
	[dreg:$0x1] =	wrdreg $0xFFFFFFFF  }
0x1f: {  	s28 =	simm.s32 $_size_execute0_lowered;
	s3 =	sadd.s32 s3, s5;
	[dreg:$0x0] =	wrdreg $0x0  }
0x20: {  	s5 =	sshll.u32 s28, $0x1;
	[dreg:$0x2] =	wrdreg s3  }
0x21: {  	[dreg:$0x3] =	wrdreg s5  }
0x22: {  	[dreg:$0x4] =	wrdreg $0xC0  }
0x23: {  	_ =	task [dreg:s7], $0x5FFFF  }
0x24: {  	[dreg:$0x1] =	wrdreg $0xFFFFFFFF  }
0x25: {  	[dreg:$0x0] =	wrdreg $0x60  }
0x26: {  	[dreg:$0x2] =	wrdreg s25  }
0x27: {  	[dreg:$0x3] =	wrdreg s2  }
0x28: {  	[dreg:$0x4] =	wrdreg $0x9  }
0x29: {  	_ =	task.clear_ibuf [dreg:s7], $0x5FFFF;
	_ =	strace $0x90000049  }
0x2a: {  	s29 =	simm.s32 $0x9;
	_ =	strace $0x8000004B  }
0x2b: {  	_ =	swait.ge [sflag:s29], $0x1  }
0x2c: {  	[sflag:s29] =	ssyncadd.s32 $0xFFFFFFFF  }
0x2d: {  	_ =	strace $0x9000004B  }
0x2e: {  	_ =	sfence  }
0x2f: {  	s30 =	sld [smem:$0x0];
	_ =	sdelay $0x2  }
0x30: {  	s31 =	sshll.u32 s1, $0xD;
	s1 =	sshrl.u32 s1, $0x2  }
0x31: {  	s3 =	sand.u32 $0x4000, s31;
	s1 =	sadd.s32 s1, s30  }
0x32: {  	s0 =	sor.u32 s3, s0;
	s1 =	sshll.u32 s1, $0x11  }
0x33: {  	s0 =	sor.u32 s1, s0  }
0x34: {  	s0 =	sadd.s32 $0x8F2B, s0  }
0x35: {  	[sflag:s0] =	ssyncadd.remote.s32 $0x1  }
0x36: {  	_ =	sfence.sel $0xFFFF  }
0x37: {  	[dreg:$0x0] =	wrdreg $0xFFFFFFFF;
	(pc) =	sbr.abs _section_cstart, $3  }
0x38: {  	[dreg:$0x1] =	wrdreg $0xFFFFFFFF  }
0x39: {  	_ =	task.clear_ibuf [dreg:s7], $0x2FFFF;
	_ =	strace $0x9FFFFFFF  }
0x3a: {  	(tm) =	ssettm $0x7FFFFFFF  }
0x3b: {  	_ =	shalt  }
tec
execute0_lowered:
.L_overlay_start_1:
0x0: {  	(tag) =	ssettag $0x1  }
0x1: {  	s0 =	srdreg.scid  }
0x2: {  	s1 =	sshll.u32 s0, $0x4  }
0x3: {  	s0 =	stileid.u32;
	s1 =	sand.u32 $0x10, s1  }
0x4: {  	s7 =	rddreg [dreg:$0x0];
	s1 =	sor.u32 s0, s1  }
0x5: {  	s4 =	simm.s32 $0x1;
	s8 =	simm.s32 $0x2;
	s2 =	sshll.u32 s1, $0x7  }
0x6: {  	s13 =	simm.s32 $0x0;
	s9 =	simm.s32 $0x20000;
	s1 =	ssub.s32 $0x4000, s2  }
0x7: {  	s14 =	simm.s32 $0x0;
	s11 =	simm.s32 $0x0;
	s3 =	sand.u32 $0xF80, s1  }
0x8: {  	s12 =	simm.s32 $0x0;
	s5 =	sshrl.u32 s1, $0xC;
	p0 =	sne.s32 s3, $0x0  }
.Ltmp0:
0x9: {  	s1 =	rddreg [dreg:$0x2];
	s4 =	simm.s32 @!p0 $0x0;
	(pc) =	sbr.rel .LBB1_1-.Ltmp0, $4  }
0xa: {  	s6 =	sadd.s32 $0xA00, s7;
	s3 =	rddreg [dreg:$0x1];
	s5 =	sadd.s32 s4, s5  }
0xb: {  	_ =	strace $0x8000004A;
	s4 =	simm.s32 $0x1;
	s5 =	smul.u32 $0x19, s5  }
0xc: {  	s7 =	sadd.s32 $0x40A00, s7;
	s10 =	smov.u32 s2;
	[sflag:s4] =	ssyncpa.u1 $0x0  }
0xd: {  	p0 =	por $0x0, $0x0;
	[sflag:s8] =	ssyncpa.u1 $0x0;
	s8 =	sadd.s32 $0x1, s5  }
.LBB1_7:
0xe: {  	s15 =	sadd.s32 $0x1000, s10  }
0xf: {  	s13 =	sadd.s32 $0x2, s11;
	s17 =	smov.u32 s11;
	p2 =	sgt.s32 s15, $0x3FFF  }
0x10: {  	s17 =	smov.u32 @p2 s13  }
0x11: {  	s15 =	smov.u32 @p2 s2;
	p2 =	sgt.s32 s17, $0x31  }
0x12: {  	s17 =	simm.s32 @p2 $0x0;
	p2 =	sne.s32 s12, s8  }
.Ltmp1:
0x13: {  	p1 =	slt.u32 s12, $0x2;
	(pc) =	sbr.rel @!p2 .LBB1_8-.Ltmp1, $4  }
0x14: {  	s16 =	simm.s32 @!p1 $0x2  }
0x15: {  	s14 =	smov.u32 s11;
	p0 =	por !p0, !p0;
	_ =	swait.ge @!p1 [sflag:s16], $0x4000  }
0x16: {  	s13 =	smov.u32 s10;
	[sflag:s16] =	ssyncset.done @!p1 $0x0;
	s10 =	smov.u32 s15  }
0x17: {  	s12 =	sadd.s32 $0x1, s12;
	[sflag:s16] =	ssyncadd.s32 @!p1 $0xFFFFC000;
	s11 =	smov.u32 s17  }
.LBB1_1:
0x18: {  	p1 =	sge.u32 s12, s5  }
0x19: {  	s15 =	sxor.u32 @!p1 $0xFFFFFFFF, s12;
	s16 =	sshll.u32 @!p1 s11, $0x12  }
0x1a: {  	s17 =	sshll.u32 @!p1 s10, $0x4;
	s19 =	simm.s32 @!p1 $0x40;
	s20 =	simm.s32 @!p1 $0x80  }
0x1b: {  	s15 =	sshll.u32 @!p1 s15, $0xE;
	s17 =	sand.u32 @!p1 $0x3FFF0, s17;
	s18 =	sadd.s32 @!p1 s6, s16  }
0x1c: {  	s16 =	sadd.s32 @!p1 s16, s7;
	s15 =	sand.u32 @!p1 $0x4000, s15;
	s18 =	sadd.s32 @!p1 s17, s18  }
0x1d: {  	[tilespmem:s15], [sflag:$0x1] =	stream.strided.gather @!p1 [hbm4b:s18+s19], $0x2000, s20, s19, $0x38;
	[tilespmem:$0x10100] =	vst v63  }
0x1e: {  	s31 =	sadd.s32 $0xFFFFFFFF, s12;
	s16 =	sadd.s32 @!p1 s17, s16;
	s15 =	sor.u32 @!p1 $0x2000, s15  }
0x1f: {  	[tilespmem:s15], [sflag:$0x1] =	stream.strided.gather @!p1 [hbm4b:s16+s19], $0x2000, s20, s19, $0x38;
	[tilespmem:$0x10100] =	vst v63  }
0x20: {  	p1 =	sge.u32 s31, s5  }
.Ltmp2:
0x21: {  	_ = 	snop;
	(pc) =	sbr.rel @p1 .LBB1_7-.Ltmp2, $1  }
0x22: {  	_ =	sdelay $0x3  }
0x23: {  	s15 =	simm.s32 $0x1;
	s17 =	sand.u32 $0x1, s12  }
0x24: {  	_ =	swait.ge [sflag:s4], $0x4000;
	s15 =	simm.s32 @!p0 $0x0;
	s17 =	smul.u32 $0x10200, s17  }
0x25: {  	p2 =	por $0x1, $0x1;
	[sflag:s4] =	ssyncset.done $0x0;
	s16 =	smul.u32 $0x10200, s15  }
0x26: {  	s18 =	sshll.u32 s15, $0x10;
	[sflag:s4] =	ssyncadd.s32 $0xFFFFC000;
	s30 =	sshrl.u32 s17, $0x2  }
0x27: {  	s31 =	sshrl.u32 s18, $0x2;
	s18 =	simm.s32 $0x0;
	s16 =	sshrl.u32 s16, $0x2  }
0x28: {  	s15 =	sor.u32 $0x8000, s30;
	s17 =	sadd.s32 $0x20, s31;
	s16 =	sor.u32 $0x8000, s16  }
.LBB1_3:
0x29: {  	s19 =	sshll.u32 s18, $0xD  }
0x2a: {  	s19 =	sand.u32 $0x3FFFE000, s19  }
0x2b: {  	s21 =	sadd.s32 s19, s17  }
0x2c: {  	s31 =	smul.u32 $0x8100, s18;
	v3 =	vld [tilespmem:s21+$0x10]  }
0x2d: {  	v1 =	vld [tilespmem:s21+$0xFFFFFFF0]  }
0x2e: {  	s18 =	sshra.s32 s31, $0x2;
	v0 =	vld [tilespmem:s21+$0x0]  }
0x2f: {  	s18 =	sadd.s32 s18, s16;
	v2 =	vld [tilespmem:s21+$0xFFFFFFE0]  }
0x30: {  	s19 =	sadd.s32 $0x0, s18  }
0x31: {  	p1 =	por p2, p2;
	s20 =	simm.s32 $0x4;
	s21 =	sadd.s32 $0x40, s21;
	[tilespmem:s19+$0x1830 ss:$0x81] =	vst.msk $0xffff, v3  }
.LBB1_4:
0x32: {  	v3 =	vld [tilespmem:s21+$0x10];
	p2 =	sne.s32 s20, $0x1FC;
	[tilespmem:s19+$0x810 ss:$0x81] =	vst.msk $0xffff, v1;
	s22 =	smov.u32 s20;
	s20 =	sadd.s32 $0x4, s20  }
.Ltmp3:
0x33: {  	v1 =	vld [tilespmem:s21+$0xFFFFFFF0];
	[tilespmem:s19+$0x1020 ss:$0x81] =	vst.msk $0xffff, v0;
	(pc) =	sbr.rel @p2 .LBB1_4-.Ltmp3, $4  }
0x34: {  	v0 =	vld [tilespmem:s21+$0x0];
	[tilespmem:s19+$0x0 ss:$0x81] =	vst.msk $0xffff, v2  }
0x35: {  	s19 =	sshra.s32 s22, $0x2;
	v2 =	vld [tilespmem:s21+$0xFFFFFFE0]  }
0x36: {  	s19 =	sadd.s32 s19, s18  }
0x37: {  	s21 =	sadd.s32 $0x40, s21;
	[tilespmem:s19+$0x1830 ss:$0x81] =	vst.msk $0xffff, v3  }
.Ltmp4:
0x38: {  	(pc) =	sbr.rel @p1 .LBB1_3-.Ltmp4, $4  }
0x39: {  	_ = 	snop  }
0x3a: {  	[tilespmem:s19+$0x810 ss:$0x81] =	vst.msk $0xffff, v1  }
0x3b: {  	[tilespmem:s19+$0x1020 ss:$0x81] =	vst.msk $0xffff, v0  }
0x3c: {  	s18 =	simm.s32 $0x1;
	p2 =	por $0x0, $0x0;
	[tilespmem:s19+$0x0 ss:$0x81] =	vst.msk $0xffff, v2  }
0x3d: {  	s16 =	sshll.u32 s13, $0x3;
	s17 =	sand.u32 $0x78, s13;
	s14 =	sshll.u32 s14, $0x11  }
.Ltmp5:
0x3e: {  	s30 =	sand.u32 $0x1F800, s13;
	s16 =	sand.u32 $0x3C00, s16;
	(pc) =	sbr.rel .LBB1_7-.Ltmp5, $4  }
0x3f: {  	s31 =	sand.u32 $0x7, s13;
	s14 =	sadd.s32 s3, s14;
	s16 =	sor.u32 s17, s16  }
0x40: {  	s13 =	sshll.u32 s31, $0x12;
	s14 =	sadd.s32 s30, s14;
	s16 =	sshrl.u32 s16, $0x3  }
0x41: {  	s13 =	sor.u32 $0x400, s13;
	s14 =	sadd.s32 s16, s14  }
0x42: {  	[hbm4b:s14+s13] =	stream.strided.scatter [tilespmem:s15], [sflag:$0x2], $0x4000, s9, s13, $0x20;
	[tilespmem:$0x10100] =	vst v63  }
.LBB1_8:
0x43: {  	_ =	sfence.sel $0x180000  }
0x44: {  	s2 =	simm.s32 $0x1;
	[bflag:$0x0] =	sbarrier.arrive $0xFFFF  }
0x45: {  	s31 =	simm.s32 $0x2;
	[sflag:s2] =	ssyncpa.u1 $0x1  }
0x46: {  	[sflag:s31] =	ssyncpa.u1 $0x1  }
0x47: {  	p0 =	sne.s32 s0, $0x0;
	_ =	strace $0x9000004A  }
0x48: {  	s0 =	sadd.s32 @!p0 $0x100000, s1;
	[bflag:$0x2] =	sbarrier.arrive $0xFFFF  }
0x49: {  	[sflag:s0] =	ssyncadd.tile.s32 @!p0 $0x1;
	_ =	shalt  }
.Lfunc_end1:
_tile_overlayer_lowered:
.L_overlay_start_2:
0x4a: {  	(tag) =	ssettag $0x2  }
0x4b: {  	s0 =	rddreg [dreg:$0x0];
	s2 =	stileid.u32  }
0x4c: {  	s1 =	rddreg [dreg:$0x1];
	p0 =	sne.s32 s2, $0x0  }
0x4d: {  	s3 =	rddreg [dreg:$0x2];
	[bflag:$0x3] =	sbarrier.arrive $0xFFFF;
	s2 =	simm.s32 @!p0 $0x1C01  }
0x4e: {  	[timem:s3], [sflag:s2] =	dma.local @!p0 [hbm:s0], s1  }
0x4f: {  	s0 =	simm.s32 @!p0 $0x1  }
0x50: {  	_ =	swait.ge @!p0 [sflag:s0], s1  }
0x51: {  	s1 =	ssub.s32 @!p0 $0x0, s1;
	[sflag:s0] =	ssyncset.done @!p0 $0x0  }
0x52: {  	[sflag:s0] =	ssyncadd.s32 @!p0 s1  }
0x53: {  	[bflag:$0x3] =	sbarrier.arrive $0xFFFF  }
0x54: {  	_ =	shalt  }

</sc_bundles>
